<compile_context>
chip_gen: v7x
topology: tpu7x:2x2x1
jax: 0.10.2.dev20260603
libtpu: 0.0.44.dev20260713+nightly
codegen_flags: <defaults>
</compile_context>

<pallas_src>
import functools

import jax
import jax.numpy as jnp
from jax import lax
from jax.experimental import pallas as pl
from jax.experimental.pallas import tpu as pltpu
from jax.experimental.pallas import tpu_sc as plsc

_N = 50000
_E = 800000
_OUT = 64
_OUTPUT_SIZE = 128
_ALPHA = 0.2

_L = 16
_NC = 2
_NS = 16
_NW = _NC * _NS

_NPAD = 50176
_NROWS = _NPAD // 128
_EW = 128
_EROWS = 6656
_EPAD = _EROWS * _EW
_TROWS = _EROWS // _NW
_BLKS = (56, 56, 56, 40)
_BLK = _BLKS[0]
_HALF = _BLK * _EW
_NSLICE = _NPAD // _NS

_mesh = plsc.VectorSubcoreMesh(core_axis_name="c", subcore_axis_name="s")


@functools.partial(
    pl.kernel,
    mesh=_mesh,
    compiler_params=pltpu.CompilerParams(needs_layout_passes=False),
    out_type=(
        jax.ShapeDtypeStruct((_NC * _NPAD,), jnp.float32),
        jax.ShapeDtypeStruct((_NC * _NPAD,), jnp.float32),
    ),
    scratch_types=[
        pltpu.VMEM((_NPAD,), jnp.float32),
        pltpu.VMEM((_BLK, _EW), jnp.int32),
        pltpu.VMEM((2 * _HALF,), jnp.int32),
        pltpu.VMEM((2 * _HALF,), jnp.float32),
        pltpu.VMEM((2 * _HALF,), jnp.float32),
        pltpu.VMEM((2 * _L,), jnp.float32),
        pltpu.VMEM((_NSLICE,), jnp.float32),
        pltpu.VMEM_SHARED((_NPAD,), jnp.float32),
        pltpu.VMEM_SHARED((_NPAD,), jnp.float32),
        pltpu.SemaphoreType.DMA,
    ],
)
def _sc_accumulate(x_hbm, pk_hbm, p_hbm, rs_out, s_out,
                   xv, pkbuf, ibuf, vbuf, svbuf, pv, zv, rs_sh, s_sh, sem):
    cid = lax.axis_index("c")
    sid = lax.axis_index("s")
    wid = cid * _NS + sid

    pltpu.sync_copy(x_hbm, xv)
    pltpu.sync_copy(p_hbm, pv)
    c1 = pv[pl.ds(0, _L)]
    c2 = pv[pl.ds(_L, _L)]

    def _zero(i, carry):
        zv[pl.ds(i * _L, _L)] = jnp.zeros((_L,), jnp.float32)
        return carry

    lax.fori_loop(0, _NSLICE // _L, _zero, 0)
    pltpu.sync_copy(zv, rs_sh.at[pl.ds(sid * _NSLICE, _NSLICE)])
    pltpu.sync_copy(zv, s_sh.at[pl.ds(sid * _NSLICE, _NSLICE)])
    plsc.subcore_barrier()

    base = wid * _TROWS
    blkoff = 0
    pending = []
    for b, nrows in enumerate(_BLKS):
        rowoff = base + blkoff
        flatoff = (b % 2) * _HALF
        nflat = nrows * _EW
        blkoff += nrows
        if b >= 2:
            po, pn = pending.pop(0)
            pltpu.make_async_copy(x_hbm.at[pl.ds(0, pn)],
                                  vbuf.at[pl.ds(po, pn)], sem).wait()
            pltpu.make_async_copy(x_hbm.at[pl.ds(0, pn)],
                                  svbuf.at[pl.ds(po, pn)], sem).wait()
        pltpu.sync_copy(pk_hbm.at[pl.ds(rowoff, nrows)], pkbuf.at[pl.ds(0, nrows)])

        def _row(j, carry, flatoff=flatoff):
            fb = flatoff + j * _EW
            for i in range(_EW // _L):
                pk = pkbuf[j, pl.ds(i * _L, _L)]
                r = jnp.bitwise_and(pk, jnp.int32(65535))
                c = jnp.bitwise_and(jnp.right_shift(pk, jnp.int32(16)),
                                    jnp.int32(65535))
                ibuf[pl.ds(fb + i * _L, _L)] = r
                xr = plsc.load_gather(xv, [r])
                xc = plsc.load_gather(xv, [c])
                e = c1 * xr + c2 * xc
                e = jnp.where(e >= 0.0, e, jnp.float32(_ALPHA) * e)
                v = jnp.exp(-e)
                vbuf[pl.ds(fb + i * _L, _L)] = v
                svbuf[pl.ds(fb + i * _L, _L)] = v * xc
            pltpu.async_copy(vbuf.at[pl.ds(fb, _EW)],
                             rs_sh.at[ibuf.at[pl.ds(fb, _EW)]], sem, add=True)
            pltpu.async_copy(svbuf.at[pl.ds(fb, _EW)],
                             s_sh.at[ibuf.at[pl.ds(fb, _EW)]], sem, add=True)
            return carry

        lax.fori_loop(0, nrows, _row, 0)
        pending.append((flatoff, nflat))

    for po, pn in pending:
        pltpu.make_async_copy(x_hbm.at[pl.ds(0, pn)],
                              vbuf.at[pl.ds(po, pn)], sem).wait()
        pltpu.make_async_copy(x_hbm.at[pl.ds(0, pn)],
                              svbuf.at[pl.ds(po, pn)], sem).wait()

    plsc.subcore_barrier()
    outoff = cid * _NPAD + sid * _NSLICE
    pltpu.sync_copy(rs_sh.at[pl.ds(sid * _NSLICE, _NSLICE)], zv)
    pltpu.sync_copy(zv, rs_out.at[pl.ds(outoff, _NSLICE)])
    pltpu.sync_copy(s_sh.at[pl.ds(sid * _NSLICE, _NSLICE)], zv)
    pltpu.sync_copy(zv, s_out.at[pl.ds(outoff, _NSLICE)])


def _tc_finish(rs_ref, s_ref, w_ref, lw_ref, lb_ref, o_ref):
    rs = rs_ref[0] + rs_ref[1]
    sv = s_ref[0] + s_ref[1]
    ratio = sv / (rs + jnp.float32(1e-16))
    gidx = (lax.broadcasted_iota(jnp.int32, (_NROWS, 128), 0) * 128
            + lax.broadcasted_iota(jnp.int32, (_NROWS, 128), 1))
    valid = gidx < _N
    big = jnp.float32(3.0e38)
    maxr = jnp.max(jnp.where(valid, ratio, -big))
    minr = jnp.min(jnp.where(valid, ratio, big))
    w = w_ref[...]
    pooled = w * jnp.where(w >= 0.0, maxr, minr)
    out = jnp.dot(pooled, lw_ref[...], preferred_element_type=jnp.float32)
    o_ref[...] = out + lb_ref[...]


def kernel(x, edge_index, W, a, lin_w, lin_b):
    xf = jnp.pad(x[:, 0], (0, _NPAD - _N))
    ei = edge_index.astype(jnp.int32)
    row = jnp.pad(ei[0], (0, _EPAD - _E), constant_values=_N)
    col = jnp.pad(ei[1], (0, _EPAD - _E), constant_values=_N)
    pk_u = row.astype(jnp.uint32) | (col.astype(jnp.uint32) << jnp.uint32(16))
    pk2 = lax.bitcast_convert_type(pk_u, jnp.int32).reshape(_EROWS, _EW)

    c1 = jnp.dot(W[0], a[0, :_OUT])
    c2 = jnp.dot(W[0], a[0, _OUT:])
    params = jnp.concatenate([jnp.full((_L,), c1), jnp.full((_L,), c2)])

    rs_part, s_part = _sc_accumulate(xf, pk2, params)

    out = pl.pallas_call(
        _tc_finish,
        out_shape=jax.ShapeDtypeStruct((1, _OUTPUT_SIZE), jnp.float32),
    )(rs_part.reshape(_NC, _NROWS, 128), s_part.reshape(_NC, _NROWS, 128),
      W, lin_w, lin_b.reshape(1, _OUTPUT_SIZE))
    return out

# --- scband reference (transcript-rebuilt; emitter-appended) ---
"""Pipeline reference for scband-gcn-sparse-32985348833728 (READ-ONLY COPY).

The authoritative reference and input builder live on the scoring server;
editing this copy changes nothing except your own understanding.
"""

import jax, jax.numpy as jnp
import numpy as np

N = 50000
E = 800000
IN_FEAT = 1
OUT = 64
OUTPUT_SIZE = 128
ALPHA = 0.2


def setup_inputs(seed: int = 0) -> dict:
    key = jax.random.key(seed)
    k1, k2, k3, k4, k5 = jax.random.split(key, 5)
    x = jax.random.normal(k1, (N, IN_FEAT), dtype=jnp.float32)
    edge_index = jax.random.randint(k2, (2, E), 0, N)
    # SpGraphAttentionLayer params (in=1, out=64)
    W = jax.random.normal(k3, (IN_FEAT, OUT), dtype=jnp.float32) * 0.1
    a = jax.random.normal(k4, (1, 2 * OUT), dtype=jnp.float32) * 0.1
    # final Linear(64, output_size)
    lin_w = jax.random.normal(k5, (OUT, OUTPUT_SIZE), dtype=jnp.float32) * 0.05
    lin_b = jnp.zeros((OUTPUT_SIZE,), dtype=jnp.float32)
    return {"x": x, "edge_index": edge_index, "W": W, "a": a, "lin_w": lin_w, "lin_b": lin_b}


def reference(x, edge_index, W, a, lin_w, lin_b):
    # --- SpGraphAttentionLayer (sparse GAT, concat=False), dropout = identity (eval) ---
    h = x @ W                                # [N, 64]
    row = edge_index[0]
    col = edge_index[1]
    edge_h = jnp.concatenate([h[row], h[col]], axis=1)          # [E, 128] (gather)
    e = edge_h @ a.T                                            # [E, 1]
    edge_e = jnp.exp(-jax.nn.leaky_relu(e[:, 0], ALPHA))        # [E]
    # e_rowsum = spmm(edge, edge_e, N, ones(N,1))
    e_rowsum = jnp.zeros((N, 1), dtype=h.dtype).at[row].add(edge_e[:, None])
    # h_prime = spmm(edge, edge_e, N, h)  (scatter-add of weighted neighbor feats)
    h_prime = jnp.zeros((N, OUT), dtype=h.dtype).at[row].add(edge_e[:, None] * h[col])
    h_prime = h_prime / (e_rowsum + 1e-16)
    # concat=False -> no ELU
    # --- dropout(0.6) in eval = identity ---
    # --- global_max_pool with batch = zeros -> max over all nodes, [1, 64] ---
    pooled = jnp.max(h_prime, axis=0, keepdims=True)
    out = pooled @ lin_w + lin_b                                # [1, output_size]
    return out

if __name__ == "__main__":
    import jax
    _d = setup_inputs()
    print(jax.jit(kernel)(*tuple(_d.values())))

</pallas_src>

<mosaic_0001>
#map = affine_map<(d0, d1) -> (0)>
#map1 = affine_map<(d0, d1) -> (0, 0)>
module attributes {stable_mosaic.version = 14 : i64} {
  func.func @_sc_accumulate(%arg0: i32, %arg1: i32, %arg2: memref<50176xf32, #tpu.memory_space<hbm>>, %arg3: memref<6656x128xi32, #tpu.memory_space<hbm>>, %arg4: memref<32xf32, #tpu.memory_space<hbm>>, %arg5: memref<100352xf32, #tpu.memory_space<hbm>>, %arg6: memref<100352xf32, #tpu.memory_space<hbm>>, %arg7: memref<50176xf32, #tpu.memory_space<vmem>>, %arg8: memref<56x128xi32, #tpu.memory_space<vmem>>, %arg9: memref<14336xi32, #tpu.memory_space<vmem>>, %arg10: memref<14336xf32, #tpu.memory_space<vmem>>, %arg11: memref<14336xf32, #tpu.memory_space<vmem>>, %arg12: memref<32xf32, #tpu.memory_space<vmem>>, %arg13: memref<3136xf32, #tpu.memory_space<vmem>>, %arg14: memref<50176xf32, #tpu.memory_space<vmem_shared>>, %arg15: memref<50176xf32, #tpu.memory_space<vmem_shared>>, %arg16: memref<!tpu.dma_semaphore, #tpu.memory_space<semaphore_mem>>) attributes {dimension_semantics = [#tpu.dimension_semantics<core_parallel>, #tpu.dimension_semantics<subcore_parallel>], iteration_bounds = array<i64: 2, 16>, scalar_prefetch = 0 : i64, scratch_operands = 10 : i64, tpu.core_type = #tpu.core_type<sc_vector_subcore>, window_params = [{transform_indices = #map}, {transform_indices = #map1}, {transform_indices = #map}, {transform_indices = #map}, {transform_indices = #map}]} {
    %mul3A = arith.constant 16 : i32
    %mul3A_0 = arith.muli %arg0, %mul3A : i32
    %add3A = arith.addi %mul3A_0, %arg1 : i32
    "tpu.region"() ({
      %run_scoped3A = tpu.sem_alloc : memref<!tpu.dma_semaphore, #tpu.memory_space<semaphore_mem>>
      tpu.enqueue_dma source(%arg2 : memref<50176xf32, #tpu.memory_space<hbm>>) target(%arg7 : memref<50176xf32, #tpu.memory_space<vmem>>) target_semaphore(%run_scoped3A : memref<!tpu.dma_semaphore, #tpu.memory_space<semaphore_mem>>)
      tpu.wait_dma2 semaphore(%run_scoped3A : memref<!tpu.dma_semaphore, #tpu.memory_space<semaphore_mem>>) src(%arg2 : memref<50176xf32, #tpu.memory_space<hbm>>) dst(%arg7 : memref<50176xf32, #tpu.memory_space<vmem>>)
      tpu.yield
    }) : () -> ()
    "tpu.region"() ({
      %run_scoped3A = tpu.sem_alloc : memref<!tpu.dma_semaphore, #tpu.memory_space<semaphore_mem>>
      tpu.enqueue_dma source(%arg4 : memref<32xf32, #tpu.memory_space<hbm>>) target(%arg12 : memref<32xf32, #tpu.memory_space<vmem>>) target_semaphore(%run_scoped3A : memref<!tpu.dma_semaphore, #tpu.memory_space<semaphore_mem>>)
      tpu.wait_dma2 semaphore(%run_scoped3A : memref<!tpu.dma_semaphore, #tpu.memory_space<semaphore_mem>>) src(%arg4 : memref<32xf32, #tpu.memory_space<hbm>>) dst(%arg12 : memref<32xf32, #tpu.memory_space<vmem>>)
      tpu.yield
    }) : () -> ()
    %get3A = arith.constant 0 : index
    %get3A_1 = tpu.vector_load %arg12[%get3A] {strides = array<i32>} : memref<32xf32, #tpu.memory_space<vmem>>, vector<16xf32>,
    %get3A_2 = arith.constant 16 : index
    %get3A_3 = tpu.vector_load %arg12[%get3A_2] {strides = array<i32>} : memref<32xf32, #tpu.memory_space<vmem>>, vector<16xf32>,
    %scan3A = arith.constant 0 : i32
    %scan3A_4 = arith.constant 0 : i32
    %scan3A_5 = arith.constant 196 : i32
    %scan3A_6 = arith.addi %scan3A_4, %scan3A_5 : i32
    %scan3A_7 = arith.constant 1 : i32
    scf.for %scan3A_120 = %scan3A_4 to %scan3A_6 step %scan3A_7  : i32 {
      %broadcast_in_dim3A = arith.constant 0.000000e+00 : f32
      %broadcast_in_dim3A_121 = vector.broadcast %broadcast_in_dim3A : f32 to vector<16xf32>
      %mul3A_122 = arith.constant 16 : i32
      %mul3A_123 = arith.muli %scan3A_120, %mul3A_122 : i32
      %swap3A = arith.index_cast %mul3A_123 : i32 to index
      %swap3A_124 = tpu.vector_load %arg13[%swap3A] {strides = array<i32>} : memref<3136xf32, #tpu.memory_space<vmem>>, vector<16xf32>,
      tpu.vector_store %arg13[%swap3A], %broadcast_in_dim3A_121 {strides = array<i32>} : memref<3136xf32, #tpu.memory_space<vmem>>, vector<16xf32>,
    }
    %scan3A_8 = arith.constant 196 : i32
    %mul3A_9 = arith.constant 3136 : i32
    %mul3A_10 = arith.muli %arg1, %mul3A_9 : i32
    "tpu.region"() ({
      %run_scoped3A = tpu.sem_alloc : memref<!tpu.dma_semaphore, #tpu.memory_space<semaphore_mem>>
      %dma_start3A = tpu.memref_slice %arg14[%mul3A_10] : memref<50176xf32, #tpu.memory_space<vmem_shared>> -> memref<3136xf32, #tpu.memory_space<vmem_shared>>
      %dma_start3A_120 = tpu.memref_slice %arg14[%mul3A_10] : memref<50176xf32, #tpu.memory_space<vmem_shared>> -> memref<3136xf32, #tpu.memory_space<vmem_shared>>
      tpu.enqueue_dma source(%arg13 : memref<3136xf32, #tpu.memory_space<vmem>>) target(%dma_start3A_120 : memref<3136xf32, #tpu.memory_space<vmem_shared>>) target_semaphore(%run_scoped3A : memref<!tpu.dma_semaphore, #tpu.memory_space<semaphore_mem>>)
      %dma_wait3A_121 = tpu.memref_slice %arg14[%mul3A_10] : memref<50176xf32, #tpu.memory_space<vmem_shared>> -> memref<3136xf32, #tpu.memory_space<vmem_shared>>
      %dma_wait3A_122 = tpu.memref_slice %arg14[%mul3A_10] : memref<50176xf32, #tpu.memory_space<vmem_shared>> -> memref<3136xf32, #tpu.memory_space<vmem_shared>>
      tpu.wait_dma2 semaphore(%run_scoped3A : memref<!tpu.dma_semaphore, #tpu.memory_space<semaphore_mem>>) src(%arg13 : memref<3136xf32, #tpu.memory_space<vmem>>) dst(%dma_wait3A_122 : memref<3136xf32, #tpu.memory_space<vmem_shared>>)
      tpu.yield
    }) : () -> ()
    %mul3A_11 = arith.constant 3136 : i32
    %mul3A_12 = arith.muli %arg1, %mul3A_11 : i32
    "tpu.region"() ({
      %run_scoped3A = tpu.sem_alloc : memref<!tpu.dma_semaphore, #tpu.memory_space<semaphore_mem>>
      %dma_start3A = tpu.memref_slice %arg15[%mul3A_12] : memref<50176xf32, #tpu.memory_space<vmem_shared>> -> memref<3136xf32, #tpu.memory_space<vmem_shared>>
      %dma_start3A_120 = tpu.memref_slice %arg15[%mul3A_12] : memref<50176xf32, #tpu.memory_space<vmem_shared>> -> memref<3136xf32, #tpu.memory_space<vmem_shared>>
      tpu.enqueue_dma source(%arg13 : memref<3136xf32, #tpu.memory_space<vmem>>) target(%dma_start3A_120 : memref<3136xf32, #tpu.memory_space<vmem_shared>>) target_semaphore(%run_scoped3A : memref<!tpu.dma_semaphore, #tpu.memory_space<semaphore_mem>>)
      %dma_wait3A_121 = tpu.memref_slice %arg15[%mul3A_12] : memref<50176xf32, #tpu.memory_space<vmem_shared>> -> memref<3136xf32, #tpu.memory_space<vmem_shared>>
      %dma_wait3A_122 = tpu.memref_slice %arg15[%mul3A_12] : memref<50176xf32, #tpu.memory_space<vmem_shared>> -> memref<3136xf32, #tpu.memory_space<vmem_shared>>
      tpu.wait_dma2 semaphore(%run_scoped3A : memref<!tpu.dma_semaphore, #tpu.memory_space<semaphore_mem>>) src(%arg13 : memref<3136xf32, #tpu.memory_space<vmem>>) dst(%dma_wait3A_122 : memref<3136xf32, #tpu.memory_space<vmem_shared>>)
      tpu.yield
    }) : () -> ()
    %barrier3A = arith.constant 0 : index
    tpu.barrier barrier_id(%barrier3A)
    %mul3A_13 = arith.constant 208 : i32
    %mul3A_14 = arith.muli %add3A, %mul3A_13 : i32
    %add3A_15 = arith.constant 0 : i32
    %add3A_16 = arith.addi %mul3A_14, %add3A_15 : i32
    "tpu.region"() ({
      %run_scoped3A = tpu.sem_alloc : memref<!tpu.dma_semaphore, #tpu.memory_space<semaphore_mem>>
      %dma_start3A = arith.constant 0 : i32
      %dma_start3A_120 = arith.constant 0 : i32
      %dma_start3A_121 = tpu.memref_slice %arg8[%dma_start3A, %dma_start3A_120] : memref<56x128xi32, #tpu.memory_space<vmem>> -> memref<56x128xi32, #tpu.memory_space<vmem>>
      %dma_start3A_122 = arith.constant 0 : i32
      %dma_start3A_123 = tpu.memref_slice %arg3[%add3A_16, %dma_start3A_122] : memref<6656x128xi32, #tpu.memory_space<hbm>> -> memref<56x128xi32, #tpu.memory_space<hbm>>
      %dma_start3A_124 = arith.constant 0 : i32
      %dma_start3A_125 = arith.constant 0 : i32
      %dma_start3A_126 = tpu.memref_slice %arg8[%dma_start3A_124, %dma_start3A_125] : memref<56x128xi32, #tpu.memory_space<vmem>> -> memref<56x128xi32, #tpu.memory_space<vmem>>
      %dma_start3A_127 = arith.constant 0 : i32
      %dma_start3A_128 = tpu.memref_slice %arg3[%add3A_16, %dma_start3A_127] : memref<6656x128xi32, #tpu.memory_space<hbm>> -> memref<56x128xi32, #tpu.memory_space<hbm>>
      tpu.enqueue_dma source(%dma_start3A_128 : memref<56x128xi32, #tpu.memory_space<hbm>>) target(%dma_start3A_126 : memref<56x128xi32, #tpu.memory_space<vmem>>) target_semaphore(%run_scoped3A : memref<!tpu.dma_semaphore, #tpu.memory_space<semaphore_mem>>)
      %dma_wait3A_129 = arith.constant 0 : i32
      %dma_wait3A_130 = arith.constant 0 : i32
      %dma_wait3A_131 = tpu.memref_slice %arg8[%dma_wait3A_129, %dma_wait3A_130] : memref<56x128xi32, #tpu.memory_space<vmem>> -> memref<56x128xi32, #tpu.memory_space<vmem>>
      %dma_wait3A_132 = arith.constant 0 : i32
      %dma_wait3A_133 = tpu.memref_slice %arg3[%add3A_16, %dma_wait3A_132] : memref<6656x128xi32, #tpu.memory_space<hbm>> -> memref<56x128xi32, #tpu.memory_space<hbm>>
      %dma_wait3A_134 = arith.constant 0 : i32
      %dma_wait3A_135 = arith.constant 0 : i32
      %dma_wait3A_136 = tpu.memref_slice %arg8[%dma_wait3A_134, %dma_wait3A_135] : memref<56x128xi32, #tpu.memory_space<vmem>> -> memref<56x128xi32, #tpu.memory_space<vmem>>
      %dma_wait3A_137 = arith.constant 0 : i32
      %dma_wait3A_138 = tpu.memref_slice %arg3[%add3A_16, %dma_wait3A_137] : memref<6656x128xi32, #tpu.memory_space<hbm>> -> memref<56x128xi32, #tpu.memory_space<hbm>>
      tpu.wait_dma2 semaphore(%run_scoped3A : memref<!tpu.dma_semaphore, #tpu.memory_space<semaphore_mem>>) src(%dma_wait3A_138 : memref<56x128xi32, #tpu.memory_space<hbm>>) dst(%dma_wait3A_136 : memref<56x128xi32, #tpu.memory_space<vmem>>)
      tpu.yield
    }) : () -> ()
    %scan3A_17 = arith.constant 0 : i32
    %scan3A_18 = arith.constant 0 : i32
    %scan3A_19 = arith.constant 56 : i32
    %scan3A_20 = arith.addi %scan3A_18, %scan3A_19 : i32
    %scan3A_21 = arith.constant 1 : i32
    scf.for %scan3A_120 = %scan3A_18 to %scan3A_20 step %scan3A_21  : i32 {
      %mul3A_121 = arith.constant 128 : i32
      %mul3A_122 = arith.muli %scan3A_120, %mul3A_121 : i32
      %add3A_123 = arith.constant 0 : i32
      %add3A_124 = arith.addi %add3A_123, %mul3A_122 : i32
      %get3A_125 = arith.index_cast %scan3A_120 : i32 to index
      %get3A_126 = arith.constant 0 : index
      %get3A_127 = tpu.vector_load %arg8[%get3A_125, %get3A_126] {strides = array<i32>} : memref<56x128xi32, #tpu.memory_space<vmem>>, vector<16xi32>,
      %and3A = arith.constant 65535 : i32
      %and3A_128 = vector.broadcast %and3A : i32 to vector<16xi32>
      %and3A_129 = arith.andi %get3A_127, %and3A_128 : vector<16xi32>
      %shift_right_arithmetic3A = arith.constant 16 : i32
      %shift_right_arithmetic3A_130 = vector.broadcast %shift_right_arithmetic3A : i32 to vector<16xi32>
      %shift_right_arithmetic3A_131 = arith.shrsi %get3A_127, %shift_right_arithmetic3A_130 : vector<16xi32>
      %and3A_132 = arith.constant 65535 : i32
      %and3A_133 = vector.broadcast %and3A_132 : i32 to vector<16xi32>
      %and3A_134 = arith.andi %shift_right_arithmetic3A_131, %and3A_133 : vector<16xi32>
      %add3A_135 = arith.constant 0 : i32
      %add3A_136 = arith.addi %add3A_124, %add3A_135 : i32
      %swap3A = arith.index_cast %add3A_136 : i32 to index
      %swap3A_137 = tpu.vector_load %arg9[%swap3A] {strides = array<i32>} : memref<14336xi32, #tpu.memory_space<vmem>>, vector<16xi32>,
      tpu.vector_store %arg9[%swap3A], %and3A_129 {strides = array<i32>} : memref<14336xi32, #tpu.memory_space<vmem>>, vector<16xi32>,
      %gather3A = tpu.vector_load_idx %arg7[%and3A_129] : memref<50176xf32, #tpu.memory_space<vmem>>[vector<16xi32>], vector<16xf32>,
      %gather3A_138 = tpu.vector_load_idx %arg7[%and3A_134] : memref<50176xf32, #tpu.memory_space<vmem>>[vector<16xi32>], vector<16xf32>,
      %mul3A_139 = arith.mulf %get3A_1, %gather3A : vector<16xf32>
      %mul3A_140 = arith.mulf %get3A_3, %gather3A_138 : vector<16xf32>
      %add3A_141 = arith.addf %mul3A_139, %mul3A_140 : vector<16xf32>
      %ge3A = arith.constant 0.000000e+00 : f32
      %ge3A_142 = vector.broadcast %ge3A : f32 to vector<16xf32>
      %ge3A_143 = arith.cmpf oge, %add3A_141, %ge3A_142 : vector<16xf32>
      %mul3A_144 = arith.constant 2.000000e-01 : f32
      %mul3A_145 = vector.broadcast %mul3A_144 : f32 to vector<16xf32>
      %mul3A_146 = arith.mulf %mul3A_145, %add3A_141 : vector<16xf32>
      %select_n3A = arith.select %ge3A_143, %add3A_141, %mul3A_146 : vector<16xi1>, vector<16xf32>
      %neg3A = arith.constant 0.000000e+00 : f32
      %neg3A_147 = vector.broadcast %neg3A : f32 to vector<16xf32>
      %neg3A_148 = arith.subf %neg3A_147, %select_n3A : vector<16xf32>
      %exp3A = math.exp %neg3A_148 : vector<16xf32>
      %add3A_149 = arith.constant 0 : i32
      %add3A_150 = arith.addi %add3A_124, %add3A_149 : i32
      %swap3A_151 = arith.index_cast %add3A_150 : i32 to index
      %swap3A_152 = tpu.vector_load %arg10[%swap3A_151] {strides = array<i32>} : memref<14336xf32, #tpu.memory_space<vmem>>, vector<16xf32>,
      tpu.vector_store %arg10[%swap3A_151], %exp3A {strides = array<i32>} : memref<14336xf32, #tpu.memory_space<vmem>>, vector<16xf32>,
      %mul3A_153 = arith.mulf %exp3A, %gather3A_138 : vector<16xf32>
      %add3A_154 = arith.constant 0 : i32
      %add3A_155 = arith.addi %add3A_124, %add3A_154 : i32
      %swap3A_156 = arith.index_cast %add3A_155 : i32 to index
      %swap3A_157 = tpu.vector_load %arg11[%swap3A_156] {strides = array<i32>} : memref<14336xf32, #tpu.memory_space<vmem>>, vector<16xf32>,
      tpu.vector_store %arg11[%swap3A_156], %mul3A_153 {strides = array<i32>} : memref<14336xf32, #tpu.memory_space<vmem>>, vector<16xf32>,
      %get3A_158 = arith.index_cast %scan3A_120 : i32 to index
      %get3A_159 = arith.constant 16 : index
      %get3A_160 = tpu.vector_load %arg8[%get3A_158, %get3A_159] {strides = array<i32>} : memref<56x128xi32, #tpu.memory_space<vmem>>, vector<16xi32>,
      %and3A_161 = arith.constant 65535 : i32
      %and3A_162 = vector.broadcast %and3A_161 : i32 to vector<16xi32>
      %and3A_163 = arith.andi %get3A_160, %and3A_162 : vector<16xi32>
      %shift_right_arithmetic3A_164 = arith.constant 16 : i32
      %shift_right_arithmetic3A_165 = vector.broadcast %shift_right_arithmetic3A_164 : i32 to vector<16xi32>
      %shift_right_arithmetic3A_166 = arith.shrsi %get3A_160, %shift_right_arithmetic3A_165 : vector<16xi32>
      %and3A_167 = arith.constant 65535 : i32
      %and3A_168 = vector.broadcast %and3A_167 : i32 to vector<16xi32>
      %and3A_169 = arith.andi %shift_right_arithmetic3A_166, %and3A_168 : vector<16xi32>
      %add3A_170 = arith.constant 16 : i32
      %add3A_171 = arith.addi %add3A_124, %add3A_170 : i32
      %swap3A_172 = arith.index_cast %add3A_171 : i32 to index
      %swap3A_173 = tpu.vector_load %arg9[%swap3A_172] {strides = array<i32>} : memref<14336xi32, #tpu.memory_space<vmem>>, vector<16xi32>,
      tpu.vector_store %arg9[%swap3A_172], %and3A_163 {strides = array<i32>} : memref<14336xi32, #tpu.memory_space<vmem>>, vector<16xi32>,
      %gather3A_174 = tpu.vector_load_idx %arg7[%and3A_163] : memref<50176xf32, #tpu.memory_space<vmem>>[vector<16xi32>], vector<16xf32>,
      %gather3A_175 = tpu.vector_load_idx %arg7[%and3A_169] : memref<50176xf32, #tpu.memory_space<vmem>>[vector<16xi32>], vector<16xf32>,
      %mul3A_176 = arith.mulf %get3A_1, %gather3A_174 : vector<16xf32>
      %mul3A_177 = arith.mulf %get3A_3, %gather3A_175 : vector<16xf32>
      %add3A_178 = arith.addf %mul3A_176, %mul3A_177 : vector<16xf32>
      %ge3A_179 = arith.constant 0.000000e+00 : f32
      %ge3A_180 = vector.broadcast %ge3A_179 : f32 to vector<16xf32>
      %ge3A_181 = arith.cmpf oge, %add3A_178, %ge3A_180 : vector<16xf32>
      %mul3A_182 = arith.constant 2.000000e-01 : f32
      %mul3A_183 = vector.broadcast %mul3A_182 : f32 to vector<16xf32>
      %mul3A_184 = arith.mulf %mul3A_183, %add3A_178 : vector<16xf32>
      %select_n3A_185 = arith.select %ge3A_181, %add3A_178, %mul3A_184 : vector<16xi1>, vector<16xf32>
      %neg3A_186 = arith.constant 0.000000e+00 : f32
      %neg3A_187 = vector.broadcast %neg3A_186 : f32 to vector<16xf32>
      %neg3A_188 = arith.subf %neg3A_187, %select_n3A_185 : vector<16xf32>
      %exp3A_189 = math.exp %neg3A_188 : vector<16xf32>
      %add3A_190 = arith.constant 16 : i32
      %add3A_191 = arith.addi %add3A_124, %add3A_190 : i32
      %swap3A_192 = arith.index_cast %add3A_191 : i32 to index
      %swap3A_193 = tpu.vector_load %arg10[%swap3A_192] {strides = array<i32>} : memref<14336xf32, #tpu.memory_space<vmem>>, vector<16xf32>,
      tpu.vector_store %arg10[%swap3A_192], %exp3A_189 {strides = array<i32>} : memref<14336xf32, #tpu.memory_space<vmem>>, vector<16xf32>,
      %mul3A_194 = arith.mulf %exp3A_189, %gather3A_175 : vector<16xf32>
      %add3A_195 = arith.constant 16 : i32
      %add3A_196 = arith.addi %add3A_124, %add3A_195 : i32
      %swap3A_197 = arith.index_cast %add3A_196 : i32 to index
      %swap3A_198 = tpu.vector_load %arg11[%swap3A_197] {strides = array<i32>} : memref<14336xf32, #tpu.memory_space<vmem>>, vector<16xf32>,
      tpu.vector_store %arg11[%swap3A_197], %mul3A_194 {strides = array<i32>} : memref<14336xf32, #tpu.memory_space<vmem>>, vector<16xf32>,
      %get3A_199 = arith.index_cast %scan3A_120 : i32 to index
      %get3A_200 = arith.constant 32 : index
      %get3A_201 = tpu.vector_load %arg8[%get3A_199, %get3A_200] {strides = array<i32>} : memref<56x128xi32, #tpu.memory_space<vmem>>, vector<16xi32>,
      %and3A_202 = arith.constant 65535 : i32
      %and3A_203 = vector.broadcast %and3A_202 : i32 to vector<16xi32>
      %and3A_204 = arith.andi %get3A_201, %and3A_203 : vector<16xi32>
      %shift_right_arithmetic3A_205 = arith.constant 16 : i32
      %shift_right_arithmetic3A_206 = vector.broadcast %shift_right_arithmetic3A_205 : i32 to vector<16xi32>
      %shift_right_arithmetic3A_207 = arith.shrsi %get3A_201, %shift_right_arithmetic3A_206 : vector<16xi32>
      %and3A_208 = arith.constant 65535 : i32
      %and3A_209 = vector.broadcast %and3A_208 : i32 to vector<16xi32>
      %and3A_210 = arith.andi %shift_right_arithmetic3A_207, %and3A_209 : vector<16xi32>
      %add3A_211 = arith.constant 32 : i32
      %add3A_212 = arith.addi %add3A_124, %add3A_211 : i32
      %swap3A_213 = arith.index_cast %add3A_212 : i32 to index
      %swap3A_214 = tpu.vector_load %arg9[%swap3A_213] {strides = array<i32>} : memref<14336xi32, #tpu.memory_space<vmem>>, vector<16xi32>,
      tpu.vector_store %arg9[%swap3A_213], %and3A_204 {strides = array<i32>} : memref<14336xi32, #tpu.memory_space<vmem>>, vector<16xi32>,
      %gather3A_215 = tpu.vector_load_idx %arg7[%and3A_204] : memref<50176xf32, #tpu.memory_space<vmem>>[vector<16xi32>], vector<16xf32>,
      %gather3A_216 = tpu.vector_load_idx %arg7[%and3A_210] : memref<50176xf32, #tpu.memory_space<vmem>>[vector<16xi32>], vector<16xf32>,
      %mul3A_217 = arith.mulf %get3A_1, %gather3A_215 : vector<16xf32>
      %mul3A_218 = arith.mulf %get3A_3, %gather3A_216 : vector<16xf32>
      %add3A_219 = arith.addf %mul3A_217, %mul3A_218 : vector<16xf32>
      %ge3A_220 = arith.constant 0.000000e+00 : f32
      %ge3A_221 = vector.broadcast %ge3A_220 : f32 to vector<16xf32>
      %ge3A_222 = arith.cmpf oge, %add3A_219, %ge3A_221 : vector<16xf32>
      %mul3A_223 = arith.constant 2.000000e-01 : f32
      %mul3A_224 = vector.broadcast %mul3A_223 : f32 to vector<16xf32>
      %mul3A_225 = arith.mulf %mul3A_224, %add3A_219 : vector<16xf32>
      %select_n3A_226 = arith.select %ge3A_222, %add3A_219, %mul3A_225 : vector<16xi1>, vector<16xf32>
      %neg3A_227 = arith.constant 0.000000e+00 : f32
      %neg3A_228 = vector.broadcast %neg3A_227 : f32 to vector<16xf32>
      %neg3A_229 = arith.subf %neg3A_228, %select_n3A_226 : vector<16xf32>
      %exp3A_230 = math.exp %neg3A_229 : vector<16xf32>
      %add3A_231 = arith.constant 32 : i32
      %add3A_232 = arith.addi %add3A_124, %add3A_231 : i32
      %swap3A_233 = arith.index_cast %add3A_232 : i32 to index
      %swap3A_234 = tpu.vector_load %arg10[%swap3A_233] {strides = array<i32>} : memref<14336xf32, #tpu.memory_space<vmem>>, vector<16xf32>,
      tpu.vector_store %arg10[%swap3A_233], %exp3A_230 {strides = array<i32>} : memref<14336xf32, #tpu.memory_space<vmem>>, vector<16xf32>,
      %mul3A_235 = arith.mulf %exp3A_230, %gather3A_216 : vector<16xf32>
      %add3A_236 = arith.constant 32 : i32
      %add3A_237 = arith.addi %add3A_124, %add3A_236 : i32
      %swap3A_238 = arith.index_cast %add3A_237 : i32 to index
      %swap3A_239 = tpu.vector_load %arg11[%swap3A_238] {strides = array<i32>} : memref<14336xf32, #tpu.memory_space<vmem>>, vector<16xf32>,
      tpu.vector_store %arg11[%swap3A_238], %mul3A_235 {strides = array<i32>} : memref<14336xf32, #tpu.memory_space<vmem>>, vector<16xf32>,
      %get3A_240 = arith.index_cast %scan3A_120 : i32 to index
      %get3A_241 = arith.constant 48 : index
      %get3A_242 = tpu.vector_load %arg8[%get3A_240, %get3A_241] {strides = array<i32>} : memref<56x128xi32, #tpu.memory_space<vmem>>, vector<16xi32>,
      %and3A_243 = arith.constant 65535 : i32
      %and3A_244 = vector.broadcast %and3A_243 : i32 to vector<16xi32>
      %and3A_245 = arith.andi %get3A_242, %and3A_244 : vector<16xi32>
      %shift_right_arithmetic3A_246 = arith.constant 16 : i32
      %shift_right_arithmetic3A_247 = vector.broadcast %shift_right_arithmetic3A_246 : i32 to vector<16xi32>
      %shift_right_arithmetic3A_248 = arith.shrsi %get3A_242, %shift_right_arithmetic3A_247 : vector<16xi32>
      %and3A_249 = arith.constant 65535 : i32
      %and3A_250 = vector.broadcast %and3A_249 : i32 to vector<16xi32>
      %and3A_251 = arith.andi %shift_right_arithmetic3A_248, %and3A_250 : vector<16xi32>
      %add3A_252 = arith.constant 48 : i32
      %add3A_253 = arith.addi %add3A_124, %add3A_252 : i32
      %swap3A_254 = arith.index_cast %add3A_253 : i32 to index
      %swap3A_255 = tpu.vector_load %arg9[%swap3A_254] {strides = array<i32>} : memref<14336xi32, #tpu.memory_space<vmem>>, vector<16xi32>,
      tpu.vector_store %arg9[%swap3A_254], %and3A_245 {strides = array<i32>} : memref<14336xi32, #tpu.memory_space<vmem>>, vector<16xi32>,
      %gather3A_256 = tpu.vector_load_idx %arg7[%and3A_245] : memref<50176xf32, #tpu.memory_space<vmem>>[vector<16xi32>], vector<16xf32>,
      %gather3A_257 = tpu.vector_load_idx %arg7[%and3A_251] : memref<50176xf32, #tpu.memory_space<vmem>>[vector<16xi32>], vector<16xf32>,
      %mul3A_258 = arith.mulf %get3A_1, %gather3A_256 : vector<16xf32>
      %mul3A_259 = arith.mulf %get3A_3, %gather3A_257 : vector<16xf32>
      %add3A_260 = arith.addf %mul3A_258, %mul3A_259 : vector<16xf32>
      %ge3A_261 = arith.constant 0.000000e+00 : f32
      %ge3A_262 = vector.broadcast %ge3A_261 : f32 to vector<16xf32>
      %ge3A_263 = arith.cmpf oge, %add3A_260, %ge3A_262 : vector<16xf32>
      %mul3A_264 = arith.constant 2.000000e-01 : f32
      %mul3A_265 = vector.broadcast %mul3A_264 : f32 to vector<16xf32>
      %mul3A_266 = arith.mulf %mul3A_265, %add3A_260 : vector<16xf32>
      %select_n3A_267 = arith.select %ge3A_263, %add3A_260, %mul3A_266 : vector<16xi1>, vector<16xf32>
      %neg3A_268 = arith.constant 0.000000e+00 : f32
      %neg3A_269 = vector.broadcast %neg3A_268 : f32 to vector<16xf32>
      %neg3A_270 = arith.subf %neg3A_269, %select_n3A_267 : vector<16xf32>
      %exp3A_271 = math.exp %neg3A_270 : vector<16xf32>
      %add3A_272 = arith.constant 48 : i32
      %add3A_273 = arith.addi %add3A_124, %add3A_272 : i32
      %swap3A_274 = arith.index_cast %add3A_273 : i32 to index
      %swap3A_275 = tpu.vector_load %arg10[%swap3A_274] {strides = array<i32>} : memref<14336xf32, #tpu.memory_space<vmem>>, vector<16xf32>,
      tpu.vector_store %arg10[%swap3A_274], %exp3A_271 {strides = array<i32>} : memref<14336xf32, #tpu.memory_space<vmem>>, vector<16xf32>,
      %mul3A_276 = arith.mulf %exp3A_271, %gather3A_257 : vector<16xf32>
      %add3A_277 = arith.constant 48 : i32
      %add3A_278 = arith.addi %add3A_124, %add3A_277 : i32
      %swap3A_279 = arith.index_cast %add3A_278 : i32 to index
      %swap3A_280 = tpu.vector_load %arg11[%swap3A_279] {strides = array<i32>} : memref<14336xf32, #tpu.memory_space<vmem>>, vector<16xf32>,
      tpu.vector_store %arg11[%swap3A_279], %mul3A_276 {strides = array<i32>} : memref<14336xf32, #tpu.memory_space<vmem>>, vector<16xf32>,
      %get3A_281 = arith.index_cast %scan3A_120 : i32 to index
      %get3A_282 = arith.constant 64 : index
      %get3A_283 = tpu.vector_load %arg8[%get3A_281, %get3A_282] {strides = array<i32>} : memref<56x128xi32, #tpu.memory_space<vmem>>, vector<16xi32>,
      %and3A_284 = arith.constant 65535 : i32
      %and3A_285 = vector.broadcast %and3A_284 : i32 to vector<16xi32>
      %and3A_286 = arith.andi %get3A_283, %and3A_285 : vector<16xi32>
      %shift_right_arithmetic3A_287 = arith.constant 16 : i32
      %shift_right_arithmetic3A_288 = vector.broadcast %shift_right_arithmetic3A_287 : i32 to vector<16xi32>
      %shift_right_arithmetic3A_289 = arith.shrsi %get3A_283, %shift_right_arithmetic3A_288 : vector<16xi32>
      %and3A_290 = arith.constant 65535 : i32
      %and3A_291 = vector.broadcast %and3A_290 : i32 to vector<16xi32>
      %and3A_292 = arith.andi %shift_right_arithmetic3A_289, %and3A_291 : vector<16xi32>
      %add3A_293 = arith.constant 64 : i32
      %add3A_294 = arith.addi %add3A_124, %add3A_293 : i32
      %swap3A_295 = arith.index_cast %add3A_294 : i32 to index
      %swap3A_296 = tpu.vector_load %arg9[%swap3A_295] {strides = array<i32>} : memref<14336xi32, #tpu.memory_space<vmem>>, vector<16xi32>,
      tpu.vector_store %arg9[%swap3A_295], %and3A_286 {strides = array<i32>} : memref<14336xi32, #tpu.memory_space<vmem>>, vector<16xi32>,
      %gather3A_297 = tpu.vector_load_idx %arg7[%and3A_286] : memref<50176xf32, #tpu.memory_space<vmem>>[vector<16xi32>], vector<16xf32>,
      %gather3A_298 = tpu.vector_load_idx %arg7[%and3A_292] : memref<50176xf32, #tpu.memory_space<vmem>>[vector<16xi32>], vector<16xf32>,
      %mul3A_299 = arith.mulf %get3A_1, %gather3A_297 : vector<16xf32>
      %mul3A_300 = arith.mulf %get3A_3, %gather3A_298 : vector<16xf32>
      %add3A_301 = arith.addf %mul3A_299, %mul3A_300 : vector<16xf32>
      %ge3A_302 = arith.constant 0.000000e+00 : f32
      %ge3A_303 = vector.broadcast %ge3A_302 : f32 to vector<16xf32>
      %ge3A_304 = arith.cmpf oge, %add3A_301, %ge3A_303 : vector<16xf32>
      %mul3A_305 = arith.constant 2.000000e-01 : f32
      %mul3A_306 = vector.broadcast %mul3A_305 : f32 to vector<16xf32>
      %mul3A_307 = arith.mulf %mul3A_306, %add3A_301 : vector<16xf32>
      %select_n3A_308 = arith.select %ge3A_304, %add3A_301, %mul3A_307 : vector<16xi1>, vector<16xf32>
      %neg3A_309 = arith.constant 0.000000e+00 : f32
      %neg3A_310 = vector.broadcast %neg3A_309 : f32 to vector<16xf32>
      %neg3A_311 = arith.subf %neg3A_310, %select_n3A_308 : vector<16xf32>
      %exp3A_312 = math.exp %neg3A_311 : vector<16xf32>
      %add3A_313 = arith.constant 64 : i32
      %add3A_314 = arith.addi %add3A_124, %add3A_313 : i32
      %swap3A_315 = arith.index_cast %add3A_314 : i32 to index
      %swap3A_316 = tpu.vector_load %arg10[%swap3A_315] {strides = array<i32>} : memref<14336xf32, #tpu.memory_space<vmem>>, vector<16xf32>,
      tpu.vector_store %arg10[%swap3A_315], %exp3A_312 {strides = array<i32>} : memref<14336xf32, #tpu.memory_space<vmem>>, vector<16xf32>,
      %mul3A_317 = arith.mulf %exp3A_312, %gather3A_298 : vector<16xf32>
      %add3A_318 = arith.constant 64 : i32
      %add3A_319 = arith.addi %add3A_124, %add3A_318 : i32
      %swap3A_320 = arith.index_cast %add3A_319 : i32 to index
      %swap3A_321 = tpu.vector_load %arg11[%swap3A_320] {strides = array<i32>} : memref<14336xf32, #tpu.memory_space<vmem>>, vector<16xf32>,
      tpu.vector_store %arg11[%swap3A_320], %mul3A_317 {strides = array<i32>} : memref<14336xf32, #tpu.memory_space<vmem>>, vector<16xf32>,
      %get3A_322 = arith.index_cast %scan3A_120 : i32 to index
      %get3A_323 = arith.constant 80 : index
      %get3A_324 = tpu.vector_load %arg8[%get3A_322, %get3A_323] {strides = array<i32>} : memref<56x128xi32, #tpu.memory_space<vmem>>, vector<16xi32>,
      %and3A_325 = arith.constant 65535 : i32
      %and3A_326 = vector.broadcast %and3A_325 : i32 to vector<16xi32>
      %and3A_327 = arith.andi %get3A_324, %and3A_326 : vector<16xi32>
      %shift_right_arithmetic3A_328 = arith.constant 16 : i32
      %shift_right_arithmetic3A_329 = vector.broadcast %shift_right_arithmetic3A_328 : i32 to vector<16xi32>
      %shift_right_arithmetic3A_330 = arith.shrsi %get3A_324, %shift_right_arithmetic3A_329 : vector<16xi32>
      %and3A_331 = arith.constant 65535 : i32
      %and3A_332 = vector.broadcast %and3A_331 : i32 to vector<16xi32>
      %and3A_333 = arith.andi %shift_right_arithmetic3A_330, %and3A_332 : vector<16xi32>
      %add3A_334 = arith.constant 80 : i32
      %add3A_335 = arith.addi %add3A_124, %add3A_334 : i32
      %swap3A_336 = arith.index_cast %add3A_335 : i32 to index
      %swap3A_337 = tpu.vector_load %arg9[%swap3A_336] {strides = array<i32>} : memref<14336xi32, #tpu.memory_space<vmem>>, vector<16xi32>,
      tpu.vector_store %arg9[%swap3A_336], %and3A_327 {strides = array<i32>} : memref<14336xi32, #tpu.memory_space<vmem>>, vector<16xi32>,
      %gather3A_338 = tpu.vector_load_idx %arg7[%and3A_327] : memref<50176xf32, #tpu.memory_space<vmem>>[vector<16xi32>], vector<16xf32>,
      %gather3A_339 = tpu.vector_load_idx %arg7[%and3A_333] : memref<50176xf32, #tpu.memory_space<vmem>>[vector<16xi32>], vector<16xf32>,
      %mul3A_340 = arith.mulf %get3A_1, %gather3A_338 : vector<16xf32>
      %mul3A_341 = arith.mulf %get3A_3, %gather3A_339 : vector<16xf32>
      %add3A_342 = arith.addf %mul3A_340, %mul3A_341 : vector<16xf32>
      %ge3A_343 = arith.constant 0.000000e+00 : f32
      %ge3A_344 = vector.broadcast %ge3A_343 : f32 to vector<16xf32>
      %ge3A_345 = arith.cmpf oge, %add3A_342, %ge3A_344 : vector<16xf32>
      %mul3A_346 = arith.constant 2.000000e-01 : f32
      %mul3A_347 = vector.broadcast %mul3A_346 : f32 to vector<16xf32>
      %mul3A_348 = arith.mulf %mul3A_347, %add3A_342 : vector<16xf32>
      %select_n3A_349 = arith.select %ge3A_345, %add3A_342, %mul3A_348 : vector<16xi1>, vector<16xf32>
      %neg3A_350 = arith.constant 0.000000e+00 : f32
      %neg3A_351 = vector.broadcast %neg3A_350 : f32 to vector<16xf32>
      %neg3A_352 = arith.subf %neg3A_351, %select_n3A_349 : vector<16xf32>
      %exp3A_353 = math.exp %neg3A_352 : vector<16xf32>
      %add3A_354 = arith.constant 80 : i32
      %add3A_355 = arith.addi %add3A_124, %add3A_354 : i32
      %swap3A_356 = arith.index_cast %add3A_355 : i32 to index
      %swap3A_357 = tpu.vector_load %arg10[%swap3A_356] {strides = array<i32>} : memref<14336xf32, #tpu.memory_space<vmem>>, vector<16xf32>,
      tpu.vector_store %arg10[%swap3A_356], %exp3A_353 {strides = array<i32>} : memref<14336xf32, #tpu.memory_space<vmem>>, vector<16xf32>,
      %mul3A_358 = arith.mulf %exp3A_353, %gather3A_339 : vector<16xf32>
      %add3A_359 = arith.constant 80 : i32
      %add3A_360 = arith.addi %add3A_124, %add3A_359 : i32
      %swap3A_361 = arith.index_cast %add3A_360 : i32 to index
      %swap3A_362 = tpu.vector_load %arg11[%swap3A_361] {strides = array<i32>} : memref<14336xf32, #tpu.memory_space<vmem>>, vector<16xf32>,
      tpu.vector_store %arg11[%swap3A_361], %mul3A_358 {strides = array<i32>} : memref<14336xf32, #tpu.memory_space<vmem>>, vector<16xf32>,
      %get3A_363 = arith.index_cast %scan3A_120 : i32 to index
      %get3A_364 = arith.constant 96 : index
      %get3A_365 = tpu.vector_load %arg8[%get3A_363, %get3A_364] {strides = array<i32>} : memref<56x128xi32, #tpu.memory_space<vmem>>, vector<16xi32>,
      %and3A_366 = arith.constant 65535 : i32
      %and3A_367 = vector.broadcast %and3A_366 : i32 to vector<16xi32>
      %and3A_368 = arith.andi %get3A_365, %and3A_367 : vector<16xi32>
      %shift_right_arithmetic3A_369 = arith.constant 16 : i32
      %shift_right_arithmetic3A_370 = vector.broadcast %shift_right_arithmetic3A_369 : i32 to vector<16xi32>
      %shift_right_arithmetic3A_371 = arith.shrsi %get3A_365, %shift_right_arithmetic3A_370 : vector<16xi32>
      %and3A_372 = arith.constant 65535 : i32
      %and3A_373 = vector.broadcast %and3A_372 : i32 to vector<16xi32>
      %and3A_374 = arith.andi %shift_right_arithmetic3A_371, %and3A_373 : vector<16xi32>
      %add3A_375 = arith.constant 96 : i32
      %add3A_376 = arith.addi %add3A_124, %add3A_375 : i32
      %swap3A_377 = arith.index_cast %add3A_376 : i32 to index
      %swap3A_378 = tpu.vector_load %arg9[%swap3A_377] {strides = array<i32>} : memref<14336xi32, #tpu.memory_space<vmem>>, vector<16xi32>,
      tpu.vector_store %arg9[%swap3A_377], %and3A_368 {strides = array<i32>} : memref<14336xi32, #tpu.memory_space<vmem>>, vector<16xi32>,
      %gather3A_379 = tpu.vector_load_idx %arg7[%and3A_368] : memref<50176xf32, #tpu.memory_space<vmem>>[vector<16xi32>], vector<16xf32>,
      %gather3A_380 = tpu.vector_load_idx %arg7[%and3A_374] : memref<50176xf32, #tpu.memory_space<vmem>>[vector<16xi32>], vector<16xf32>,
      %mul3A_381 = arith.mulf %get3A_1, %gather3A_379 : vector<16xf32>
      %mul3A_382 = arith.mulf %get3A_3, %gather3A_380 : vector<16xf32>
      %add3A_383 = arith.addf %mul3A_381, %mul3A_382 : vector<16xf32>
      %ge3A_384 = arith.constant 0.000000e+00 : f32
      %ge3A_385 = vector.broadcast %ge3A_384 : f32 to vector<16xf32>
      %ge3A_386 = arith.cmpf oge, %add3A_383, %ge3A_385 : vector<16xf32>
      %mul3A_387 = arith.constant 2.000000e-01 : f32
      %mul3A_388 = vector.broadcast %mul3A_387 : f32 to vector<16xf32>
      %mul3A_389 = arith.mulf %mul3A_388, %add3A_383 : vector<16xf32>
      %select_n3A_390 = arith.select %ge3A_386, %add3A_383, %mul3A_389 : vector<16xi1>, vector<16xf32>
      %neg3A_391 = arith.constant 0.000000e+00 : f32
      %neg3A_392 = vector.broadcast %neg3A_391 : f32 to vector<16xf32>
      %neg3A_393 = arith.subf %neg3A_392, %select_n3A_390 : vector<16xf32>
      %exp3A_394 = math.exp %neg3A_393 : vector<16xf32>
      %add3A_395 = arith.constant 96 : i32
      %add3A_396 = arith.addi %add3A_124, %add3A_395 : i32
      %swap3A_397 = arith.index_cast %add3A_396 : i32 to index
      %swap3A_398 = tpu.vector_load %arg10[%swap3A_397] {strides = array<i32>} : memref<14336xf32, #tpu.memory_space<vmem>>, vector<16xf32>,
      tpu.vector_store %arg10[%swap3A_397], %exp3A_394 {strides = array<i32>} : memref<14336xf32, #tpu.memory_space<vmem>>, vector<16xf32>,
      %mul3A_399 = arith.mulf %exp3A_394, %gather3A_380 : vector<16xf32>
      %add3A_400 = arith.constant 96 : i32
      %add3A_401 = arith.addi %add3A_124, %add3A_400 : i32
      %swap3A_402 = arith.index_cast %add3A_401 : i32 to index
      %swap3A_403 = tpu.vector_load %arg11[%swap3A_402] {strides = array<i32>} : memref<14336xf32, #tpu.memory_space<vmem>>, vector<16xf32>,
      tpu.vector_store %arg11[%swap3A_402], %mul3A_399 {strides = array<i32>} : memref<14336xf32, #tpu.memory_space<vmem>>, vector<16xf32>,
      %get3A_404 = arith.index_cast %scan3A_120 : i32 to index
      %get3A_405 = arith.constant 112 : index
      %get3A_406 = tpu.vector_load %arg8[%get3A_404, %get3A_405] {strides = array<i32>} : memref<56x128xi32, #tpu.memory_space<vmem>>, vector<16xi32>,
      %and3A_407 = arith.constant 65535 : i32
      %and3A_408 = vector.broadcast %and3A_407 : i32 to vector<16xi32>
      %and3A_409 = arith.andi %get3A_406, %and3A_408 : vector<16xi32>
      %shift_right_arithmetic3A_410 = arith.constant 16 : i32
      %shift_right_arithmetic3A_411 = vector.broadcast %shift_right_arithmetic3A_410 : i32 to vector<16xi32>
      %shift_right_arithmetic3A_412 = arith.shrsi %get3A_406, %shift_right_arithmetic3A_411 : vector<16xi32>
      %and3A_413 = arith.constant 65535 : i32
      %and3A_414 = vector.broadcast %and3A_413 : i32 to vector<16xi32>
      %and3A_415 = arith.andi %shift_right_arithmetic3A_412, %and3A_414 : vector<16xi32>
      %add3A_416 = arith.constant 112 : i32
      %add3A_417 = arith.addi %add3A_124, %add3A_416 : i32
      %swap3A_418 = arith.index_cast %add3A_417 : i32 to index
      %swap3A_419 = tpu.vector_load %arg9[%swap3A_418] {strides = array<i32>} : memref<14336xi32, #tpu.memory_space<vmem>>, vector<16xi32>,
      tpu.vector_store %arg9[%swap3A_418], %and3A_409 {strides = array<i32>} : memref<14336xi32, #tpu.memory_space<vmem>>, vector<16xi32>,
      %gather3A_420 = tpu.vector_load_idx %arg7[%and3A_409] : memref<50176xf32, #tpu.memory_space<vmem>>[vector<16xi32>], vector<16xf32>,
      %gather3A_421 = tpu.vector_load_idx %arg7[%and3A_415] : memref<50176xf32, #tpu.memory_space<vmem>>[vector<16xi32>], vector<16xf32>,
      %mul3A_422 = arith.mulf %get3A_1, %gather3A_420 : vector<16xf32>
      %mul3A_423 = arith.mulf %get3A_3, %gather3A_421 : vector<16xf32>
      %add3A_424 = arith.addf %mul3A_422, %mul3A_423 : vector<16xf32>
      %ge3A_425 = arith.constant 0.000000e+00 : f32
      %ge3A_426 = vector.broadcast %ge3A_425 : f32 to vector<16xf32>
      %ge3A_427 = arith.cmpf oge, %add3A_424, %ge3A_426 : vector<16xf32>
      %mul3A_428 = arith.constant 2.000000e-01 : f32
      %mul3A_429 = vector.broadcast %mul3A_428 : f32 to vector<16xf32>
      %mul3A_430 = arith.mulf %mul3A_429, %add3A_424 : vector<16xf32>
      %select_n3A_431 = arith.select %ge3A_427, %add3A_424, %mul3A_430 : vector<16xi1>, vector<16xf32>
      %neg3A_432 = arith.constant 0.000000e+00 : f32
      %neg3A_433 = vector.broadcast %neg3A_432 : f32 to vector<16xf32>
      %neg3A_434 = arith.subf %neg3A_433, %select_n3A_431 : vector<16xf32>
      %exp3A_435 = math.exp %neg3A_434 : vector<16xf32>
      %add3A_436 = arith.constant 112 : i32
      %add3A_437 = arith.addi %add3A_124, %add3A_436 : i32
      %swap3A_438 = arith.index_cast %add3A_437 : i32 to index
      %swap3A_439 = tpu.vector_load %arg10[%swap3A_438] {strides = array<i32>} : memref<14336xf32, #tpu.memory_space<vmem>>, vector<16xf32>,
      tpu.vector_store %arg10[%swap3A_438], %exp3A_435 {strides = array<i32>} : memref<14336xf32, #tpu.memory_space<vmem>>, vector<16xf32>,
      %mul3A_440 = arith.mulf %exp3A_435, %gather3A_421 : vector<16xf32>
      %add3A_441 = arith.constant 112 : i32
      %add3A_442 = arith.addi %add3A_124, %add3A_441 : i32
      %swap3A_443 = arith.index_cast %add3A_442 : i32 to index
      %swap3A_444 = tpu.vector_load %arg11[%swap3A_443] {strides = array<i32>} : memref<14336xf32, #tpu.memory_space<vmem>>, vector<16xf32>,
      tpu.vector_store %arg11[%swap3A_443], %mul3A_440 {strides = array<i32>} : memref<14336xf32, #tpu.memory_space<vmem>>, vector<16xf32>,
      %dma_start3A = tpu.memref_slice %arg10[%add3A_124] : memref<14336xf32, #tpu.memory_space<vmem>> -> memref<128xf32, #tpu.memory_space<vmem>>
      %dma_start3A_445 = tpu.memref_slice %arg9[%add3A_124] : memref<14336xi32, #tpu.memory_space<vmem>> -> memref<128xi32, #tpu.memory_space<vmem>>
      %dma_start3A_446 = arith.constant 0 : i32
      %dma_start3A_447 = tpu.memref_slice %arg14[%dma_start3A_446] : memref<50176xf32, #tpu.memory_space<vmem_shared>> -> memref<50176xf32, #tpu.memory_space<vmem_shared>>
      tpu.enqueue_indirect_dma source(%dma_start3A : memref<128xf32, #tpu.memory_space<vmem>>) target(%dma_start3A_447 : memref<50176xf32, #tpu.memory_space<vmem_shared>>) offsets(%dma_start3A_445 : memref<128xi32, #tpu.memory_space<vmem>>) semaphore(%arg16 : memref<!tpu.dma_semaphore, #tpu.memory_space<semaphore_mem>>) {add = true}
      %dma_start3A_448 = tpu.memref_slice %arg11[%add3A_124] : memref<14336xf32, #tpu.memory_space<vmem>> -> memref<128xf32, #tpu.memory_space<vmem>>
      %dma_start3A_449 = tpu.memref_slice %arg9[%add3A_124] : memref<14336xi32, #tpu.memory_space<vmem>> -> memref<128xi32, #tpu.memory_space<vmem>>
      %dma_start3A_450 = arith.constant 0 : i32
      %dma_start3A_451 = tpu.memref_slice %arg15[%dma_start3A_450] : memref<50176xf32, #tpu.memory_space<vmem_shared>> -> memref<50176xf32, #tpu.memory_space<vmem_shared>>
      tpu.enqueue_indirect_dma source(%dma_start3A_448 : memref<128xf32, #tpu.memory_space<vmem>>) target(%dma_start3A_451 : memref<50176xf32, #tpu.memory_space<vmem_shared>>) offsets(%dma_start3A_449 : memref<128xi32, #tpu.memory_space<vmem>>) semaphore(%arg16 : memref<!tpu.dma_semaphore, #tpu.memory_space<semaphore_mem>>) {add = true}
    }
    %scan3A_22 = arith.constant 56 : i32
    %add3A_23 = arith.constant 56 : i32
    %add3A_24 = arith.addi %mul3A_14, %add3A_23 : i32
    "tpu.region"() ({
      %run_scoped3A = tpu.sem_alloc : memref<!tpu.dma_semaphore, #tpu.memory_space<semaphore_mem>>
      %dma_start3A = arith.constant 0 : i32
      %dma_start3A_120 = arith.constant 0 : i32
      %dma_start3A_121 = tpu.memref_slice %arg8[%dma_start3A, %dma_start3A_120] : memref<56x128xi32, #tpu.memory_space<vmem>> -> memref<56x128xi32, #tpu.memory_space<vmem>>
      %dma_start3A_122 = arith.constant 0 : i32
      %dma_start3A_123 = tpu.memref_slice %arg3[%add3A_24, %dma_start3A_122] : memref<6656x128xi32, #tpu.memory_space<hbm>> -> memref<56x128xi32, #tpu.memory_space<hbm>>
      %dma_start3A_124 = arith.constant 0 : i32
      %dma_start3A_125 = arith.constant 0 : i32
      %dma_start3A_126 = tpu.memref_slice %arg8[%dma_start3A_124, %dma_start3A_125] : memref<56x128xi32, #tpu.memory_space<vmem>> -> memref<56x128xi32, #tpu.memory_space<vmem>>
      %dma_start3A_127 = arith.constant 0 : i32
      %dma_start3A_128 = tpu.memref_slice %arg3[%add3A_24, %dma_start3A_127] : memref<6656x128xi32, #tpu.memory_space<hbm>> -> memref<56x128xi32, #tpu.memory_space<hbm>>
      tpu.enqueue_dma source(%dma_start3A_128 : memref<56x128xi32, #tpu.memory_space<hbm>>) target(%dma_start3A_126 : memref<56x128xi32, #tpu.memory_space<vmem>>) target_semaphore(%run_scoped3A : memref<!tpu.dma_semaphore, #tpu.memory_space<semaphore_mem>>)
      %dma_wait3A_129 = arith.constant 0 : i32
      %dma_wait3A_130 = arith.constant 0 : i32
      %dma_wait3A_131 = tpu.memref_slice %arg8[%dma_wait3A_129, %dma_wait3A_130] : memref<56x128xi32, #tpu.memory_space<vmem>> -> memref<56x128xi32, #tpu.memory_space<vmem>>
      %dma_wait3A_132 = arith.constant 0 : i32
      %dma_wait3A_133 = tpu.memref_slice %arg3[%add3A_24, %dma_wait3A_132] : memref<6656x128xi32, #tpu.memory_space<hbm>> -> memref<56x128xi32, #tpu.memory_space<hbm>>
      %dma_wait3A_134 = arith.constant 0 : i32
      %dma_wait3A_135 = arith.constant 0 : i32
      %dma_wait3A_136 = tpu.memref_slice %arg8[%dma_wait3A_134, %dma_wait3A_135] : memref<56x128xi32, #tpu.memory_space<vmem>> -> memref<56x128xi32, #tpu.memory_space<vmem>>
      %dma_wait3A_137 = arith.constant 0 : i32
      %dma_wait3A_138 = tpu.memref_slice %arg3[%add3A_24, %dma_wait3A_137] : memref<6656x128xi32, #tpu.memory_space<hbm>> -> memref<56x128xi32, #tpu.memory_space<hbm>>
      tpu.wait_dma2 semaphore(%run_scoped3A : memref<!tpu.dma_semaphore, #tpu.memory_space<semaphore_mem>>) src(%dma_wait3A_138 : memref<56x128xi32, #tpu.memory_space<hbm>>) dst(%dma_wait3A_136 : memref<56x128xi32, #tpu.memory_space<vmem>>)
      tpu.yield
    }) : () -> ()
    %scan3A_25 = arith.constant 0 : i32
    %scan3A_26 = arith.constant 0 : i32
    %scan3A_27 = arith.constant 56 : i32
    %scan3A_28 = arith.addi %scan3A_26, %scan3A_27 : i32
    %scan3A_29 = arith.constant 1 : i32
    scf.for %scan3A_120 = %scan3A_26 to %scan3A_28 step %scan3A_29  : i32 {
      %mul3A_121 = arith.constant 128 : i32
      %mul3A_122 = arith.muli %scan3A_120, %mul3A_121 : i32
      %add3A_123 = arith.constant 7168 : i32
      %add3A_124 = arith.addi %add3A_123, %mul3A_122 : i32
      %get3A_125 = arith.index_cast %scan3A_120 : i32 to index
      %get3A_126 = arith.constant 0 : index
      %get3A_127 = tpu.vector_load %arg8[%get3A_125, %get3A_126] {strides = array<i32>} : memref<56x128xi32, #tpu.memory_space<vmem>>, vector<16xi32>,
      %and3A = arith.constant 65535 : i32
      %and3A_128 = vector.broadcast %and3A : i32 to vector<16xi32>
      %and3A_129 = arith.andi %get3A_127, %and3A_128 : vector<16xi32>
      %shift_right_arithmetic3A = arith.constant 16 : i32
      %shift_right_arithmetic3A_130 = vector.broadcast %shift_right_arithmetic3A : i32 to vector<16xi32>
      %shift_right_arithmetic3A_131 = arith.shrsi %get3A_127, %shift_right_arithmetic3A_130 : vector<16xi32>
      %and3A_132 = arith.constant 65535 : i32
      %and3A_133 = vector.broadcast %and3A_132 : i32 to vector<16xi32>
      %and3A_134 = arith.andi %shift_right_arithmetic3A_131, %and3A_133 : vector<16xi32>
      %add3A_135 = arith.constant 0 : i32
      %add3A_136 = arith.addi %add3A_124, %add3A_135 : i32
      %swap3A = arith.index_cast %add3A_136 : i32 to index
      %swap3A_137 = tpu.vector_load %arg9[%swap3A] {strides = array<i32>} : memref<14336xi32, #tpu.memory_space<vmem>>, vector<16xi32>,
      tpu.vector_store %arg9[%swap3A], %and3A_129 {strides = array<i32>} : memref<14336xi32, #tpu.memory_space<vmem>>, vector<16xi32>,
      %gather3A = tpu.vector_load_idx %arg7[%and3A_129] : memref<50176xf32, #tpu.memory_space<vmem>>[vector<16xi32>], vector<16xf32>,
      %gather3A_138 = tpu.vector_load_idx %arg7[%and3A_134] : memref<50176xf32, #tpu.memory_space<vmem>>[vector<16xi32>], vector<16xf32>,
      %mul3A_139 = arith.mulf %get3A_1, %gather3A : vector<16xf32>
      %mul3A_140 = arith.mulf %get3A_3, %gather3A_138 : vector<16xf32>
      %add3A_141 = arith.addf %mul3A_139, %mul3A_140 : vector<16xf32>
      %ge3A = arith.constant 0.000000e+00 : f32
      %ge3A_142 = vector.broadcast %ge3A : f32 to vector<16xf32>
      %ge3A_143 = arith.cmpf oge, %add3A_141, %ge3A_142 : vector<16xf32>
      %mul3A_144 = arith.constant 2.000000e-01 : f32
      %mul3A_145 = vector.broadcast %mul3A_144 : f32 to vector<16xf32>
      %mul3A_146 = arith.mulf %mul3A_145, %add3A_141 : vector<16xf32>
      %select_n3A = arith.select %ge3A_143, %add3A_141, %mul3A_146 : vector<16xi1>, vector<16xf32>
      %neg3A = arith.constant 0.000000e+00 : f32
      %neg3A_147 = vector.broadcast %neg3A : f32 to vector<16xf32>
      %neg3A_148 = arith.subf %neg3A_147, %select_n3A : vector<16xf32>
      %exp3A = math.exp %neg3A_148 : vector<16xf32>
      %add3A_149 = arith.constant 0 : i32
      %add3A_150 = arith.addi %add3A_124, %add3A_149 : i32
      %swap3A_151 = arith.index_cast %add3A_150 : i32 to index
      %swap3A_152 = tpu.vector_load %arg10[%swap3A_151] {strides = array<i32>} : memref<14336xf32, #tpu.memory_space<vmem>>, vector<16xf32>,
      tpu.vector_store %arg10[%swap3A_151], %exp3A {strides = array<i32>} : memref<14336xf32, #tpu.memory_space<vmem>>, vector<16xf32>,
      %mul3A_153 = arith.mulf %exp3A, %gather3A_138 : vector<16xf32>
      %add3A_154 = arith.constant 0 : i32
      %add3A_155 = arith.addi %add3A_124, %add3A_154 : i32
      %swap3A_156 = arith.index_cast %add3A_155 : i32 to index
      %swap3A_157 = tpu.vector_load %arg11[%swap3A_156] {strides = array<i32>} : memref<14336xf32, #tpu.memory_space<vmem>>, vector<16xf32>,
      tpu.vector_store %arg11[%swap3A_156], %mul3A_153 {strides = array<i32>} : memref<14336xf32, #tpu.memory_space<vmem>>, vector<16xf32>,
      %get3A_158 = arith.index_cast %scan3A_120 : i32 to index
      %get3A_159 = arith.constant 16 : index
      %get3A_160 = tpu.vector_load %arg8[%get3A_158, %get3A_159] {strides = array<i32>} : memref<56x128xi32, #tpu.memory_space<vmem>>, vector<16xi32>,
      %and3A_161 = arith.constant 65535 : i32
      %and3A_162 = vector.broadcast %and3A_161 : i32 to vector<16xi32>
      %and3A_163 = arith.andi %get3A_160, %and3A_162 : vector<16xi32>
      %shift_right_arithmetic3A_164 = arith.constant 16 : i32
      %shift_right_arithmetic3A_165 = vector.broadcast %shift_right_arithmetic3A_164 : i32 to vector<16xi32>
      %shift_right_arithmetic3A_166 = arith.shrsi %get3A_160, %shift_right_arithmetic3A_165 : vector<16xi32>
      %and3A_167 = arith.constant 65535 : i32
      %and3A_168 = vector.broadcast %and3A_167 : i32 to vector<16xi32>
      %and3A_169 = arith.andi %shift_right_arithmetic3A_166, %and3A_168 : vector<16xi32>
      %add3A_170 = arith.constant 16 : i32
      %add3A_171 = arith.addi %add3A_124, %add3A_170 : i32
      %swap3A_172 = arith.index_cast %add3A_171 : i32 to index
      %swap3A_173 = tpu.vector_load %arg9[%swap3A_172] {strides = array<i32>} : memref<14336xi32, #tpu.memory_space<vmem>>, vector<16xi32>,
      tpu.vector_store %arg9[%swap3A_172], %and3A_163 {strides = array<i32>} : memref<14336xi32, #tpu.memory_space<vmem>>, vector<16xi32>,
      %gather3A_174 = tpu.vector_load_idx %arg7[%and3A_163] : memref<50176xf32, #tpu.memory_space<vmem>>[vector<16xi32>], vector<16xf32>,
      %gather3A_175 = tpu.vector_load_idx %arg7[%and3A_169] : memref<50176xf32, #tpu.memory_space<vmem>>[vector<16xi32>], vector<16xf32>,
      %mul3A_176 = arith.mulf %get3A_1, %gather3A_174 : vector<16xf32>
      %mul3A_177 = arith.mulf %get3A_3, %gather3A_175 : vector<16xf32>
      %add3A_178 = arith.addf %mul3A_176, %mul3A_177 : vector<16xf32>
      %ge3A_179 = arith.constant 0.000000e+00 : f32
      %ge3A_180 = vector.broadcast %ge3A_179 : f32 to vector<16xf32>
      %ge3A_181 = arith.cmpf oge, %add3A_178, %ge3A_180 : vector<16xf32>
      %mul3A_182 = arith.constant 2.000000e-01 : f32
      %mul3A_183 = vector.broadcast %mul3A_182 : f32 to vector<16xf32>
      %mul3A_184 = arith.mulf %mul3A_183, %add3A_178 : vector<16xf32>
      %select_n3A_185 = arith.select %ge3A_181, %add3A_178, %mul3A_184 : vector<16xi1>, vector<16xf32>
      %neg3A_186 = arith.constant 0.000000e+00 : f32
      %neg3A_187 = vector.broadcast %neg3A_186 : f32 to vector<16xf32>
      %neg3A_188 = arith.subf %neg3A_187, %select_n3A_185 : vector<16xf32>
      %exp3A_189 = math.exp %neg3A_188 : vector<16xf32>
      %add3A_190 = arith.constant 16 : i32
      %add3A_191 = arith.addi %add3A_124, %add3A_190 : i32
      %swap3A_192 = arith.index_cast %add3A_191 : i32 to index
      %swap3A_193 = tpu.vector_load %arg10[%swap3A_192] {strides = array<i32>} : memref<14336xf32, #tpu.memory_space<vmem>>, vector<16xf32>,
      tpu.vector_store %arg10[%swap3A_192], %exp3A_189 {strides = array<i32>} : memref<14336xf32, #tpu.memory_space<vmem>>, vector<16xf32>,
      %mul3A_194 = arith.mulf %exp3A_189, %gather3A_175 : vector<16xf32>
      %add3A_195 = arith.constant 16 : i32
      %add3A_196 = arith.addi %add3A_124, %add3A_195 : i32
      %swap3A_197 = arith.index_cast %add3A_196 : i32 to index
      %swap3A_198 = tpu.vector_load %arg11[%swap3A_197] {strides = array<i32>} : memref<14336xf32, #tpu.memory_space<vmem>>, vector<16xf32>,
      tpu.vector_store %arg11[%swap3A_197], %mul3A_194 {strides = array<i32>} : memref<14336xf32, #tpu.memory_space<vmem>>, vector<16xf32>,
      %get3A_199 = arith.index_cast %scan3A_120 : i32 to index
      %get3A_200 = arith.constant 32 : index
      %get3A_201 = tpu.vector_load %arg8[%get3A_199, %get3A_200] {strides = array<i32>} : memref<56x128xi32, #tpu.memory_space<vmem>>, vector<16xi32>,
      %and3A_202 = arith.constant 65535 : i32
      %and3A_203 = vector.broadcast %and3A_202 : i32 to vector<16xi32>
      %and3A_204 = arith.andi %get3A_201, %and3A_203 : vector<16xi32>
      %shift_right_arithmetic3A_205 = arith.constant 16 : i32
      %shift_right_arithmetic3A_206 = vector.broadcast %shift_right_arithmetic3A_205 : i32 to vector<16xi32>
      %shift_right_arithmetic3A_207 = arith.shrsi %get3A_201, %shift_right_arithmetic3A_206 : vector<16xi32>
      %and3A_208 = arith.constant 65535 : i32
      %and3A_209 = vector.broadcast %and3A_208 : i32 to vector<16xi32>
      %and3A_210 = arith.andi %shift_right_arithmetic3A_207, %and3A_209 : vector<16xi32>
      %add3A_211 = arith.constant 32 : i32
      %add3A_212 = arith.addi %add3A_124, %add3A_211 : i32
      %swap3A_213 = arith.index_cast %add3A_212 : i32 to index
      %swap3A_214 = tpu.vector_load %arg9[%swap3A_213] {strides = array<i32>} : memref<14336xi32, #tpu.memory_space<vmem>>, vector<16xi32>,
      tpu.vector_store %arg9[%swap3A_213], %and3A_204 {strides = array<i32>} : memref<14336xi32, #tpu.memory_space<vmem>>, vector<16xi32>,
      %gather3A_215 = tpu.vector_load_idx %arg7[%and3A_204] : memref<50176xf32, #tpu.memory_space<vmem>>[vector<16xi32>], vector<16xf32>,
      %gather3A_216 = tpu.vector_load_idx %arg7[%and3A_210] : memref<50176xf32, #tpu.memory_space<vmem>>[vector<16xi32>], vector<16xf32>,
      %mul3A_217 = arith.mulf %get3A_1, %gather3A_215 : vector<16xf32>
      %mul3A_218 = arith.mulf %get3A_3, %gather3A_216 : vector<16xf32>
      %add3A_219 = arith.addf %mul3A_217, %mul3A_218 : vector<16xf32>
      %ge3A_220 = arith.constant 0.000000e+00 : f32
      %ge3A_221 = vector.broadcast %ge3A_220 : f32 to vector<16xf32>
      %ge3A_222 = arith.cmpf oge, %add3A_219, %ge3A_221 : vector<16xf32>
      %mul3A_223 = arith.constant 2.000000e-01 : f32
      %mul3A_224 = vector.broadcast %mul3A_223 : f32 to vector<16xf32>
      %mul3A_225 = arith.mulf %mul3A_224, %add3A_219 : vector<16xf32>
      %select_n3A_226 = arith.select %ge3A_222, %add3A_219, %mul3A_225 : vector<16xi1>, vector<16xf32>
      %neg3A_227 = arith.constant 0.000000e+00 : f32
      %neg3A_228 = vector.broadcast %neg3A_227 : f32 to vector<16xf32>
      %neg3A_229 = arith.subf %neg3A_228, %select_n3A_226 : vector<16xf32>
      %exp3A_230 = math.exp %neg3A_229 : vector<16xf32>
      %add3A_231 = arith.constant 32 : i32
      %add3A_232 = arith.addi %add3A_124, %add3A_231 : i32
      %swap3A_233 = arith.index_cast %add3A_232 : i32 to index
      %swap3A_234 = tpu.vector_load %arg10[%swap3A_233] {strides = array<i32>} : memref<14336xf32, #tpu.memory_space<vmem>>, vector<16xf32>,
      tpu.vector_store %arg10[%swap3A_233], %exp3A_230 {strides = array<i32>} : memref<14336xf32, #tpu.memory_space<vmem>>, vector<16xf32>,
      %mul3A_235 = arith.mulf %exp3A_230, %gather3A_216 : vector<16xf32>
      %add3A_236 = arith.constant 32 : i32
      %add3A_237 = arith.addi %add3A_124, %add3A_236 : i32
      %swap3A_238 = arith.index_cast %add3A_237 : i32 to index
      %swap3A_239 = tpu.vector_load %arg11[%swap3A_238] {strides = array<i32>} : memref<14336xf32, #tpu.memory_space<vmem>>, vector<16xf32>,
      tpu.vector_store %arg11[%swap3A_238], %mul3A_235 {strides = array<i32>} : memref<14336xf32, #tpu.memory_space<vmem>>, vector<16xf32>,
      %get3A_240 = arith.index_cast %scan3A_120 : i32 to index
      %get3A_241 = arith.constant 48 : index
      %get3A_242 = tpu.vector_load %arg8[%get3A_240, %get3A_241] {strides = array<i32>} : memref<56x128xi32, #tpu.memory_space<vmem>>, vector<16xi32>,
      %and3A_243 = arith.constant 65535 : i32
      %and3A_244 = vector.broadcast %and3A_243 : i32 to vector<16xi32>
      %and3A_245 = arith.andi %get3A_242, %and3A_244 : vector<16xi32>
      %shift_right_arithmetic3A_246 = arith.constant 16 : i32
      %shift_right_arithmetic3A_247 = vector.broadcast %shift_right_arithmetic3A_246 : i32 to vector<16xi32>
      %shift_right_arithmetic3A_248 = arith.shrsi %get3A_242, %shift_right_arithmetic3A_247 : vector<16xi32>
      %and3A_249 = arith.constant 65535 : i32
      %and3A_250 = vector.broadcast %and3A_249 : i32 to vector<16xi32>
      %and3A_251 = arith.andi %shift_right_arithmetic3A_248, %and3A_250 : vector<16xi32>
      %add3A_252 = arith.constant 48 : i32
      %add3A_253 = arith.addi %add3A_124, %add3A_252 : i32
      %swap3A_254 = arith.index_cast %add3A_253 : i32 to index
      %swap3A_255 = tpu.vector_load %arg9[%swap3A_254] {strides = array<i32>} : memref<14336xi32, #tpu.memory_space<vmem>>, vector<16xi32>,
      tpu.vector_store %arg9[%swap3A_254], %and3A_245 {strides = array<i32>} : memref<14336xi32, #tpu.memory_space<vmem>>, vector<16xi32>,
      %gather3A_256 = tpu.vector_load_idx %arg7[%and3A_245] : memref<50176xf32, #tpu.memory_space<vmem>>[vector<16xi32>], vector<16xf32>,
      %gather3A_257 = tpu.vector_load_idx %arg7[%and3A_251] : memref<50176xf32, #tpu.memory_space<vmem>>[vector<16xi32>], vector<16xf32>,
      %mul3A_258 = arith.mulf %get3A_1, %gather3A_256 : vector<16xf32>
      %mul3A_259 = arith.mulf %get3A_3, %gather3A_257 : vector<16xf32>
      %add3A_260 = arith.addf %mul3A_258, %mul3A_259 : vector<16xf32>
      %ge3A_261 = arith.constant 0.000000e+00 : f32
      %ge3A_262 = vector.broadcast %ge3A_261 : f32 to vector<16xf32>
      %ge3A_263 = arith.cmpf oge, %add3A_260, %ge3A_262 : vector<16xf32>
      %mul3A_264 = arith.constant 2.000000e-01 : f32
      %mul3A_265 = vector.broadcast %mul3A_264 : f32 to vector<16xf32>
      %mul3A_266 = arith.mulf %mul3A_265, %add3A_260 : vector<16xf32>
      %select_n3A_267 = arith.select %ge3A_263, %add3A_260, %mul3A_266 : vector<16xi1>, vector<16xf32>
      %neg3A_268 = arith.constant 0.000000e+00 : f32
      %neg3A_269 = vector.broadcast %neg3A_268 : f32 to vector<16xf32>
      %neg3A_270 = arith.subf %neg3A_269, %select_n3A_267 : vector<16xf32>
      %exp3A_271 = math.exp %neg3A_270 : vector<16xf32>
      %add3A_272 = arith.constant 48 : i32
      %add3A_273 = arith.addi %add3A_124, %add3A_272 : i32
      %swap3A_274 = arith.index_cast %add3A_273 : i32 to index
      %swap3A_275 = tpu.vector_load %arg10[%swap3A_274] {strides = array<i32>} : memref<14336xf32, #tpu.memory_space<vmem>>, vector<16xf32>,
      tpu.vector_store %arg10[%swap3A_274], %exp3A_271 {strides = array<i32>} : memref<14336xf32, #tpu.memory_space<vmem>>, vector<16xf32>,
      %mul3A_276 = arith.mulf %exp3A_271, %gather3A_257 : vector<16xf32>
      %add3A_277 = arith.constant 48 : i32
      %add3A_278 = arith.addi %add3A_124, %add3A_277 : i32
      %swap3A_279 = arith.index_cast %add3A_278 : i32 to index
      %swap3A_280 = tpu.vector_load %arg11[%swap3A_279] {strides = array<i32>} : memref<14336xf32, #tpu.memory_space<vmem>>, vector<16xf32>,
      tpu.vector_store %arg11[%swap3A_279], %mul3A_276 {strides = array<i32>} : memref<14336xf32, #tpu.memory_space<vmem>>, vector<16xf32>,
      %get3A_281 = arith.index_cast %scan3A_120 : i32 to index
      %get3A_282 = arith.constant 64 : index
      %get3A_283 = tpu.vector_load %arg8[%get3A_281, %get3A_282] {strides = array<i32>} : memref<56x128xi32, #tpu.memory_space<vmem>>, vector<16xi32>,
      %and3A_284 = arith.constant 65535 : i32
      %and3A_285 = vector.broadcast %and3A_284 : i32 to vector<16xi32>
      %and3A_286 = arith.andi %get3A_283, %and3A_285 : vector<16xi32>
      %shift_right_arithmetic3A_287 = arith.constant 16 : i32
      %shift_right_arithmetic3A_288 = vector.broadcast %shift_right_arithmetic3A_287 : i32 to vector<16xi32>
      %shift_right_arithmetic3A_289 = arith.shrsi %get3A_283, %shift_right_arithmetic3A_288 : vector<16xi32>
      %and3A_290 = arith.constant 65535 : i32
      %and3A_291 = vector.broadcast %and3A_290 : i32 to vector<16xi32>
      %and3A_292 = arith.andi %shift_right_arithmetic3A_289, %and3A_291 : vector<16xi32>
      %add3A_293 = arith.constant 64 : i32
      %add3A_294 = arith.addi %add3A_124, %add3A_293 : i32
      %swap3A_295 = arith.index_cast %add3A_294 : i32 to index
      %swap3A_296 = tpu.vector_load %arg9[%swap3A_295] {strides = array<i32>} : memref<14336xi32, #tpu.memory_space<vmem>>, vector<16xi32>,
      tpu.vector_store %arg9[%swap3A_295], %and3A_286 {strides = array<i32>} : memref<14336xi32, #tpu.memory_space<vmem>>, vector<16xi32>,
      %gather3A_297 = tpu.vector_load_idx %arg7[%and3A_286] : memref<50176xf32, #tpu.memory_space<vmem>>[vector<16xi32>], vector<16xf32>,
      %gather3A_298 = tpu.vector_load_idx %arg7[%and3A_292] : memref<50176xf32, #tpu.memory_space<vmem>>[vector<16xi32>], vector<16xf32>,
      %mul3A_299 = arith.mulf %get3A_1, %gather3A_297 : vector<16xf32>
      %mul3A_300 = arith.mulf %get3A_3, %gather3A_298 : vector<16xf32>
      %add3A_301 = arith.addf %mul3A_299, %mul3A_300 : vector<16xf32>
      %ge3A_302 = arith.constant 0.000000e+00 : f32
      %ge3A_303 = vector.broadcast %ge3A_302 : f32 to vector<16xf32>
      %ge3A_304 = arith.cmpf oge, %add3A_301, %ge3A_303 : vector<16xf32>
      %mul3A_305 = arith.constant 2.000000e-01 : f32
      %mul3A_306 = vector.broadcast %mul3A_305 : f32 to vector<16xf32>
      %mul3A_307 = arith.mulf %mul3A_306, %add3A_301 : vector<16xf32>
      %select_n3A_308 = arith.select %ge3A_304, %add3A_301, %mul3A_307 : vector<16xi1>, vector<16xf32>
      %neg3A_309 = arith.constant 0.000000e+00 : f32
      %neg3A_310 = vector.broadcast %neg3A_309 : f32 to vector<16xf32>
      %neg3A_311 = arith.subf %neg3A_310, %select_n3A_308 : vector<16xf32>
      %exp3A_312 = math.exp %neg3A_311 : vector<16xf32>
      %add3A_313 = arith.constant 64 : i32
      %add3A_314 = arith.addi %add3A_124, %add3A_313 : i32
      %swap3A_315 = arith.index_cast %add3A_314 : i32 to index
      %swap3A_316 = tpu.vector_load %arg10[%swap3A_315] {strides = array<i32>} : memref<14336xf32, #tpu.memory_space<vmem>>, vector<16xf32>,
      tpu.vector_store %arg10[%swap3A_315], %exp3A_312 {strides = array<i32>} : memref<14336xf32, #tpu.memory_space<vmem>>, vector<16xf32>,
      %mul3A_317 = arith.mulf %exp3A_312, %gather3A_298 : vector<16xf32>
      %add3A_318 = arith.constant 64 : i32
      %add3A_319 = arith.addi %add3A_124, %add3A_318 : i32
      %swap3A_320 = arith.index_cast %add3A_319 : i32 to index
      %swap3A_321 = tpu.vector_load %arg11[%swap3A_320] {strides = array<i32>} : memref<14336xf32, #tpu.memory_space<vmem>>, vector<16xf32>,
      tpu.vector_store %arg11[%swap3A_320], %mul3A_317 {strides = array<i32>} : memref<14336xf32, #tpu.memory_space<vmem>>, vector<16xf32>,
      %get3A_322 = arith.index_cast %scan3A_120 : i32 to index
      %get3A_323 = arith.constant 80 : index
      %get3A_324 = tpu.vector_load %arg8[%get3A_322, %get3A_323] {strides = array<i32>} : memref<56x128xi32, #tpu.memory_space<vmem>>, vector<16xi32>,
      %and3A_325 = arith.constant 65535 : i32
      %and3A_326 = vector.broadcast %and3A_325 : i32 to vector<16xi32>
      %and3A_327 = arith.andi %get3A_324, %and3A_326 : vector<16xi32>
      %shift_right_arithmetic3A_328 = arith.constant 16 : i32
      %shift_right_arithmetic3A_329 = vector.broadcast %shift_right_arithmetic3A_328 : i32 to vector<16xi32>
      %shift_right_arithmetic3A_330 = arith.shrsi %get3A_324, %shift_right_arithmetic3A_329 : vector<16xi32>
      %and3A_331 = arith.constant 65535 : i32
      %and3A_332 = vector.broadcast %and3A_331 : i32 to vector<16xi32>
      %and3A_333 = arith.andi %shift_right_arithmetic3A_330, %and3A_332 : vector<16xi32>
      %add3A_334 = arith.constant 80 : i32
      %add3A_335 = arith.addi %add3A_124, %add3A_334 : i32
      %swap3A_336 = arith.index_cast %add3A_335 : i32 to index
      %swap3A_337 = tpu.vector_load %arg9[%swap3A_336] {strides = array<i32>} : memref<14336xi32, #tpu.memory_space<vmem>>, vector<16xi32>,
      tpu.vector_store %arg9[%swap3A_336], %and3A_327 {strides = array<i32>} : memref<14336xi32, #tpu.memory_space<vmem>>, vector<16xi32>,
      %gather3A_338 = tpu.vector_load_idx %arg7[%and3A_327] : memref<50176xf32, #tpu.memory_space<vmem>>[vector<16xi32>], vector<16xf32>,
      %gather3A_339 = tpu.vector_load_idx %arg7[%and3A_333] : memref<50176xf32, #tpu.memory_space<vmem>>[vector<16xi32>], vector<16xf32>,
      %mul3A_340 = arith.mulf %get3A_1, %gather3A_338 : vector<16xf32>
      %mul3A_341 = arith.mulf %get3A_3, %gather3A_339 : vector<16xf32>
      %add3A_342 = arith.addf %mul3A_340, %mul3A_341 : vector<16xf32>
      %ge3A_343 = arith.constant 0.000000e+00 : f32
      %ge3A_344 = vector.broadcast %ge3A_343 : f32 to vector<16xf32>
      %ge3A_345 = arith.cmpf oge, %add3A_342, %ge3A_344 : vector<16xf32>
      %mul3A_346 = arith.constant 2.000000e-01 : f32
      %mul3A_347 = vector.broadcast %mul3A_346 : f32 to vector<16xf32>
      %mul3A_348 = arith.mulf %mul3A_347, %add3A_342 : vector<16xf32>
      %select_n3A_349 = arith.select %ge3A_345, %add3A_342, %mul3A_348 : vector<16xi1>, vector<16xf32>
      %neg3A_350 = arith.constant 0.000000e+00 : f32
      %neg3A_351 = vector.broadcast %neg3A_350 : f32 to vector<16xf32>
      %neg3A_352 = arith.subf %neg3A_351, %select_n3A_349 : vector<16xf32>
      %exp3A_353 = math.exp %neg3A_352 : vector<16xf32>
      %add3A_354 = arith.constant 80 : i32
      %add3A_355 = arith.addi %add3A_124, %add3A_354 : i32
      %swap3A_356 = arith.index_cast %add3A_355 : i32 to index
      %swap3A_357 = tpu.vector_load %arg10[%swap3A_356] {strides = array<i32>} : memref<14336xf32, #tpu.memory_space<vmem>>, vector<16xf32>,
      tpu.vector_store %arg10[%swap3A_356], %exp3A_353 {strides = array<i32>} : memref<14336xf32, #tpu.memory_space<vmem>>, vector<16xf32>,
      %mul3A_358 = arith.mulf %exp3A_353, %gather3A_339 : vector<16xf32>
      %add3A_359 = arith.constant 80 : i32
      %add3A_360 = arith.addi %add3A_124, %add3A_359 : i32
      %swap3A_361 = arith.index_cast %add3A_360 : i32 to index
      %swap3A_362 = tpu.vector_load %arg11[%swap3A_361] {strides = array<i32>} : memref<14336xf32, #tpu.memory_space<vmem>>, vector<16xf32>,
      tpu.vector_store %arg11[%swap3A_361], %mul3A_358 {strides = array<i32>} : memref<14336xf32, #tpu.memory_space<vmem>>, vector<16xf32>,
      %get3A_363 = arith.index_cast %scan3A_120 : i32 to index
      %get3A_364 = arith.constant 96 : index
      %get3A_365 = tpu.vector_load %arg8[%get3A_363, %get3A_364] {strides = array<i32>} : memref<56x128xi32, #tpu.memory_space<vmem>>, vector<16xi32>,
      %and3A_366 = arith.constant 65535 : i32
      %and3A_367 = vector.broadcast %and3A_366 : i32 to vector<16xi32>
      %and3A_368 = arith.andi %get3A_365, %and3A_367 : vector<16xi32>
      %shift_right_arithmetic3A_369 = arith.constant 16 : i32
      %shift_right_arithmetic3A_370 = vector.broadcast %shift_right_arithmetic3A_369 : i32 to vector<16xi32>
      %shift_right_arithmetic3A_371 = arith.shrsi %get3A_365, %shift_right_arithmetic3A_370 : vector<16xi32>
      %and3A_372 = arith.constant 65535 : i32
      %and3A_373 = vector.broadcast %and3A_372 : i32 to vector<16xi32>
      %and3A_374 = arith.andi %shift_right_arithmetic3A_371, %and3A_373 : vector<16xi32>
      %add3A_375 = arith.constant 96 : i32
      %add3A_376 = arith.addi %add3A_124, %add3A_375 : i32
      %swap3A_377 = arith.index_cast %add3A_376 : i32 to index
      %swap3A_378 = tpu.vector_load %arg9[%swap3A_377] {strides = array<i32>} : memref<14336xi32, #tpu.memory_space<vmem>>, vector<16xi32>,
      tpu.vector_store %arg9[%swap3A_377], %and3A_368 {strides = array<i32>} : memref<14336xi32, #tpu.memory_space<vmem>>, vector<16xi32>,
      %gather3A_379 = tpu.vector_load_idx %arg7[%and3A_368] : memref<50176xf32, #tpu.memory_space<vmem>>[vector<16xi32>], vector<16xf32>,
      %gather3A_380 = tpu.vector_load_idx %arg7[%and3A_374] : memref<50176xf32, #tpu.memory_space<vmem>>[vector<16xi32>], vector<16xf32>,
      %mul3A_381 = arith.mulf %get3A_1, %gather3A_379 : vector<16xf32>
      %mul3A_382 = arith.mulf %get3A_3, %gather3A_380 : vector<16xf32>
      %add3A_383 = arith.addf %mul3A_381, %mul3A_382 : vector<16xf32>
      %ge3A_384 = arith.constant 0.000000e+00 : f32
      %ge3A_385 = vector.broadcast %ge3A_384 : f32 to vector<16xf32>
      %ge3A_386 = arith.cmpf oge, %add3A_383, %ge3A_385 : vector<16xf32>
      %mul3A_387 = arith.constant 2.000000e-01 : f32
      %mul3A_388 = vector.broadcast %mul3A_387 : f32 to vector<16xf32>
      %mul3A_389 = arith.mulf %mul3A_388, %add3A_383 : vector<16xf32>
      %select_n3A_390 = arith.select %ge3A_386, %add3A_383, %mul3A_389 : vector<16xi1>, vector<16xf32>
      %neg3A_391 = arith.constant 0.000000e+00 : f32
      %neg3A_392 = vector.broadcast %neg3A_391 : f32 to vector<16xf32>
      %neg3A_393 = arith.subf %neg3A_392, %select_n3A_390 : vector<16xf32>
      %exp3A_394 = math.exp %neg3A_393 : vector<16xf32>
      %add3A_395 = arith.constant 96 : i32
      %add3A_396 = arith.addi %add3A_124, %add3A_395 : i32
      %swap3A_397 = arith.index_cast %add3A_396 : i32 to index
      %swap3A_398 = tpu.vector_load %arg10[%swap3A_397] {strides = array<i32>} : memref<14336xf32, #tpu.memory_space<vmem>>, vector<16xf32>,
      tpu.vector_store %arg10[%swap3A_397], %exp3A_394 {strides = array<i32>} : memref<14336xf32, #tpu.memory_space<vmem>>, vector<16xf32>,
      %mul3A_399 = arith.mulf %exp3A_394, %gather3A_380 : vector<16xf32>
      %add3A_400 = arith.constant 96 : i32
      %add3A_401 = arith.addi %add3A_124, %add3A_400 : i32
      %swap3A_402 = arith.index_cast %add3A_401 : i32 to index
      %swap3A_403 = tpu.vector_load %arg11[%swap3A_402] {strides = array<i32>} : memref<14336xf32, #tpu.memory_space<vmem>>, vector<16xf32>,
      tpu.vector_store %arg11[%swap3A_402], %mul3A_399 {strides = array<i32>} : memref<14336xf32, #tpu.memory_space<vmem>>, vector<16xf32>,
      %get3A_404 = arith.index_cast %scan3A_120 : i32 to index
      %get3A_405 = arith.constant 112 : index
      %get3A_406 = tpu.vector_load %arg8[%get3A_404, %get3A_405] {strides = array<i32>} : memref<56x128xi32, #tpu.memory_space<vmem>>, vector<16xi32>,
      %and3A_407 = arith.constant 65535 : i32
      %and3A_408 = vector.broadcast %and3A_407 : i32 to vector<16xi32>
      %and3A_409 = arith.andi %get3A_406, %and3A_408 : vector<16xi32>
      %shift_right_arithmetic3A_410 = arith.constant 16 : i32
      %shift_right_arithmetic3A_411 = vector.broadcast %shift_right_arithmetic3A_410 : i32 to vector<16xi32>
      %shift_right_arithmetic3A_412 = arith.shrsi %get3A_406, %shift_right_arithmetic3A_411 : vector<16xi32>
      %and3A_413 = arith.constant 65535 : i32
      %and3A_414 = vector.broadcast %and3A_413 : i32 to vector<16xi32>
      %and3A_415 = arith.andi %shift_right_arithmetic3A_412, %and3A_414 : vector<16xi32>
      %add3A_416 = arith.constant 112 : i32
      %add3A_417 = arith.addi %add3A_124, %add3A_416 : i32
      %swap3A_418 = arith.index_cast %add3A_417 : i32 to index
      %swap3A_419 = tpu.vector_load %arg9[%swap3A_418] {strides = array<i32>} : memref<14336xi32, #tpu.memory_space<vmem>>, vector<16xi32>,
      tpu.vector_store %arg9[%swap3A_418], %and3A_409 {strides = array<i32>} : memref<14336xi32, #tpu.memory_space<vmem>>, vector<16xi32>,
      %gather3A_420 = tpu.vector_load_idx %arg7[%and3A_409] : memref<50176xf32, #tpu.memory_space<vmem>>[vector<16xi32>], vector<16xf32>,
      %gather3A_421 = tpu.vector_load_idx %arg7[%and3A_415] : memref<50176xf32, #tpu.memory_space<vmem>>[vector<16xi32>], vector<16xf32>,
      %mul3A_422 = arith.mulf %get3A_1, %gather3A_420 : vector<16xf32>
      %mul3A_423 = arith.mulf %get3A_3, %gather3A_421 : vector<16xf32>
      %add3A_424 = arith.addf %mul3A_422, %mul3A_423 : vector<16xf32>
      %ge3A_425 = arith.constant 0.000000e+00 : f32
      %ge3A_426 = vector.broadcast %ge3A_425 : f32 to vector<16xf32>
      %ge3A_427 = arith.cmpf oge, %add3A_424, %ge3A_426 : vector<16xf32>
      %mul3A_428 = arith.constant 2.000000e-01 : f32
      %mul3A_429 = vector.broadcast %mul3A_428 : f32 to vector<16xf32>
      %mul3A_430 = arith.mulf %mul3A_429, %add3A_424 : vector<16xf32>
      %select_n3A_431 = arith.select %ge3A_427, %add3A_424, %mul3A_430 : vector<16xi1>, vector<16xf32>
      %neg3A_432 = arith.constant 0.000000e+00 : f32
      %neg3A_433 = vector.broadcast %neg3A_432 : f32 to vector<16xf32>
      %neg3A_434 = arith.subf %neg3A_433, %select_n3A_431 : vector<16xf32>
      %exp3A_435 = math.exp %neg3A_434 : vector<16xf32>
      %add3A_436 = arith.constant 112 : i32
      %add3A_437 = arith.addi %add3A_124, %add3A_436 : i32
      %swap3A_438 = arith.index_cast %add3A_437 : i32 to index
      %swap3A_439 = tpu.vector_load %arg10[%swap3A_438] {strides = array<i32>} : memref<14336xf32, #tpu.memory_space<vmem>>, vector<16xf32>,
      tpu.vector_store %arg10[%swap3A_438], %exp3A_435 {strides = array<i32>} : memref<14336xf32, #tpu.memory_space<vmem>>, vector<16xf32>,
      %mul3A_440 = arith.mulf %exp3A_435, %gather3A_421 : vector<16xf32>
      %add3A_441 = arith.constant 112 : i32
      %add3A_442 = arith.addi %add3A_124, %add3A_441 : i32
      %swap3A_443 = arith.index_cast %add3A_442 : i32 to index
      %swap3A_444 = tpu.vector_load %arg11[%swap3A_443] {strides = array<i32>} : memref<14336xf32, #tpu.memory_space<vmem>>, vector<16xf32>,
      tpu.vector_store %arg11[%swap3A_443], %mul3A_440 {strides = array<i32>} : memref<14336xf32, #tpu.memory_space<vmem>>, vector<16xf32>,
      %dma_start3A = tpu.memref_slice %arg10[%add3A_124] : memref<14336xf32, #tpu.memory_space<vmem>> -> memref<128xf32, #tpu.memory_space<vmem>>
      %dma_start3A_445 = tpu.memref_slice %arg9[%add3A_124] : memref<14336xi32, #tpu.memory_space<vmem>> -> memref<128xi32, #tpu.memory_space<vmem>>
      %dma_start3A_446 = arith.constant 0 : i32
      %dma_start3A_447 = tpu.memref_slice %arg14[%dma_start3A_446] : memref<50176xf32, #tpu.memory_space<vmem_shared>> -> memref<50176xf32, #tpu.memory_space<vmem_shared>>
      tpu.enqueue_indirect_dma source(%dma_start3A : memref<128xf32, #tpu.memory_space<vmem>>) target(%dma_start3A_447 : memref<50176xf32, #tpu.memory_space<vmem_shared>>) offsets(%dma_start3A_445 : memref<128xi32, #tpu.memory_space<vmem>>) semaphore(%arg16 : memref<!tpu.dma_semaphore, #tpu.memory_space<semaphore_mem>>) {add = true}
      %dma_start3A_448 = tpu.memref_slice %arg11[%add3A_124] : memref<14336xf32, #tpu.memory_space<vmem>> -> memref<128xf32, #tpu.memory_space<vmem>>
      %dma_start3A_449 = tpu.memref_slice %arg9[%add3A_124] : memref<14336xi32, #tpu.memory_space<vmem>> -> memref<128xi32, #tpu.memory_space<vmem>>
      %dma_start3A_450 = arith.constant 0 : i32
      %dma_start3A_451 = tpu.memref_slice %arg15[%dma_start3A_450] : memref<50176xf32, #tpu.memory_space<vmem_shared>> -> memref<50176xf32, #tpu.memory_space<vmem_shared>>
      tpu.enqueue_indirect_dma source(%dma_start3A_448 : memref<128xf32, #tpu.memory_space<vmem>>) target(%dma_start3A_451 : memref<50176xf32, #tpu.memory_space<vmem_shared>>) offsets(%dma_start3A_449 : memref<128xi32, #tpu.memory_space<vmem>>) semaphore(%arg16 : memref<!tpu.dma_semaphore, #tpu.memory_space<semaphore_mem>>) {add = true}
    }
    %scan3A_30 = arith.constant 56 : i32
    %add3A_31 = arith.constant 112 : i32
    %add3A_32 = arith.addi %mul3A_14, %add3A_31 : i32
    %dma_wait3A = arith.constant 0 : i32
    %dma_wait3A_33 = tpu.memref_slice %arg10[%dma_wait3A] : memref<14336xf32, #tpu.memory_space<vmem>> -> memref<7168xf32, #tpu.memory_space<vmem>>
    %dma_wait3A_34 = arith.constant 0 : i32
    %dma_wait3A_35 = tpu.memref_slice %arg2[%dma_wait3A_34] : memref<50176xf32, #tpu.memory_space<hbm>> -> memref<7168xf32, #tpu.memory_space<hbm>>
    %dma_wait3A_36 = arith.constant 0 : i32
    %dma_wait3A_37 = tpu.memref_slice %arg10[%dma_wait3A_36] : memref<14336xf32, #tpu.memory_space<vmem>> -> memref<7168xf32, #tpu.memory_space<vmem>>
    %dma_wait3A_38 = arith.constant 0 : i32
    %dma_wait3A_39 = tpu.memref_slice %arg2[%dma_wait3A_38] : memref<50176xf32, #tpu.memory_space<hbm>> -> memref<7168xf32, #tpu.memory_space<hbm>>
    tpu.wait_dma2 semaphore(%arg16 : memref<!tpu.dma_semaphore, #tpu.memory_space<semaphore_mem>>) src(%dma_wait3A_39 : memref<7168xf32, #tpu.memory_space<hbm>>) dst(%dma_wait3A_37 : memref<7168xf32, #tpu.memory_space<vmem>>)
    %dma_wait3A_40 = arith.constant 0 : i32
    %dma_wait3A_41 = tpu.memref_slice %arg11[%dma_wait3A_40] : memref<14336xf32, #tpu.memory_space<vmem>> -> memref<7168xf32, #tpu.memory_space<vmem>>
    %dma_wait3A_42 = arith.constant 0 : i32
    %dma_wait3A_43 = tpu.memref_slice %arg2[%dma_wait3A_42] : memref<50176xf32, #tpu.memory_space<hbm>> -> memref<7168xf32, #tpu.memory_space<hbm>>
    %dma_wait3A_44 = arith.constant 0 : i32
    %dma_wait3A_45 = tpu.memref_slice %arg11[%dma_wait3A_44] : memref<14336xf32, #tpu.memory_space<vmem>> -> memref<7168xf32, #tpu.memory_space<vmem>>
    %dma_wait3A_46 = arith.constant 0 : i32
    %dma_wait3A_47 = tpu.memref_slice %arg2[%dma_wait3A_46] : memref<50176xf32, #tpu.memory_space<hbm>> -> memref<7168xf32, #tpu.memory_space<hbm>>
    tpu.wait_dma2 semaphore(%arg16 : memref<!tpu.dma_semaphore, #tpu.memory_space<semaphore_mem>>) src(%dma_wait3A_47 : memref<7168xf32, #tpu.memory_space<hbm>>) dst(%dma_wait3A_45 : memref<7168xf32, #tpu.memory_space<vmem>>)
    "tpu.region"() ({
      %run_scoped3A = tpu.sem_alloc : memref<!tpu.dma_semaphore, #tpu.memory_space<semaphore_mem>>
      %dma_start3A = arith.constant 0 : i32
      %dma_start3A_120 = arith.constant 0 : i32
      %dma_start3A_121 = tpu.memref_slice %arg8[%dma_start3A, %dma_start3A_120] : memref<56x128xi32, #tpu.memory_space<vmem>> -> memref<56x128xi32, #tpu.memory_space<vmem>>
      %dma_start3A_122 = arith.constant 0 : i32
      %dma_start3A_123 = tpu.memref_slice %arg3[%add3A_32, %dma_start3A_122] : memref<6656x128xi32, #tpu.memory_space<hbm>> -> memref<56x128xi32, #tpu.memory_space<hbm>>
      %dma_start3A_124 = arith.constant 0 : i32
      %dma_start3A_125 = arith.constant 0 : i32
      %dma_start3A_126 = tpu.memref_slice %arg8[%dma_start3A_124, %dma_start3A_125] : memref<56x128xi32, #tpu.memory_space<vmem>> -> memref<56x128xi32, #tpu.memory_space<vmem>>
      %dma_start3A_127 = arith.constant 0 : i32
      %dma_start3A_128 = tpu.memref_slice %arg3[%add3A_32, %dma_start3A_127] : memref<6656x128xi32, #tpu.memory_space<hbm>> -> memref<56x128xi32, #tpu.memory_space<hbm>>
      tpu.enqueue_dma source(%dma_start3A_128 : memref<56x128xi32, #tpu.memory_space<hbm>>) target(%dma_start3A_126 : memref<56x128xi32, #tpu.memory_space<vmem>>) target_semaphore(%run_scoped3A : memref<!tpu.dma_semaphore, #tpu.memory_space<semaphore_mem>>)
      %dma_wait3A_129 = arith.constant 0 : i32
      %dma_wait3A_130 = arith.constant 0 : i32
      %dma_wait3A_131 = tpu.memref_slice %arg8[%dma_wait3A_129, %dma_wait3A_130] : memref<56x128xi32, #tpu.memory_space<vmem>> -> memref<56x128xi32, #tpu.memory_space<vmem>>
      %dma_wait3A_132 = arith.constant 0 : i32
      %dma_wait3A_133 = tpu.memref_slice %arg3[%add3A_32, %dma_wait3A_132] : memref<6656x128xi32, #tpu.memory_space<hbm>> -> memref<56x128xi32, #tpu.memory_space<hbm>>
      %dma_wait3A_134 = arith.constant 0 : i32
      %dma_wait3A_135 = arith.constant 0 : i32
      %dma_wait3A_136 = tpu.memref_slice %arg8[%dma_wait3A_134, %dma_wait3A_135] : memref<56x128xi32, #tpu.memory_space<vmem>> -> memref<56x128xi32, #tpu.memory_space<vmem>>
      %dma_wait3A_137 = arith.constant 0 : i32
      %dma_wait3A_138 = tpu.memref_slice %arg3[%add3A_32, %dma_wait3A_137] : memref<6656x128xi32, #tpu.memory_space<hbm>> -> memref<56x128xi32, #tpu.memory_space<hbm>>
      tpu.wait_dma2 semaphore(%run_scoped3A : memref<!tpu.dma_semaphore, #tpu.memory_space<semaphore_mem>>) src(%dma_wait3A_138 : memref<56x128xi32, #tpu.memory_space<hbm>>) dst(%dma_wait3A_136 : memref<56x128xi32, #tpu.memory_space<vmem>>)
      tpu.yield
    }) : () -> ()
    %scan3A_48 = arith.constant 0 : i32
    %scan3A_49 = arith.constant 0 : i32
    %scan3A_50 = arith.constant 56 : i32
    %scan3A_51 = arith.addi %scan3A_49, %scan3A_50 : i32
    %scan3A_52 = arith.constant 1 : i32
    scf.for %scan3A_120 = %scan3A_49 to %scan3A_51 step %scan3A_52  : i32 {
      %mul3A_121 = arith.constant 128 : i32
      %mul3A_122 = arith.muli %scan3A_120, %mul3A_121 : i32
      %add3A_123 = arith.constant 0 : i32
      %add3A_124 = arith.addi %add3A_123, %mul3A_122 : i32
      %get3A_125 = arith.index_cast %scan3A_120 : i32 to index
      %get3A_126 = arith.constant 0 : index
      %get3A_127 = tpu.vector_load %arg8[%get3A_125, %get3A_126] {strides = array<i32>} : memref<56x128xi32, #tpu.memory_space<vmem>>, vector<16xi32>,
      %and3A = arith.constant 65535 : i32
      %and3A_128 = vector.broadcast %and3A : i32 to vector<16xi32>
      %and3A_129 = arith.andi %get3A_127, %and3A_128 : vector<16xi32>
      %shift_right_arithmetic3A = arith.constant 16 : i32
      %shift_right_arithmetic3A_130 = vector.broadcast %shift_right_arithmetic3A : i32 to vector<16xi32>
      %shift_right_arithmetic3A_131 = arith.shrsi %get3A_127, %shift_right_arithmetic3A_130 : vector<16xi32>
      %and3A_132 = arith.constant 65535 : i32
      %and3A_133 = vector.broadcast %and3A_132 : i32 to vector<16xi32>
      %and3A_134 = arith.andi %shift_right_arithmetic3A_131, %and3A_133 : vector<16xi32>
      %add3A_135 = arith.constant 0 : i32
      %add3A_136 = arith.addi %add3A_124, %add3A_135 : i32
      %swap3A = arith.index_cast %add3A_136 : i32 to index
      %swap3A_137 = tpu.vector_load %arg9[%swap3A] {strides = array<i32>} : memref<14336xi32, #tpu.memory_space<vmem>>, vector<16xi32>,
      tpu.vector_store %arg9[%swap3A], %and3A_129 {strides = array<i32>} : memref<14336xi32, #tpu.memory_space<vmem>>, vector<16xi32>,
      %gather3A = tpu.vector_load_idx %arg7[%and3A_129] : memref<50176xf32, #tpu.memory_space<vmem>>[vector<16xi32>], vector<16xf32>,
      %gather3A_138 = tpu.vector_load_idx %arg7[%and3A_134] : memref<50176xf32, #tpu.memory_space<vmem>>[vector<16xi32>], vector<16xf32>,
      %mul3A_139 = arith.mulf %get3A_1, %gather3A : vector<16xf32>
      %mul3A_140 = arith.mulf %get3A_3, %gather3A_138 : vector<16xf32>
      %add3A_141 = arith.addf %mul3A_139, %mul3A_140 : vector<16xf32>
      %ge3A = arith.constant 0.000000e+00 : f32
      %ge3A_142 = vector.broadcast %ge3A : f32 to vector<16xf32>
      %ge3A_143 = arith.cmpf oge, %add3A_141, %ge3A_142 : vector<16xf32>
      %mul3A_144 = arith.constant 2.000000e-01 : f32
      %mul3A_145 = vector.broadcast %mul3A_144 : f32 to vector<16xf32>
      %mul3A_146 = arith.mulf %mul3A_145, %add3A_141 : vector<16xf32>
      %select_n3A = arith.select %ge3A_143, %add3A_141, %mul3A_146 : vector<16xi1>, vector<16xf32>
      %neg3A = arith.constant 0.000000e+00 : f32
      %neg3A_147 = vector.broadcast %neg3A : f32 to vector<16xf32>
      %neg3A_148 = arith.subf %neg3A_147, %select_n3A : vector<16xf32>
      %exp3A = math.exp %neg3A_148 : vector<16xf32>
      %add3A_149 = arith.constant 0 : i32
      %add3A_150 = arith.addi %add3A_124, %add3A_149 : i32
      %swap3A_151 = arith.index_cast %add3A_150 : i32 to index
      %swap3A_152 = tpu.vector_load %arg10[%swap3A_151] {strides = array<i32>} : memref<14336xf32, #tpu.memory_space<vmem>>, vector<16xf32>,
      tpu.vector_store %arg10[%swap3A_151], %exp3A {strides = array<i32>} : memref<14336xf32, #tpu.memory_space<vmem>>, vector<16xf32>,
      %mul3A_153 = arith.mulf %exp3A, %gather3A_138 : vector<16xf32>
      %add3A_154 = arith.constant 0 : i32
      %add3A_155 = arith.addi %add3A_124, %add3A_154 : i32
      %swap3A_156 = arith.index_cast %add3A_155 : i32 to index
      %swap3A_157 = tpu.vector_load %arg11[%swap3A_156] {strides = array<i32>} : memref<14336xf32, #tpu.memory_space<vmem>>, vector<16xf32>,
      tpu.vector_store %arg11[%swap3A_156], %mul3A_153 {strides = array<i32>} : memref<14336xf32, #tpu.memory_space<vmem>>, vector<16xf32>,
      %get3A_158 = arith.index_cast %scan3A_120 : i32 to index
      %get3A_159 = arith.constant 16 : index
      %get3A_160 = tpu.vector_load %arg8[%get3A_158, %get3A_159] {strides = array<i32>} : memref<56x128xi32, #tpu.memory_space<vmem>>, vector<16xi32>,
      %and3A_161 = arith.constant 65535 : i32
      %and3A_162 = vector.broadcast %and3A_161 : i32 to vector<16xi32>
      %and3A_163 = arith.andi %get3A_160, %and3A_162 : vector<16xi32>
      %shift_right_arithmetic3A_164 = arith.constant 16 : i32
      %shift_right_arithmetic3A_165 = vector.broadcast %shift_right_arithmetic3A_164 : i32 to vector<16xi32>
      %shift_right_arithmetic3A_166 = arith.shrsi %get3A_160, %shift_right_arithmetic3A_165 : vector<16xi32>
      %and3A_167 = arith.constant 65535 : i32
      %and3A_168 = vector.broadcast %and3A_167 : i32 to vector<16xi32>
      %and3A_169 = arith.andi %shift_right_arithmetic3A_166, %and3A_168 : vector<16xi32>
      %add3A_170 = arith.constant 16 : i32
      %add3A_171 = arith.addi %add3A_124, %add3A_170 : i32
      %swap3A_172 = arith.index_cast %add3A_171 : i32 to index
      %swap3A_173 = tpu.vector_load %arg9[%swap3A_172] {strides = array<i32>} : memref<14336xi32, #tpu.memory_space<vmem>>, vector<16xi32>,
      tpu.vector_store %arg9[%swap3A_172], %and3A_163 {strides = array<i32>} : memref<14336xi32, #tpu.memory_space<vmem>>, vector<16xi32>,
      %gather3A_174 = tpu.vector_load_idx %arg7[%and3A_163] : memref<50176xf32, #tpu.memory_space<vmem>>[vector<16xi32>], vector<16xf32>,
      %gather3A_175 = tpu.vector_load_idx %arg7[%and3A_169] : memref<50176xf32, #tpu.memory_space<vmem>>[vector<16xi32>], vector<16xf32>,
      %mul3A_176 = arith.mulf %get3A_1, %gather3A_174 : vector<16xf32>
      %mul3A_177 = arith.mulf %get3A_3, %gather3A_175 : vector<16xf32>
      %add3A_178 = arith.addf %mul3A_176, %mul3A_177 : vector<16xf32>
      %ge3A_179 = arith.constant 0.000000e+00 : f32
      %ge3A_180 = vector.broadcast %ge3A_179 : f32 to vector<16xf32>
      %ge3A_181 = arith.cmpf oge, %add3A_178, %ge3A_180 : vector<16xf32>
      %mul3A_182 = arith.constant 2.000000e-01 : f32
      %mul3A_183 = vector.broadcast %mul3A_182 : f32 to vector<16xf32>
      %mul3A_184 = arith.mulf %mul3A_183, %add3A_178 : vector<16xf32>
      %select_n3A_185 = arith.select %ge3A_181, %add3A_178, %mul3A_184 : vector<16xi1>, vector<16xf32>
      %neg3A_186 = arith.constant 0.000000e+00 : f32
      %neg3A_187 = vector.broadcast %neg3A_186 : f32 to vector<16xf32>
      %neg3A_188 = arith.subf %neg3A_187, %select_n3A_185 : vector<16xf32>
      %exp3A_189 = math.exp %neg3A_188 : vector<16xf32>
      %add3A_190 = arith.constant 16 : i32
      %add3A_191 = arith.addi %add3A_124, %add3A_190 : i32
      %swap3A_192 = arith.index_cast %add3A_191 : i32 to index
      %swap3A_193 = tpu.vector_load %arg10[%swap3A_192] {strides = array<i32>} : memref<14336xf32, #tpu.memory_space<vmem>>, vector<16xf32>,
      tpu.vector_store %arg10[%swap3A_192], %exp3A_189 {strides = array<i32>} : memref<14336xf32, #tpu.memory_space<vmem>>, vector<16xf32>,
      %mul3A_194 = arith.mulf %exp3A_189, %gather3A_175 : vector<16xf32>
      %add3A_195 = arith.constant 16 : i32
      %add3A_196 = arith.addi %add3A_124, %add3A_195 : i32
      %swap3A_197 = arith.index_cast %add3A_196 : i32 to index
      %swap3A_198 = tpu.vector_load %arg11[%swap3A_197] {strides = array<i32>} : memref<14336xf32, #tpu.memory_space<vmem>>, vector<16xf32>,
      tpu.vector_store %arg11[%swap3A_197], %mul3A_194 {strides = array<i32>} : memref<14336xf32, #tpu.memory_space<vmem>>, vector<16xf32>,
      %get3A_199 = arith.index_cast %scan3A_120 : i32 to index
      %get3A_200 = arith.constant 32 : index
      %get3A_201 = tpu.vector_load %arg8[%get3A_199, %get3A_200] {strides = array<i32>} : memref<56x128xi32, #tpu.memory_space<vmem>>, vector<16xi32>,
      %and3A_202 = arith.constant 65535 : i32
      %and3A_203 = vector.broadcast %and3A_202 : i32 to vector<16xi32>
      %and3A_204 = arith.andi %get3A_201, %and3A_203 : vector<16xi32>
      %shift_right_arithmetic3A_205 = arith.constant 16 : i32
      %shift_right_arithmetic3A_206 = vector.broadcast %shift_right_arithmetic3A_205 : i32 to vector<16xi32>
      %shift_right_arithmetic3A_207 = arith.shrsi %get3A_201, %shift_right_arithmetic3A_206 : vector<16xi32>
      %and3A_208 = arith.constant 65535 : i32
      %and3A_209 = vector.broadcast %and3A_208 : i32 to vector<16xi32>
      %and3A_210 = arith.andi %shift_right_arithmetic3A_207, %and3A_209 : vector<16xi32>
      %add3A_211 = arith.constant 32 : i32
      %add3A_212 = arith.addi %add3A_124, %add3A_211 : i32
      %swap3A_213 = arith.index_cast %add3A_212 : i32 to index
      %swap3A_214 = tpu.vector_load %arg9[%swap3A_213] {strides = array<i32>} : memref<14336xi32, #tpu.memory_space<vmem>>, vector<16xi32>,
      tpu.vector_store %arg9[%swap3A_213], %and3A_204 {strides = array<i32>} : memref<14336xi32, #tpu.memory_space<vmem>>, vector<16xi32>,
      %gather3A_215 = tpu.vector_load_idx %arg7[%and3A_204] : memref<50176xf32, #tpu.memory_space<vmem>>[vector<16xi32>], vector<16xf32>,
      %gather3A_216 = tpu.vector_load_idx %arg7[%and3A_210] : memref<50176xf32, #tpu.memory_space<vmem>>[vector<16xi32>], vector<16xf32>,
      %mul3A_217 = arith.mulf %get3A_1, %gather3A_215 : vector<16xf32>
      %mul3A_218 = arith.mulf %get3A_3, %gather3A_216 : vector<16xf32>
      %add3A_219 = arith.addf %mul3A_217, %mul3A_218 : vector<16xf32>
      %ge3A_220 = arith.constant 0.000000e+00 : f32
      %ge3A_221 = vector.broadcast %ge3A_220 : f32 to vector<16xf32>
      %ge3A_222 = arith.cmpf oge, %add3A_219, %ge3A_221 : vector<16xf32>
      %mul3A_223 = arith.constant 2.000000e-01 : f32
      %mul3A_224 = vector.broadcast %mul3A_223 : f32 to vector<16xf32>
      %mul3A_225 = arith.mulf %mul3A_224, %add3A_219 : vector<16xf32>
      %select_n3A_226 = arith.select %ge3A_222, %add3A_219, %mul3A_225 : vector<16xi1>, vector<16xf32>
      %neg3A_227 = arith.constant 0.000000e+00 : f32
      %neg3A_228 = vector.broadcast %neg3A_227 : f32 to vector<16xf32>
      %neg3A_229 = arith.subf %neg3A_228, %select_n3A_226 : vector<16xf32>
      %exp3A_230 = math.exp %neg3A_229 : vector<16xf32>
      %add3A_231 = arith.constant 32 : i32
      %add3A_232 = arith.addi %add3A_124, %add3A_231 : i32
      %swap3A_233 = arith.index_cast %add3A_232 : i32 to index
      %swap3A_234 = tpu.vector_load %arg10[%swap3A_233] {strides = array<i32>} : memref<14336xf32, #tpu.memory_space<vmem>>, vector<16xf32>,
      tpu.vector_store %arg10[%swap3A_233], %exp3A_230 {strides = array<i32>} : memref<14336xf32, #tpu.memory_space<vmem>>, vector<16xf32>,
      %mul3A_235 = arith.mulf %exp3A_230, %gather3A_216 : vector<16xf32>
      %add3A_236 = arith.constant 32 : i32
      %add3A_237 = arith.addi %add3A_124, %add3A_236 : i32
      %swap3A_238 = arith.index_cast %add3A_237 : i32 to index
      %swap3A_239 = tpu.vector_load %arg11[%swap3A_238] {strides = array<i32>} : memref<14336xf32, #tpu.memory_space<vmem>>, vector<16xf32>,
      tpu.vector_store %arg11[%swap3A_238], %mul3A_235 {strides = array<i32>} : memref<14336xf32, #tpu.memory_space<vmem>>, vector<16xf32>,
      %get3A_240 = arith.index_cast %scan3A_120 : i32 to index
      %get3A_241 = arith.constant 48 : index
      %get3A_242 = tpu.vector_load %arg8[%get3A_240, %get3A_241] {strides = array<i32>} : memref<56x128xi32, #tpu.memory_space<vmem>>, vector<16xi32>,
      %and3A_243 = arith.constant 65535 : i32
      %and3A_244 = vector.broadcast %and3A_243 : i32 to vector<16xi32>
      %and3A_245 = arith.andi %get3A_242, %and3A_244 : vector<16xi32>
      %shift_right_arithmetic3A_246 = arith.constant 16 : i32
      %shift_right_arithmetic3A_247 = vector.broadcast %shift_right_arithmetic3A_246 : i32 to vector<16xi32>
      %shift_right_arithmetic3A_248 = arith.shrsi %get3A_242, %shift_right_arithmetic3A_247 : vector<16xi32>
      %and3A_249 = arith.constant 65535 : i32
      %and3A_250 = vector.broadcast %and3A_249 : i32 to vector<16xi32>
      %and3A_251 = arith.andi %shift_right_arithmetic3A_248, %and3A_250 : vector<16xi32>
      %add3A_252 = arith.constant 48 : i32
      %add3A_253 = arith.addi %add3A_124, %add3A_252 : i32
      %swap3A_254 = arith.index_cast %add3A_253 : i32 to index
      %swap3A_255 = tpu.vector_load %arg9[%swap3A_254] {strides = array<i32>} : memref<14336xi32, #tpu.memory_space<vmem>>, vector<16xi32>,
      tpu.vector_store %arg9[%swap3A_254], %and3A_245 {strides = array<i32>} : memref<14336xi32, #tpu.memory_space<vmem>>, vector<16xi32>,
      %gather3A_256 = tpu.vector_load_idx %arg7[%and3A_245] : memref<50176xf32, #tpu.memory_space<vmem>>[vector<16xi32>], vector<16xf32>,
      %gather3A_257 = tpu.vector_load_idx %arg7[%and3A_251] : memref<50176xf32, #tpu.memory_space<vmem>>[vector<16xi32>], vector<16xf32>,
      %mul3A_258 = arith.mulf %get3A_1, %gather3A_256 : vector<16xf32>
      %mul3A_259 = arith.mulf %get3A_3, %gather3A_257 : vector<16xf32>
      %add3A_260 = arith.addf %mul3A_258, %mul3A_259 : vector<16xf32>
      %ge3A_261 = arith.constant 0.000000e+00 : f32
      %ge3A_262 = vector.broadcast %ge3A_261 : f32 to vector<16xf32>
      %ge3A_263 = arith.cmpf oge, %add3A_260, %ge3A_262 : vector<16xf32>
      %mul3A_264 = arith.constant 2.000000e-01 : f32
      %mul3A_265 = vector.broadcast %mul3A_264 : f32 to vector<16xf32>
      %mul3A_266 = arith.mulf %mul3A_265, %add3A_260 : vector<16xf32>
      %select_n3A_267 = arith.select %ge3A_263, %add3A_260, %mul3A_266 : vector<16xi1>, vector<16xf32>
      %neg3A_268 = arith.constant 0.000000e+00 : f32
      %neg3A_269 = vector.broadcast %neg3A_268 : f32 to vector<16xf32>
      %neg3A_270 = arith.subf %neg3A_269, %select_n3A_267 : vector<16xf32>
      %exp3A_271 = math.exp %neg3A_270 : vector<16xf32>
      %add3A_272 = arith.constant 48 : i32
      %add3A_273 = arith.addi %add3A_124, %add3A_272 : i32
      %swap3A_274 = arith.index_cast %add3A_273 : i32 to index
      %swap3A_275 = tpu.vector_load %arg10[%swap3A_274] {strides = array<i32>} : memref<14336xf32, #tpu.memory_space<vmem>>, vector<16xf32>,
      tpu.vector_store %arg10[%swap3A_274], %exp3A_271 {strides = array<i32>} : memref<14336xf32, #tpu.memory_space<vmem>>, vector<16xf32>,
      %mul3A_276 = arith.mulf %exp3A_271, %gather3A_257 : vector<16xf32>
      %add3A_277 = arith.constant 48 : i32
      %add3A_278 = arith.addi %add3A_124, %add3A_277 : i32
      %swap3A_279 = arith.index_cast %add3A_278 : i32 to index
      %swap3A_280 = tpu.vector_load %arg11[%swap3A_279] {strides = array<i32>} : memref<14336xf32, #tpu.memory_space<vmem>>, vector<16xf32>,
      tpu.vector_store %arg11[%swap3A_279], %mul3A_276 {strides = array<i32>} : memref<14336xf32, #tpu.memory_space<vmem>>, vector<16xf32>,
      %get3A_281 = arith.index_cast %scan3A_120 : i32 to index
      %get3A_282 = arith.constant 64 : index
      %get3A_283 = tpu.vector_load %arg8[%get3A_281, %get3A_282] {strides = array<i32>} : memref<56x128xi32, #tpu.memory_space<vmem>>, vector<16xi32>,
      %and3A_284 = arith.constant 65535 : i32
      %and3A_285 = vector.broadcast %and3A_284 : i32 to vector<16xi32>
      %and3A_286 = arith.andi %get3A_283, %and3A_285 : vector<16xi32>
      %shift_right_arithmetic3A_287 = arith.constant 16 : i32
      %shift_right_arithmetic3A_288 = vector.broadcast %shift_right_arithmetic3A_287 : i32 to vector<16xi32>
      %shift_right_arithmetic3A_289 = arith.shrsi %get3A_283, %shift_right_arithmetic3A_288 : vector<16xi32>
      %and3A_290 = arith.constant 65535 : i32
      %and3A_291 = vector.broadcast %and3A_290 : i32 to vector<16xi32>
      %and3A_292 = arith.andi %shift_right_arithmetic3A_289, %and3A_291 : vector<16xi32>
      %add3A_293 = arith.constant 64 : i32
      %add3A_294 = arith.addi %add3A_124, %add3A_293 : i32
      %swap3A_295 = arith.index_cast %add3A_294 : i32 to index
      %swap3A_296 = tpu.vector_load %arg9[%swap3A_295] {strides = array<i32>} : memref<14336xi32, #tpu.memory_space<vmem>>, vector<16xi32>,
      tpu.vector_store %arg9[%swap3A_295], %and3A_286 {strides = array<i32>} : memref<14336xi32, #tpu.memory_space<vmem>>, vector<16xi32>,
      %gather3A_297 = tpu.vector_load_idx %arg7[%and3A_286] : memref<50176xf32, #tpu.memory_space<vmem>>[vector<16xi32>], vector<16xf32>,
      %gather3A_298 = tpu.vector_load_idx %arg7[%and3A_292] : memref<50176xf32, #tpu.memory_space<vmem>>[vector<16xi32>], vector<16xf32>,
      %mul3A_299 = arith.mulf %get3A_1, %gather3A_297 : vector<16xf32>
      %mul3A_300 = arith.mulf %get3A_3, %gather3A_298 : vector<16xf32>
      %add3A_301 = arith.addf %mul3A_299, %mul3A_300 : vector<16xf32>
      %ge3A_302 = arith.constant 0.000000e+00 : f32
      %ge3A_303 = vector.broadcast %ge3A_302 : f32 to vector<16xf32>
      %ge3A_304 = arith.cmpf oge, %add3A_301, %ge3A_303 : vector<16xf32>
      %mul3A_305 = arith.constant 2.000000e-01 : f32
      %mul3A_306 = vector.broadcast %mul3A_305 : f32 to vector<16xf32>
      %mul3A_307 = arith.mulf %mul3A_306, %add3A_301 : vector<16xf32>
      %select_n3A_308 = arith.select %ge3A_304, %add3A_301, %mul3A_307 : vector<16xi1>, vector<16xf32>
      %neg3A_309 = arith.constant 0.000000e+00 : f32
      %neg3A_310 = vector.broadcast %neg3A_309 : f32 to vector<16xf32>
      %neg3A_311 = arith.subf %neg3A_310, %select_n3A_308 : vector<16xf32>
      %exp3A_312 = math.exp %neg3A_311 : vector<16xf32>
      %add3A_313 = arith.constant 64 : i32
      %add3A_314 = arith.addi %add3A_124, %add3A_313 : i32
      %swap3A_315 = arith.index_cast %add3A_314 : i32 to index
      %swap3A_316 = tpu.vector_load %arg10[%swap3A_315] {strides = array<i32>} : memref<14336xf32, #tpu.memory_space<vmem>>, vector<16xf32>,
      tpu.vector_store %arg10[%swap3A_315], %exp3A_312 {strides = array<i32>} : memref<14336xf32, #tpu.memory_space<vmem>>, vector<16xf32>,
      %mul3A_317 = arith.mulf %exp3A_312, %gather3A_298 : vector<16xf32>
      %add3A_318 = arith.constant 64 : i32
      %add3A_319 = arith.addi %add3A_124, %add3A_318 : i32
      %swap3A_320 = arith.index_cast %add3A_319 : i32 to index
      %swap3A_321 = tpu.vector_load %arg11[%swap3A_320] {strides = array<i32>} : memref<14336xf32, #tpu.memory_space<vmem>>, vector<16xf32>,
      tpu.vector_store %arg11[%swap3A_320], %mul3A_317 {strides = array<i32>} : memref<14336xf32, #tpu.memory_space<vmem>>, vector<16xf32>,
      %get3A_322 = arith.index_cast %scan3A_120 : i32 to index
      %get3A_323 = arith.constant 80 : index
      %get3A_324 = tpu.vector_load %arg8[%get3A_322, %get3A_323] {strides = array<i32>} : memref<56x128xi32, #tpu.memory_space<vmem>>, vector<16xi32>,
      %and3A_325 = arith.constant 65535 : i32
      %and3A_326 = vector.broadcast %and3A_325 : i32 to vector<16xi32>
      %and3A_327 = arith.andi %get3A_324, %and3A_326 : vector<16xi32>
      %shift_right_arithmetic3A_328 = arith.constant 16 : i32
      %shift_right_arithmetic3A_329 = vector.broadcast %shift_right_arithmetic3A_328 : i32 to vector<16xi32>
      %shift_right_arithmetic3A_330 = arith.shrsi %get3A_324, %shift_right_arithmetic3A_329 : vector<16xi32>
      %and3A_331 = arith.constant 65535 : i32
      %and3A_332 = vector.broadcast %and3A_331 : i32 to vector<16xi32>
      %and3A_333 = arith.andi %shift_right_arithmetic3A_330, %and3A_332 : vector<16xi32>
      %add3A_334 = arith.constant 80 : i32
      %add3A_335 = arith.addi %add3A_124, %add3A_334 : i32
      %swap3A_336 = arith.index_cast %add3A_335 : i32 to index
      %swap3A_337 = tpu.vector_load %arg9[%swap3A_336] {strides = array<i32>} : memref<14336xi32, #tpu.memory_space<vmem>>, vector<16xi32>,
      tpu.vector_store %arg9[%swap3A_336], %and3A_327 {strides = array<i32>} : memref<14336xi32, #tpu.memory_space<vmem>>, vector<16xi32>,
      %gather3A_338 = tpu.vector_load_idx %arg7[%and3A_327] : memref<50176xf32, #tpu.memory_space<vmem>>[vector<16xi32>], vector<16xf32>,
      %gather3A_339 = tpu.vector_load_idx %arg7[%and3A_333] : memref<50176xf32, #tpu.memory_space<vmem>>[vector<16xi32>], vector<16xf32>,
      %mul3A_340 = arith.mulf %get3A_1, %gather3A_338 : vector<16xf32>
      %mul3A_341 = arith.mulf %get3A_3, %gather3A_339 : vector<16xf32>
      %add3A_342 = arith.addf %mul3A_340, %mul3A_341 : vector<16xf32>
      %ge3A_343 = arith.constant 0.000000e+00 : f32
      %ge3A_344 = vector.broadcast %ge3A_343 : f32 to vector<16xf32>
      %ge3A_345 = arith.cmpf oge, %add3A_342, %ge3A_344 : vector<16xf32>
      %mul3A_346 = arith.constant 2.000000e-01 : f32
      %mul3A_347 = vector.broadcast %mul3A_346 : f32 to vector<16xf32>
      %mul3A_348 = arith.mulf %mul3A_347, %add3A_342 : vector<16xf32>
      %select_n3A_349 = arith.select %ge3A_345, %add3A_342, %mul3A_348 : vector<16xi1>, vector<16xf32>
      %neg3A_350 = arith.constant 0.000000e+00 : f32
      %neg3A_351 = vector.broadcast %neg3A_350 : f32 to vector<16xf32>
      %neg3A_352 = arith.subf %neg3A_351, %select_n3A_349 : vector<16xf32>
      %exp3A_353 = math.exp %neg3A_352 : vector<16xf32>
      %add3A_354 = arith.constant 80 : i32
      %add3A_355 = arith.addi %add3A_124, %add3A_354 : i32
      %swap3A_356 = arith.index_cast %add3A_355 : i32 to index
      %swap3A_357 = tpu.vector_load %arg10[%swap3A_356] {strides = array<i32>} : memref<14336xf32, #tpu.memory_space<vmem>>, vector<16xf32>,
      tpu.vector_store %arg10[%swap3A_356], %exp3A_353 {strides = array<i32>} : memref<14336xf32, #tpu.memory_space<vmem>>, vector<16xf32>,
      %mul3A_358 = arith.mulf %exp3A_353, %gather3A_339 : vector<16xf32>
      %add3A_359 = arith.constant 80 : i32
      %add3A_360 = arith.addi %add3A_124, %add3A_359 : i32
      %swap3A_361 = arith.index_cast %add3A_360 : i32 to index
      %swap3A_362 = tpu.vector_load %arg11[%swap3A_361] {strides = array<i32>} : memref<14336xf32, #tpu.memory_space<vmem>>, vector<16xf32>,
      tpu.vector_store %arg11[%swap3A_361], %mul3A_358 {strides = array<i32>} : memref<14336xf32, #tpu.memory_space<vmem>>, vector<16xf32>,
      %get3A_363 = arith.index_cast %scan3A_120 : i32 to index
      %get3A_364 = arith.constant 96 : index
      %get3A_365 = tpu.vector_load %arg8[%get3A_363, %get3A_364] {strides = array<i32>} : memref<56x128xi32, #tpu.memory_space<vmem>>, vector<16xi32>,
      %and3A_366 = arith.constant 65535 : i32
      %and3A_367 = vector.broadcast %and3A_366 : i32 to vector<16xi32>
      %and3A_368 = arith.andi %get3A_365, %and3A_367 : vector<16xi32>
      %shift_right_arithmetic3A_369 = arith.constant 16 : i32
      %shift_right_arithmetic3A_370 = vector.broadcast %shift_right_arithmetic3A_369 : i32 to vector<16xi32>
      %shift_right_arithmetic3A_371 = arith.shrsi %get3A_365, %shift_right_arithmetic3A_370 : vector<16xi32>
      %and3A_372 = arith.constant 65535 : i32
      %and3A_373 = vector.broadcast %and3A_372 : i32 to vector<16xi32>
      %and3A_374 = arith.andi %shift_right_arithmetic3A_371, %and3A_373 : vector<16xi32>
      %add3A_375 = arith.constant 96 : i32
      %add3A_376 = arith.addi %add3A_124, %add3A_375 : i32
      %swap3A_377 = arith.index_cast %add3A_376 : i32 to index
      %swap3A_378 = tpu.vector_load %arg9[%swap3A_377] {strides = array<i32>} : memref<14336xi32, #tpu.memory_space<vmem>>, vector<16xi32>,
      tpu.vector_store %arg9[%swap3A_377], %and3A_368 {strides = array<i32>} : memref<14336xi32, #tpu.memory_space<vmem>>, vector<16xi32>,
      %gather3A_379 = tpu.vector_load_idx %arg7[%and3A_368] : memref<50176xf32, #tpu.memory_space<vmem>>[vector<16xi32>], vector<16xf32>,
      %gather3A_380 = tpu.vector_load_idx %arg7[%and3A_374] : memref<50176xf32, #tpu.memory_space<vmem>>[vector<16xi32>], vector<16xf32>,
      %mul3A_381 = arith.mulf %get3A_1, %gather3A_379 : vector<16xf32>
      %mul3A_382 = arith.mulf %get3A_3, %gather3A_380 : vector<16xf32>
      %add3A_383 = arith.addf %mul3A_381, %mul3A_382 : vector<16xf32>
      %ge3A_384 = arith.constant 0.000000e+00 : f32
      %ge3A_385 = vector.broadcast %ge3A_384 : f32 to vector<16xf32>
      %ge3A_386 = arith.cmpf oge, %add3A_383, %ge3A_385 : vector<16xf32>
      %mul3A_387 = arith.constant 2.000000e-01 : f32
      %mul3A_388 = vector.broadcast %mul3A_387 : f32 to vector<16xf32>
      %mul3A_389 = arith.mulf %mul3A_388, %add3A_383 : vector<16xf32>
      %select_n3A_390 = arith.select %ge3A_386, %add3A_383, %mul3A_389 : vector<16xi1>, vector<16xf32>
      %neg3A_391 = arith.constant 0.000000e+00 : f32
      %neg3A_392 = vector.broadcast %neg3A_391 : f32 to vector<16xf32>
      %neg3A_393 = arith.subf %neg3A_392, %select_n3A_390 : vector<16xf32>
      %exp3A_394 = math.exp %neg3A_393 : vector<16xf32>
      %add3A_395 = arith.constant 96 : i32
      %add3A_396 = arith.addi %add3A_124, %add3A_395 : i32
      %swap3A_397 = arith.index_cast %add3A_396 : i32 to index
      %swap3A_398 = tpu.vector_load %arg10[%swap3A_397] {strides = array<i32>} : memref<14336xf32, #tpu.memory_space<vmem>>, vector<16xf32>,
      tpu.vector_store %arg10[%swap3A_397], %exp3A_394 {strides = array<i32>} : memref<14336xf32, #tpu.memory_space<vmem>>, vector<16xf32>,
      %mul3A_399 = arith.mulf %exp3A_394, %gather3A_380 : vector<16xf32>
      %add3A_400 = arith.constant 96 : i32
      %add3A_401 = arith.addi %add3A_124, %add3A_400 : i32
      %swap3A_402 = arith.index_cast %add3A_401 : i32 to index
      %swap3A_403 = tpu.vector_load %arg11[%swap3A_402] {strides = array<i32>} : memref<14336xf32, #tpu.memory_space<vmem>>, vector<16xf32>,
      tpu.vector_store %arg11[%swap3A_402], %mul3A_399 {strides = array<i32>} : memref<14336xf32, #tpu.memory_space<vmem>>, vector<16xf32>,
      %get3A_404 = arith.index_cast %scan3A_120 : i32 to index
      %get3A_405 = arith.constant 112 : index
      %get3A_406 = tpu.vector_load %arg8[%get3A_404, %get3A_405] {strides = array<i32>} : memref<56x128xi32, #tpu.memory_space<vmem>>, vector<16xi32>,
      %and3A_407 = arith.constant 65535 : i32
      %and3A_408 = vector.broadcast %and3A_407 : i32 to vector<16xi32>
      %and3A_409 = arith.andi %get3A_406, %and3A_408 : vector<16xi32>
      %shift_right_arithmetic3A_410 = arith.constant 16 : i32
      %shift_right_arithmetic3A_411 = vector.broadcast %shift_right_arithmetic3A_410 : i32 to vector<16xi32>
      %shift_right_arithmetic3A_412 = arith.shrsi %get3A_406, %shift_right_arithmetic3A_411 : vector<16xi32>
      %and3A_413 = arith.constant 65535 : i32
      %and3A_414 = vector.broadcast %and3A_413 : i32 to vector<16xi32>
      %and3A_415 = arith.andi %shift_right_arithmetic3A_412, %and3A_414 : vector<16xi32>
      %add3A_416 = arith.constant 112 : i32
      %add3A_417 = arith.addi %add3A_124, %add3A_416 : i32
      %swap3A_418 = arith.index_cast %add3A_417 : i32 to index
      %swap3A_419 = tpu.vector_load %arg9[%swap3A_418] {strides = array<i32>} : memref<14336xi32, #tpu.memory_space<vmem>>, vector<16xi32>,
      tpu.vector_store %arg9[%swap3A_418], %and3A_409 {strides = array<i32>} : memref<14336xi32, #tpu.memory_space<vmem>>, vector<16xi32>,
      %gather3A_420 = tpu.vector_load_idx %arg7[%and3A_409] : memref<50176xf32, #tpu.memory_space<vmem>>[vector<16xi32>], vector<16xf32>,
      %gather3A_421 = tpu.vector_load_idx %arg7[%and3A_415] : memref<50176xf32, #tpu.memory_space<vmem>>[vector<16xi32>], vector<16xf32>,
      %mul3A_422 = arith.mulf %get3A_1, %gather3A_420 : vector<16xf32>
      %mul3A_423 = arith.mulf %get3A_3, %gather3A_421 : vector<16xf32>
      %add3A_424 = arith.addf %mul3A_422, %mul3A_423 : vector<16xf32>
      %ge3A_425 = arith.constant 0.000000e+00 : f32
      %ge3A_426 = vector.broadcast %ge3A_425 : f32 to vector<16xf32>
      %ge3A_427 = arith.cmpf oge, %add3A_424, %ge3A_426 : vector<16xf32>
      %mul3A_428 = arith.constant 2.000000e-01 : f32
      %mul3A_429 = vector.broadcast %mul3A_428 : f32 to vector<16xf32>
      %mul3A_430 = arith.mulf %mul3A_429, %add3A_424 : vector<16xf32>
      %select_n3A_431 = arith.select %ge3A_427, %add3A_424, %mul3A_430 : vector<16xi1>, vector<16xf32>
      %neg3A_432 = arith.constant 0.000000e+00 : f32
      %neg3A_433 = vector.broadcast %neg3A_432 : f32 to vector<16xf32>
      %neg3A_434 = arith.subf %neg3A_433, %select_n3A_431 : vector<16xf32>
      %exp3A_435 = math.exp %neg3A_434 : vector<16xf32>
      %add3A_436 = arith.constant 112 : i32
      %add3A_437 = arith.addi %add3A_124, %add3A_436 : i32
      %swap3A_438 = arith.index_cast %add3A_437 : i32 to index
      %swap3A_439 = tpu.vector_load %arg10[%swap3A_438] {strides = array<i32>} : memref<14336xf32, #tpu.memory_space<vmem>>, vector<16xf32>,
      tpu.vector_store %arg10[%swap3A_438], %exp3A_435 {strides = array<i32>} : memref<14336xf32, #tpu.memory_space<vmem>>, vector<16xf32>,
      %mul3A_440 = arith.mulf %exp3A_435, %gather3A_421 : vector<16xf32>
      %add3A_441 = arith.constant 112 : i32
      %add3A_442 = arith.addi %add3A_124, %add3A_441 : i32
      %swap3A_443 = arith.index_cast %add3A_442 : i32 to index
      %swap3A_444 = tpu.vector_load %arg11[%swap3A_443] {strides = array<i32>} : memref<14336xf32, #tpu.memory_space<vmem>>, vector<16xf32>,
      tpu.vector_store %arg11[%swap3A_443], %mul3A_440 {strides = array<i32>} : memref<14336xf32, #tpu.memory_space<vmem>>, vector<16xf32>,
      %dma_start3A = tpu.memref_slice %arg10[%add3A_124] : memref<14336xf32, #tpu.memory_space<vmem>> -> memref<128xf32, #tpu.memory_space<vmem>>
      %dma_start3A_445 = tpu.memref_slice %arg9[%add3A_124] : memref<14336xi32, #tpu.memory_space<vmem>> -> memref<128xi32, #tpu.memory_space<vmem>>
      %dma_start3A_446 = arith.constant 0 : i32
      %dma_start3A_447 = tpu.memref_slice %arg14[%dma_start3A_446] : memref<50176xf32, #tpu.memory_space<vmem_shared>> -> memref<50176xf32, #tpu.memory_space<vmem_shared>>
      tpu.enqueue_indirect_dma source(%dma_start3A : memref<128xf32, #tpu.memory_space<vmem>>) target(%dma_start3A_447 : memref<50176xf32, #tpu.memory_space<vmem_shared>>) offsets(%dma_start3A_445 : memref<128xi32, #tpu.memory_space<vmem>>) semaphore(%arg16 : memref<!tpu.dma_semaphore, #tpu.memory_space<semaphore_mem>>) {add = true}
      %dma_start3A_448 = tpu.memref_slice %arg11[%add3A_124] : memref<14336xf32, #tpu.memory_space<vmem>> -> memref<128xf32, #tpu.memory_space<vmem>>
      %dma_start3A_449 = tpu.memref_slice %arg9[%add3A_124] : memref<14336xi32, #tpu.memory_space<vmem>> -> memref<128xi32, #tpu.memory_space<vmem>>
      %dma_start3A_450 = arith.constant 0 : i32
      %dma_start3A_451 = tpu.memref_slice %arg15[%dma_start3A_450] : memref<50176xf32, #tpu.memory_space<vmem_shared>> -> memref<50176xf32, #tpu.memory_space<vmem_shared>>
      tpu.enqueue_indirect_dma source(%dma_start3A_448 : memref<128xf32, #tpu.memory_space<vmem>>) target(%dma_start3A_451 : memref<50176xf32, #tpu.memory_space<vmem_shared>>) offsets(%dma_start3A_449 : memref<128xi32, #tpu.memory_space<vmem>>) semaphore(%arg16 : memref<!tpu.dma_semaphore, #tpu.memory_space<semaphore_mem>>) {add = true}
    }
    %scan3A_53 = arith.constant 56 : i32
    %add3A_54 = arith.constant 168 : i32
    %add3A_55 = arith.addi %mul3A_14, %add3A_54 : i32
    %dma_wait3A_56 = arith.constant 7168 : i32
    %dma_wait3A_57 = tpu.memref_slice %arg10[%dma_wait3A_56] : memref<14336xf32, #tpu.memory_space<vmem>> -> memref<7168xf32, #tpu.memory_space<vmem>>
    %dma_wait3A_58 = arith.constant 0 : i32
    %dma_wait3A_59 = tpu.memref_slice %arg2[%dma_wait3A_58] : memref<50176xf32, #tpu.memory_space<hbm>> -> memref<7168xf32, #tpu.memory_space<hbm>>
    %dma_wait3A_60 = arith.constant 7168 : i32
    %dma_wait3A_61 = tpu.memref_slice %arg10[%dma_wait3A_60] : memref<14336xf32, #tpu.memory_space<vmem>> -> memref<7168xf32, #tpu.memory_space<vmem>>
    %dma_wait3A_62 = arith.constant 0 : i32
    %dma_wait3A_63 = tpu.memref_slice %arg2[%dma_wait3A_62] : memref<50176xf32, #tpu.memory_space<hbm>> -> memref<7168xf32, #tpu.memory_space<hbm>>
    tpu.wait_dma2 semaphore(%arg16 : memref<!tpu.dma_semaphore, #tpu.memory_space<semaphore_mem>>) src(%dma_wait3A_63 : memref<7168xf32, #tpu.memory_space<hbm>>) dst(%dma_wait3A_61 : memref<7168xf32, #tpu.memory_space<vmem>>)
    %dma_wait3A_64 = arith.constant 7168 : i32
    %dma_wait3A_65 = tpu.memref_slice %arg11[%dma_wait3A_64] : memref<14336xf32, #tpu.memory_space<vmem>> -> memref<7168xf32, #tpu.memory_space<vmem>>
    %dma_wait3A_66 = arith.constant 0 : i32
    %dma_wait3A_67 = tpu.memref_slice %arg2[%dma_wait3A_66] : memref<50176xf32, #tpu.memory_space<hbm>> -> memref<7168xf32, #tpu.memory_space<hbm>>
    %dma_wait3A_68 = arith.constant 7168 : i32
    %dma_wait3A_69 = tpu.memref_slice %arg11[%dma_wait3A_68] : memref<14336xf32, #tpu.memory_space<vmem>> -> memref<7168xf32, #tpu.memory_space<vmem>>
    %dma_wait3A_70 = arith.constant 0 : i32
    %dma_wait3A_71 = tpu.memref_slice %arg2[%dma_wait3A_70] : memref<50176xf32, #tpu.memory_space<hbm>> -> memref<7168xf32, #tpu.memory_space<hbm>>
    tpu.wait_dma2 semaphore(%arg16 : memref<!tpu.dma_semaphore, #tpu.memory_space<semaphore_mem>>) src(%dma_wait3A_71 : memref<7168xf32, #tpu.memory_space<hbm>>) dst(%dma_wait3A_69 : memref<7168xf32, #tpu.memory_space<vmem>>)
    "tpu.region"() ({
      %run_scoped3A = tpu.sem_alloc : memref<!tpu.dma_semaphore, #tpu.memory_space<semaphore_mem>>
      %dma_start3A = arith.constant 0 : i32
      %dma_start3A_120 = arith.constant 0 : i32
      %dma_start3A_121 = tpu.memref_slice %arg8[%dma_start3A, %dma_start3A_120] : memref<56x128xi32, #tpu.memory_space<vmem>> -> memref<40x128xi32, #tpu.memory_space<vmem>>
      %dma_start3A_122 = arith.constant 0 : i32
      %dma_start3A_123 = tpu.memref_slice %arg3[%add3A_55, %dma_start3A_122] : memref<6656x128xi32, #tpu.memory_space<hbm>> -> memref<40x128xi32, #tpu.memory_space<hbm>>
      %dma_start3A_124 = arith.constant 0 : i32
      %dma_start3A_125 = arith.constant 0 : i32
      %dma_start3A_126 = tpu.memref_slice %arg8[%dma_start3A_124, %dma_start3A_125] : memref<56x128xi32, #tpu.memory_space<vmem>> -> memref<40x128xi32, #tpu.memory_space<vmem>>
      %dma_start3A_127 = arith.constant 0 : i32
      %dma_start3A_128 = tpu.memref_slice %arg3[%add3A_55, %dma_start3A_127] : memref<6656x128xi32, #tpu.memory_space<hbm>> -> memref<40x128xi32, #tpu.memory_space<hbm>>
      tpu.enqueue_dma source(%dma_start3A_128 : memref<40x128xi32, #tpu.memory_space<hbm>>) target(%dma_start3A_126 : memref<40x128xi32, #tpu.memory_space<vmem>>) target_semaphore(%run_scoped3A : memref<!tpu.dma_semaphore, #tpu.memory_space<semaphore_mem>>)
      %dma_wait3A_129 = arith.constant 0 : i32
      %dma_wait3A_130 = arith.constant 0 : i32
      %dma_wait3A_131 = tpu.memref_slice %arg8[%dma_wait3A_129, %dma_wait3A_130] : memref<56x128xi32, #tpu.memory_space<vmem>> -> memref<40x128xi32, #tpu.memory_space<vmem>>
      %dma_wait3A_132 = arith.constant 0 : i32
      %dma_wait3A_133 = tpu.memref_slice %arg3[%add3A_55, %dma_wait3A_132] : memref<6656x128xi32, #tpu.memory_space<hbm>> -> memref<40x128xi32, #tpu.memory_space<hbm>>
      %dma_wait3A_134 = arith.constant 0 : i32
      %dma_wait3A_135 = arith.constant 0 : i32
      %dma_wait3A_136 = tpu.memref_slice %arg8[%dma_wait3A_134, %dma_wait3A_135] : memref<56x128xi32, #tpu.memory_space<vmem>> -> memref<40x128xi32, #tpu.memory_space<vmem>>
      %dma_wait3A_137 = arith.constant 0 : i32
      %dma_wait3A_138 = tpu.memref_slice %arg3[%add3A_55, %dma_wait3A_137] : memref<6656x128xi32, #tpu.memory_space<hbm>> -> memref<40x128xi32, #tpu.memory_space<hbm>>
      tpu.wait_dma2 semaphore(%run_scoped3A : memref<!tpu.dma_semaphore, #tpu.memory_space<semaphore_mem>>) src(%dma_wait3A_138 : memref<40x128xi32, #tpu.memory_space<hbm>>) dst(%dma_wait3A_136 : memref<40x128xi32, #tpu.memory_space<vmem>>)
      tpu.yield
    }) : () -> ()
    %scan3A_72 = arith.constant 0 : i32
    %scan3A_73 = arith.constant 0 : i32
    %scan3A_74 = arith.constant 40 : i32
    %scan3A_75 = arith.addi %scan3A_73, %scan3A_74 : i32
    %scan3A_76 = arith.constant 1 : i32
    scf.for %scan3A_120 = %scan3A_73 to %scan3A_75 step %scan3A_76  : i32 {
      %mul3A_121 = arith.constant 128 : i32
      %mul3A_122 = arith.muli %scan3A_120, %mul3A_121 : i32
      %add3A_123 = arith.constant 7168 : i32
      %add3A_124 = arith.addi %add3A_123, %mul3A_122 : i32
      %get3A_125 = arith.index_cast %scan3A_120 : i32 to index
      %get3A_126 = arith.constant 0 : index
      %get3A_127 = tpu.vector_load %arg8[%get3A_125, %get3A_126] {strides = array<i32>} : memref<56x128xi32, #tpu.memory_space<vmem>>, vector<16xi32>,
      %and3A = arith.constant 65535 : i32
      %and3A_128 = vector.broadcast %and3A : i32 to vector<16xi32>
      %and3A_129 = arith.andi %get3A_127, %and3A_128 : vector<16xi32>
      %shift_right_arithmetic3A = arith.constant 16 : i32
      %shift_right_arithmetic3A_130 = vector.broadcast %shift_right_arithmetic3A : i32 to vector<16xi32>
      %shift_right_arithmetic3A_131 = arith.shrsi %get3A_127, %shift_right_arithmetic3A_130 : vector<16xi32>
      %and3A_132 = arith.constant 65535 : i32
      %and3A_133 = vector.broadcast %and3A_132 : i32 to vector<16xi32>
      %and3A_134 = arith.andi %shift_right_arithmetic3A_131, %and3A_133 : vector<16xi32>
      %add3A_135 = arith.constant 0 : i32
      %add3A_136 = arith.addi %add3A_124, %add3A_135 : i32
      %swap3A = arith.index_cast %add3A_136 : i32 to index
      %swap3A_137 = tpu.vector_load %arg9[%swap3A] {strides = array<i32>} : memref<14336xi32, #tpu.memory_space<vmem>>, vector<16xi32>,
      tpu.vector_store %arg9[%swap3A], %and3A_129 {strides = array<i32>} : memref<14336xi32, #tpu.memory_space<vmem>>, vector<16xi32>,
      %gather3A = tpu.vector_load_idx %arg7[%and3A_129] : memref<50176xf32, #tpu.memory_space<vmem>>[vector<16xi32>], vector<16xf32>,
      %gather3A_138 = tpu.vector_load_idx %arg7[%and3A_134] : memref<50176xf32, #tpu.memory_space<vmem>>[vector<16xi32>], vector<16xf32>,
      %mul3A_139 = arith.mulf %get3A_1, %gather3A : vector<16xf32>
      %mul3A_140 = arith.mulf %get3A_3, %gather3A_138 : vector<16xf32>
      %add3A_141 = arith.addf %mul3A_139, %mul3A_140 : vector<16xf32>
      %ge3A = arith.constant 0.000000e+00 : f32
      %ge3A_142 = vector.broadcast %ge3A : f32 to vector<16xf32>
      %ge3A_143 = arith.cmpf oge, %add3A_141, %ge3A_142 : vector<16xf32>
      %mul3A_144 = arith.constant 2.000000e-01 : f32
      %mul3A_145 = vector.broadcast %mul3A_144 : f32 to vector<16xf32>
      %mul3A_146 = arith.mulf %mul3A_145, %add3A_141 : vector<16xf32>
      %select_n3A = arith.select %ge3A_143, %add3A_141, %mul3A_146 : vector<16xi1>, vector<16xf32>
      %neg3A = arith.constant 0.000000e+00 : f32
      %neg3A_147 = vector.broadcast %neg3A : f32 to vector<16xf32>
      %neg3A_148 = arith.subf %neg3A_147, %select_n3A : vector<16xf32>
      %exp3A = math.exp %neg3A_148 : vector<16xf32>
      %add3A_149 = arith.constant 0 : i32
      %add3A_150 = arith.addi %add3A_124, %add3A_149 : i32
      %swap3A_151 = arith.index_cast %add3A_150 : i32 to index
      %swap3A_152 = tpu.vector_load %arg10[%swap3A_151] {strides = array<i32>} : memref<14336xf32, #tpu.memory_space<vmem>>, vector<16xf32>,
      tpu.vector_store %arg10[%swap3A_151], %exp3A {strides = array<i32>} : memref<14336xf32, #tpu.memory_space<vmem>>, vector<16xf32>,
      %mul3A_153 = arith.mulf %exp3A, %gather3A_138 : vector<16xf32>
      %add3A_154 = arith.constant 0 : i32
      %add3A_155 = arith.addi %add3A_124, %add3A_154 : i32
      %swap3A_156 = arith.index_cast %add3A_155 : i32 to index
      %swap3A_157 = tpu.vector_load %arg11[%swap3A_156] {strides = array<i32>} : memref<14336xf32, #tpu.memory_space<vmem>>, vector<16xf32>,
      tpu.vector_store %arg11[%swap3A_156], %mul3A_153 {strides = array<i32>} : memref<14336xf32, #tpu.memory_space<vmem>>, vector<16xf32>,
      %get3A_158 = arith.index_cast %scan3A_120 : i32 to index
      %get3A_159 = arith.constant 16 : index
      %get3A_160 = tpu.vector_load %arg8[%get3A_158, %get3A_159] {strides = array<i32>} : memref<56x128xi32, #tpu.memory_space<vmem>>, vector<16xi32>,
      %and3A_161 = arith.constant 65535 : i32
      %and3A_162 = vector.broadcast %and3A_161 : i32 to vector<16xi32>
      %and3A_163 = arith.andi %get3A_160, %and3A_162 : vector<16xi32>
      %shift_right_arithmetic3A_164 = arith.constant 16 : i32
      %shift_right_arithmetic3A_165 = vector.broadcast %shift_right_arithmetic3A_164 : i32 to vector<16xi32>
      %shift_right_arithmetic3A_166 = arith.shrsi %get3A_160, %shift_right_arithmetic3A_165 : vector<16xi32>
      %and3A_167 = arith.constant 65535 : i32
      %and3A_168 = vector.broadcast %and3A_167 : i32 to vector<16xi32>
      %and3A_169 = arith.andi %shift_right_arithmetic3A_166, %and3A_168 : vector<16xi32>
      %add3A_170 = arith.constant 16 : i32
      %add3A_171 = arith.addi %add3A_124, %add3A_170 : i32
      %swap3A_172 = arith.index_cast %add3A_171 : i32 to index
      %swap3A_173 = tpu.vector_load %arg9[%swap3A_172] {strides = array<i32>} : memref<14336xi32, #tpu.memory_space<vmem>>, vector<16xi32>,
      tpu.vector_store %arg9[%swap3A_172], %and3A_163 {strides = array<i32>} : memref<14336xi32, #tpu.memory_space<vmem>>, vector<16xi32>,
      %gather3A_174 = tpu.vector_load_idx %arg7[%and3A_163] : memref<50176xf32, #tpu.memory_space<vmem>>[vector<16xi32>], vector<16xf32>,
      %gather3A_175 = tpu.vector_load_idx %arg7[%and3A_169] : memref<50176xf32, #tpu.memory_space<vmem>>[vector<16xi32>], vector<16xf32>,
      %mul3A_176 = arith.mulf %get3A_1, %gather3A_174 : vector<16xf32>
      %mul3A_177 = arith.mulf %get3A_3, %gather3A_175 : vector<16xf32>
      %add3A_178 = arith.addf %mul3A_176, %mul3A_177 : vector<16xf32>
      %ge3A_179 = arith.constant 0.000000e+00 : f32
      %ge3A_180 = vector.broadcast %ge3A_179 : f32 to vector<16xf32>
      %ge3A_181 = arith.cmpf oge, %add3A_178, %ge3A_180 : vector<16xf32>
      %mul3A_182 = arith.constant 2.000000e-01 : f32
      %mul3A_183 = vector.broadcast %mul3A_182 : f32 to vector<16xf32>
      %mul3A_184 = arith.mulf %mul3A_183, %add3A_178 : vector<16xf32>
      %select_n3A_185 = arith.select %ge3A_181, %add3A_178, %mul3A_184 : vector<16xi1>, vector<16xf32>
      %neg3A_186 = arith.constant 0.000000e+00 : f32
      %neg3A_187 = vector.broadcast %neg3A_186 : f32 to vector<16xf32>
      %neg3A_188 = arith.subf %neg3A_187, %select_n3A_185 : vector<16xf32>
      %exp3A_189 = math.exp %neg3A_188 : vector<16xf32>
      %add3A_190 = arith.constant 16 : i32
      %add3A_191 = arith.addi %add3A_124, %add3A_190 : i32
      %swap3A_192 = arith.index_cast %add3A_191 : i32 to index
      %swap3A_193 = tpu.vector_load %arg10[%swap3A_192] {strides = array<i32>} : memref<14336xf32, #tpu.memory_space<vmem>>, vector<16xf32>,
      tpu.vector_store %arg10[%swap3A_192], %exp3A_189 {strides = array<i32>} : memref<14336xf32, #tpu.memory_space<vmem>>, vector<16xf32>,
      %mul3A_194 = arith.mulf %exp3A_189, %gather3A_175 : vector<16xf32>
      %add3A_195 = arith.constant 16 : i32
      %add3A_196 = arith.addi %add3A_124, %add3A_195 : i32
      %swap3A_197 = arith.index_cast %add3A_196 : i32 to index
      %swap3A_198 = tpu.vector_load %arg11[%swap3A_197] {strides = array<i32>} : memref<14336xf32, #tpu.memory_space<vmem>>, vector<16xf32>,
      tpu.vector_store %arg11[%swap3A_197], %mul3A_194 {strides = array<i32>} : memref<14336xf32, #tpu.memory_space<vmem>>, vector<16xf32>,
      %get3A_199 = arith.index_cast %scan3A_120 : i32 to index
      %get3A_200 = arith.constant 32 : index
      %get3A_201 = tpu.vector_load %arg8[%get3A_199, %get3A_200] {strides = array<i32>} : memref<56x128xi32, #tpu.memory_space<vmem>>, vector<16xi32>,
      %and3A_202 = arith.constant 65535 : i32
      %and3A_203 = vector.broadcast %and3A_202 : i32 to vector<16xi32>
      %and3A_204 = arith.andi %get3A_201, %and3A_203 : vector<16xi32>
      %shift_right_arithmetic3A_205 = arith.constant 16 : i32
      %shift_right_arithmetic3A_206 = vector.broadcast %shift_right_arithmetic3A_205 : i32 to vector<16xi32>
      %shift_right_arithmetic3A_207 = arith.shrsi %get3A_201, %shift_right_arithmetic3A_206 : vector<16xi32>
      %and3A_208 = arith.constant 65535 : i32
      %and3A_209 = vector.broadcast %and3A_208 : i32 to vector<16xi32>
      %and3A_210 = arith.andi %shift_right_arithmetic3A_207, %and3A_209 : vector<16xi32>
      %add3A_211 = arith.constant 32 : i32
      %add3A_212 = arith.addi %add3A_124, %add3A_211 : i32
      %swap3A_213 = arith.index_cast %add3A_212 : i32 to index
      %swap3A_214 = tpu.vector_load %arg9[%swap3A_213] {strides = array<i32>} : memref<14336xi32, #tpu.memory_space<vmem>>, vector<16xi32>,
      tpu.vector_store %arg9[%swap3A_213], %and3A_204 {strides = array<i32>} : memref<14336xi32, #tpu.memory_space<vmem>>, vector<16xi32>,
      %gather3A_215 = tpu.vector_load_idx %arg7[%and3A_204] : memref<50176xf32, #tpu.memory_space<vmem>>[vector<16xi32>], vector<16xf32>,
      %gather3A_216 = tpu.vector_load_idx %arg7[%and3A_210] : memref<50176xf32, #tpu.memory_space<vmem>>[vector<16xi32>], vector<16xf32>,
      %mul3A_217 = arith.mulf %get3A_1, %gather3A_215 : vector<16xf32>
      %mul3A_218 = arith.mulf %get3A_3, %gather3A_216 : vector<16xf32>
      %add3A_219 = arith.addf %mul3A_217, %mul3A_218 : vector<16xf32>
      %ge3A_220 = arith.constant 0.000000e+00 : f32
      %ge3A_221 = vector.broadcast %ge3A_220 : f32 to vector<16xf32>
      %ge3A_222 = arith.cmpf oge, %add3A_219, %ge3A_221 : vector<16xf32>
      %mul3A_223 = arith.constant 2.000000e-01 : f32
      %mul3A_224 = vector.broadcast %mul3A_223 : f32 to vector<16xf32>
      %mul3A_225 = arith.mulf %mul3A_224, %add3A_219 : vector<16xf32>
      %select_n3A_226 = arith.select %ge3A_222, %add3A_219, %mul3A_225 : vector<16xi1>, vector<16xf32>
      %neg3A_227 = arith.constant 0.000000e+00 : f32
      %neg3A_228 = vector.broadcast %neg3A_227 : f32 to vector<16xf32>
      %neg3A_229 = arith.subf %neg3A_228, %select_n3A_226 : vector<16xf32>
      %exp3A_230 = math.exp %neg3A_229 : vector<16xf32>
      %add3A_231 = arith.constant 32 : i32
      %add3A_232 = arith.addi %add3A_124, %add3A_231 : i32
      %swap3A_233 = arith.index_cast %add3A_232 : i32 to index
      %swap3A_234 = tpu.vector_load %arg10[%swap3A_233] {strides = array<i32>} : memref<14336xf32, #tpu.memory_space<vmem>>, vector<16xf32>,
      tpu.vector_store %arg10[%swap3A_233], %exp3A_230 {strides = array<i32>} : memref<14336xf32, #tpu.memory_space<vmem>>, vector<16xf32>,
      %mul3A_235 = arith.mulf %exp3A_230, %gather3A_216 : vector<16xf32>
      %add3A_236 = arith.constant 32 : i32
      %add3A_237 = arith.addi %add3A_124, %add3A_236 : i32
      %swap3A_238 = arith.index_cast %add3A_237 : i32 to index
      %swap3A_239 = tpu.vector_load %arg11[%swap3A_238] {strides = array<i32>} : memref<14336xf32, #tpu.memory_space<vmem>>, vector<16xf32>,
      tpu.vector_store %arg11[%swap3A_238], %mul3A_235 {strides = array<i32>} : memref<14336xf32, #tpu.memory_space<vmem>>, vector<16xf32>,
      %get3A_240 = arith.index_cast %scan3A_120 : i32 to index
      %get3A_241 = arith.constant 48 : index
      %get3A_242 = tpu.vector_load %arg8[%get3A_240, %get3A_241] {strides = array<i32>} : memref<56x128xi32, #tpu.memory_space<vmem>>, vector<16xi32>,
      %and3A_243 = arith.constant 65535 : i32
      %and3A_244 = vector.broadcast %and3A_243 : i32 to vector<16xi32>
      %and3A_245 = arith.andi %get3A_242, %and3A_244 : vector<16xi32>
      %shift_right_arithmetic3A_246 = arith.constant 16 : i32
      %shift_right_arithmetic3A_247 = vector.broadcast %shift_right_arithmetic3A_246 : i32 to vector<16xi32>
      %shift_right_arithmetic3A_248 = arith.shrsi %get3A_242, %shift_right_arithmetic3A_247 : vector<16xi32>
      %and3A_249 = arith.constant 65535 : i32
      %and3A_250 = vector.broadcast %and3A_249 : i32 to vector<16xi32>
      %and3A_251 = arith.andi %shift_right_arithmetic3A_248, %and3A_250 : vector<16xi32>
      %add3A_252 = arith.constant 48 : i32
      %add3A_253 = arith.addi %add3A_124, %add3A_252 : i32
      %swap3A_254 = arith.index_cast %add3A_253 : i32 to index
      %swap3A_255 = tpu.vector_load %arg9[%swap3A_254] {strides = array<i32>} : memref<14336xi32, #tpu.memory_space<vmem>>, vector<16xi32>,
      tpu.vector_store %arg9[%swap3A_254], %and3A_245 {strides = array<i32>} : memref<14336xi32, #tpu.memory_space<vmem>>, vector<16xi32>,
      %gather3A_256 = tpu.vector_load_idx %arg7[%and3A_245] : memref<50176xf32, #tpu.memory_space<vmem>>[vector<16xi32>], vector<16xf32>,
      %gather3A_257 = tpu.vector_load_idx %arg7[%and3A_251] : memref<50176xf32, #tpu.memory_space<vmem>>[vector<16xi32>], vector<16xf32>,
      %mul3A_258 = arith.mulf %get3A_1, %gather3A_256 : vector<16xf32>
      %mul3A_259 = arith.mulf %get3A_3, %gather3A_257 : vector<16xf32>
      %add3A_260 = arith.addf %mul3A_258, %mul3A_259 : vector<16xf32>
      %ge3A_261 = arith.constant 0.000000e+00 : f32
      %ge3A_262 = vector.broadcast %ge3A_261 : f32 to vector<16xf32>
      %ge3A_263 = arith.cmpf oge, %add3A_260, %ge3A_262 : vector<16xf32>
      %mul3A_264 = arith.constant 2.000000e-01 : f32
      %mul3A_265 = vector.broadcast %mul3A_264 : f32 to vector<16xf32>
      %mul3A_266 = arith.mulf %mul3A_265, %add3A_260 : vector<16xf32>
      %select_n3A_267 = arith.select %ge3A_263, %add3A_260, %mul3A_266 : vector<16xi1>, vector<16xf32>
      %neg3A_268 = arith.constant 0.000000e+00 : f32
      %neg3A_269 = vector.broadcast %neg3A_268 : f32 to vector<16xf32>
      %neg3A_270 = arith.subf %neg3A_269, %select_n3A_267 : vector<16xf32>
      %exp3A_271 = math.exp %neg3A_270 : vector<16xf32>
      %add3A_272 = arith.constant 48 : i32
      %add3A_273 = arith.addi %add3A_124, %add3A_272 : i32
      %swap3A_274 = arith.index_cast %add3A_273 : i32 to index
      %swap3A_275 = tpu.vector_load %arg10[%swap3A_274] {strides = array<i32>} : memref<14336xf32, #tpu.memory_space<vmem>>, vector<16xf32>,
      tpu.vector_store %arg10[%swap3A_274], %exp3A_271 {strides = array<i32>} : memref<14336xf32, #tpu.memory_space<vmem>>, vector<16xf32>,
      %mul3A_276 = arith.mulf %exp3A_271, %gather3A_257 : vector<16xf32>
      %add3A_277 = arith.constant 48 : i32
      %add3A_278 = arith.addi %add3A_124, %add3A_277 : i32
      %swap3A_279 = arith.index_cast %add3A_278 : i32 to index
      %swap3A_280 = tpu.vector_load %arg11[%swap3A_279] {strides = array<i32>} : memref<14336xf32, #tpu.memory_space<vmem>>, vector<16xf32>,
      tpu.vector_store %arg11[%swap3A_279], %mul3A_276 {strides = array<i32>} : memref<14336xf32, #tpu.memory_space<vmem>>, vector<16xf32>,
      %get3A_281 = arith.index_cast %scan3A_120 : i32 to index
      %get3A_282 = arith.constant 64 : index
      %get3A_283 = tpu.vector_load %arg8[%get3A_281, %get3A_282] {strides = array<i32>} : memref<56x128xi32, #tpu.memory_space<vmem>>, vector<16xi32>,
      %and3A_284 = arith.constant 65535 : i32
      %and3A_285 = vector.broadcast %and3A_284 : i32 to vector<16xi32>
      %and3A_286 = arith.andi %get3A_283, %and3A_285 : vector<16xi32>
      %shift_right_arithmetic3A_287 = arith.constant 16 : i32
      %shift_right_arithmetic3A_288 = vector.broadcast %shift_right_arithmetic3A_287 : i32 to vector<16xi32>
      %shift_right_arithmetic3A_289 = arith.shrsi %get3A_283, %shift_right_arithmetic3A_288 : vector<16xi32>
      %and3A_290 = arith.constant 65535 : i32
      %and3A_291 = vector.broadcast %and3A_290 : i32 to vector<16xi32>
      %and3A_292 = arith.andi %shift_right_arithmetic3A_289, %and3A_291 : vector<16xi32>
      %add3A_293 = arith.constant 64 : i32
      %add3A_294 = arith.addi %add3A_124, %add3A_293 : i32
      %swap3A_295 = arith.index_cast %add3A_294 : i32 to index
      %swap3A_296 = tpu.vector_load %arg9[%swap3A_295] {strides = array<i32>} : memref<14336xi32, #tpu.memory_space<vmem>>, vector<16xi32>,
      tpu.vector_store %arg9[%swap3A_295], %and3A_286 {strides = array<i32>} : memref<14336xi32, #tpu.memory_space<vmem>>, vector<16xi32>,
      %gather3A_297 = tpu.vector_load_idx %arg7[%and3A_286] : memref<50176xf32, #tpu.memory_space<vmem>>[vector<16xi32>], vector<16xf32>,
      %gather3A_298 = tpu.vector_load_idx %arg7[%and3A_292] : memref<50176xf32, #tpu.memory_space<vmem>>[vector<16xi32>], vector<16xf32>,
      %mul3A_299 = arith.mulf %get3A_1, %gather3A_297 : vector<16xf32>
      %mul3A_300 = arith.mulf %get3A_3, %gather3A_298 : vector<16xf32>
      %add3A_301 = arith.addf %mul3A_299, %mul3A_300 : vector<16xf32>
      %ge3A_302 = arith.constant 0.000000e+00 : f32
      %ge3A_303 = vector.broadcast %ge3A_302 : f32 to vector<16xf32>
      %ge3A_304 = arith.cmpf oge, %add3A_301, %ge3A_303 : vector<16xf32>
      %mul3A_305 = arith.constant 2.000000e-01 : f32
      %mul3A_306 = vector.broadcast %mul3A_305 : f32 to vector<16xf32>
      %mul3A_307 = arith.mulf %mul3A_306, %add3A_301 : vector<16xf32>
      %select_n3A_308 = arith.select %ge3A_304, %add3A_301, %mul3A_307 : vector<16xi1>, vector<16xf32>
      %neg3A_309 = arith.constant 0.000000e+00 : f32
      %neg3A_310 = vector.broadcast %neg3A_309 : f32 to vector<16xf32>
      %neg3A_311 = arith.subf %neg3A_310, %select_n3A_308 : vector<16xf32>
      %exp3A_312 = math.exp %neg3A_311 : vector<16xf32>
      %add3A_313 = arith.constant 64 : i32
      %add3A_314 = arith.addi %add3A_124, %add3A_313 : i32
      %swap3A_315 = arith.index_cast %add3A_314 : i32 to index
      %swap3A_316 = tpu.vector_load %arg10[%swap3A_315] {strides = array<i32>} : memref<14336xf32, #tpu.memory_space<vmem>>, vector<16xf32>,
      tpu.vector_store %arg10[%swap3A_315], %exp3A_312 {strides = array<i32>} : memref<14336xf32, #tpu.memory_space<vmem>>, vector<16xf32>,
      %mul3A_317 = arith.mulf %exp3A_312, %gather3A_298 : vector<16xf32>
      %add3A_318 = arith.constant 64 : i32
      %add3A_319 = arith.addi %add3A_124, %add3A_318 : i32
      %swap3A_320 = arith.index_cast %add3A_319 : i32 to index
      %swap3A_321 = tpu.vector_load %arg11[%swap3A_320] {strides = array<i32>} : memref<14336xf32, #tpu.memory_space<vmem>>, vector<16xf32>,
      tpu.vector_store %arg11[%swap3A_320], %mul3A_317 {strides = array<i32>} : memref<14336xf32, #tpu.memory_space<vmem>>, vector<16xf32>,
      %get3A_322 = arith.index_cast %scan3A_120 : i32 to index
      %get3A_323 = arith.constant 80 : index
      %get3A_324 = tpu.vector_load %arg8[%get3A_322, %get3A_323] {strides = array<i32>} : memref<56x128xi32, #tpu.memory_space<vmem>>, vector<16xi32>,
      %and3A_325 = arith.constant 65535 : i32
      %and3A_326 = vector.broadcast %and3A_325 : i32 to vector<16xi32>
      %and3A_327 = arith.andi %get3A_324, %and3A_326 : vector<16xi32>
      %shift_right_arithmetic3A_328 = arith.constant 16 : i32
      %shift_right_arithmetic3A_329 = vector.broadcast %shift_right_arithmetic3A_328 : i32 to vector<16xi32>
      %shift_right_arithmetic3A_330 = arith.shrsi %get3A_324, %shift_right_arithmetic3A_329 : vector<16xi32>
      %and3A_331 = arith.constant 65535 : i32
      %and3A_332 = vector.broadcast %and3A_331 : i32 to vector<16xi32>
      %and3A_333 = arith.andi %shift_right_arithmetic3A_330, %and3A_332 : vector<16xi32>
      %add3A_334 = arith.constant 80 : i32
      %add3A_335 = arith.addi %add3A_124, %add3A_334 : i32
      %swap3A_336 = arith.index_cast %add3A_335 : i32 to index
      %swap3A_337 = tpu.vector_load %arg9[%swap3A_336] {strides = array<i32>} : memref<14336xi32, #tpu.memory_space<vmem>>, vector<16xi32>,
      tpu.vector_store %arg9[%swap3A_336], %and3A_327 {strides = array<i32>} : memref<14336xi32, #tpu.memory_space<vmem>>, vector<16xi32>,
      %gather3A_338 = tpu.vector_load_idx %arg7[%and3A_327] : memref<50176xf32, #tpu.memory_space<vmem>>[vector<16xi32>], vector<16xf32>,
      %gather3A_339 = tpu.vector_load_idx %arg7[%and3A_333] : memref<50176xf32, #tpu.memory_space<vmem>>[vector<16xi32>], vector<16xf32>,
      %mul3A_340 = arith.mulf %get3A_1, %gather3A_338 : vector<16xf32>
      %mul3A_341 = arith.mulf %get3A_3, %gather3A_339 : vector<16xf32>
      %add3A_342 = arith.addf %mul3A_340, %mul3A_341 : vector<16xf32>
      %ge3A_343 = arith.constant 0.000000e+00 : f32
      %ge3A_344 = vector.broadcast %ge3A_343 : f32 to vector<16xf32>
      %ge3A_345 = arith.cmpf oge, %add3A_342, %ge3A_344 : vector<16xf32>
      %mul3A_346 = arith.constant 2.000000e-01 : f32
      %mul3A_347 = vector.broadcast %mul3A_346 : f32 to vector<16xf32>
      %mul3A_348 = arith.mulf %mul3A_347, %add3A_342 : vector<16xf32>
      %select_n3A_349 = arith.select %ge3A_345, %add3A_342, %mul3A_348 : vector<16xi1>, vector<16xf32>
      %neg3A_350 = arith.constant 0.000000e+00 : f32
      %neg3A_351 = vector.broadcast %neg3A_350 : f32 to vector<16xf32>
      %neg3A_352 = arith.subf %neg3A_351, %select_n3A_349 : vector<16xf32>
      %exp3A_353 = math.exp %neg3A_352 : vector<16xf32>
      %add3A_354 = arith.constant 80 : i32
      %add3A_355 = arith.addi %add3A_124, %add3A_354 : i32
      %swap3A_356 = arith.index_cast %add3A_355 : i32 to index
      %swap3A_357 = tpu.vector_load %arg10[%swap3A_356] {strides = array<i32>} : memref<14336xf32, #tpu.memory_space<vmem>>, vector<16xf32>,
      tpu.vector_store %arg10[%swap3A_356], %exp3A_353 {strides = array<i32>} : memref<14336xf32, #tpu.memory_space<vmem>>, vector<16xf32>,
      %mul3A_358 = arith.mulf %exp3A_353, %gather3A_339 : vector<16xf32>
      %add3A_359 = arith.constant 80 : i32
      %add3A_360 = arith.addi %add3A_124, %add3A_359 : i32
      %swap3A_361 = arith.index_cast %add3A_360 : i32 to index
      %swap3A_362 = tpu.vector_load %arg11[%swap3A_361] {strides = array<i32>} : memref<14336xf32, #tpu.memory_space<vmem>>, vector<16xf32>,
      tpu.vector_store %arg11[%swap3A_361], %mul3A_358 {strides = array<i32>} : memref<14336xf32, #tpu.memory_space<vmem>>, vector<16xf32>,
      %get3A_363 = arith.index_cast %scan3A_120 : i32 to index
      %get3A_364 = arith.constant 96 : index
      %get3A_365 = tpu.vector_load %arg8[%get3A_363, %get3A_364] {strides = array<i32>} : memref<56x128xi32, #tpu.memory_space<vmem>>, vector<16xi32>,
      %and3A_366 = arith.constant 65535 : i32
      %and3A_367 = vector.broadcast %and3A_366 : i32 to vector<16xi32>
      %and3A_368 = arith.andi %get3A_365, %and3A_367 : vector<16xi32>
      %shift_right_arithmetic3A_369 = arith.constant 16 : i32
      %shift_right_arithmetic3A_370 = vector.broadcast %shift_right_arithmetic3A_369 : i32 to vector<16xi32>
      %shift_right_arithmetic3A_371 = arith.shrsi %get3A_365, %shift_right_arithmetic3A_370 : vector<16xi32>
      %and3A_372 = arith.constant 65535 : i32
      %and3A_373 = vector.broadcast %and3A_372 : i32 to vector<16xi32>
      %and3A_374 = arith.andi %shift_right_arithmetic3A_371, %and3A_373 : vector<16xi32>
      %add3A_375 = arith.constant 96 : i32
      %add3A_376 = arith.addi %add3A_124, %add3A_375 : i32
      %swap3A_377 = arith.index_cast %add3A_376 : i32 to index
      %swap3A_378 = tpu.vector_load %arg9[%swap3A_377] {strides = array<i32>} : memref<14336xi32, #tpu.memory_space<vmem>>, vector<16xi32>,
      tpu.vector_store %arg9[%swap3A_377], %and3A_368 {strides = array<i32>} : memref<14336xi32, #tpu.memory_space<vmem>>, vector<16xi32>,
      %gather3A_379 = tpu.vector_load_idx %arg7[%and3A_368] : memref<50176xf32, #tpu.memory_space<vmem>>[vector<16xi32>], vector<16xf32>,
      %gather3A_380 = tpu.vector_load_idx %arg7[%and3A_374] : memref<50176xf32, #tpu.memory_space<vmem>>[vector<16xi32>], vector<16xf32>,
      %mul3A_381 = arith.mulf %get3A_1, %gather3A_379 : vector<16xf32>
      %mul3A_382 = arith.mulf %get3A_3, %gather3A_380 : vector<16xf32>
      %add3A_383 = arith.addf %mul3A_381, %mul3A_382 : vector<16xf32>
      %ge3A_384 = arith.constant 0.000000e+00 : f32
      %ge3A_385 = vector.broadcast %ge3A_384 : f32 to vector<16xf32>
      %ge3A_386 = arith.cmpf oge, %add3A_383, %ge3A_385 : vector<16xf32>
      %mul3A_387 = arith.constant 2.000000e-01 : f32
      %mul3A_388 = vector.broadcast %mul3A_387 : f32 to vector<16xf32>
      %mul3A_389 = arith.mulf %mul3A_388, %add3A_383 : vector<16xf32>
      %select_n3A_390 = arith.select %ge3A_386, %add3A_383, %mul3A_389 : vector<16xi1>, vector<16xf32>
      %neg3A_391 = arith.constant 0.000000e+00 : f32
      %neg3A_392 = vector.broadcast %neg3A_391 : f32 to vector<16xf32>
      %neg3A_393 = arith.subf %neg3A_392, %select_n3A_390 : vector<16xf32>
      %exp3A_394 = math.exp %neg3A_393 : vector<16xf32>
      %add3A_395 = arith.constant 96 : i32
      %add3A_396 = arith.addi %add3A_124, %add3A_395 : i32
      %swap3A_397 = arith.index_cast %add3A_396 : i32 to index
      %swap3A_398 = tpu.vector_load %arg10[%swap3A_397] {strides = array<i32>} : memref<14336xf32, #tpu.memory_space<vmem>>, vector<16xf32>,
      tpu.vector_store %arg10[%swap3A_397], %exp3A_394 {strides = array<i32>} : memref<14336xf32, #tpu.memory_space<vmem>>, vector<16xf32>,
      %mul3A_399 = arith.mulf %exp3A_394, %gather3A_380 : vector<16xf32>
      %add3A_400 = arith.constant 96 : i32
      %add3A_401 = arith.addi %add3A_124, %add3A_400 : i32
      %swap3A_402 = arith.index_cast %add3A_401 : i32 to index
      %swap3A_403 = tpu.vector_load %arg11[%swap3A_402] {strides = array<i32>} : memref<14336xf32, #tpu.memory_space<vmem>>, vector<16xf32>,
      tpu.vector_store %arg11[%swap3A_402], %mul3A_399 {strides = array<i32>} : memref<14336xf32, #tpu.memory_space<vmem>>, vector<16xf32>,
      %get3A_404 = arith.index_cast %scan3A_120 : i32 to index
      %get3A_405 = arith.constant 112 : index
      %get3A_406 = tpu.vector_load %arg8[%get3A_404, %get3A_405] {strides = array<i32>} : memref<56x128xi32, #tpu.memory_space<vmem>>, vector<16xi32>,
      %and3A_407 = arith.constant 65535 : i32
      %and3A_408 = vector.broadcast %and3A_407 : i32 to vector<16xi32>
      %and3A_409 = arith.andi %get3A_406, %and3A_408 : vector<16xi32>
      %shift_right_arithmetic3A_410 = arith.constant 16 : i32
      %shift_right_arithmetic3A_411 = vector.broadcast %shift_right_arithmetic3A_410 : i32 to vector<16xi32>
      %shift_right_arithmetic3A_412 = arith.shrsi %get3A_406, %shift_right_arithmetic3A_411 : vector<16xi32>
      %and3A_413 = arith.constant 65535 : i32
      %and3A_414 = vector.broadcast %and3A_413 : i32 to vector<16xi32>
      %and3A_415 = arith.andi %shift_right_arithmetic3A_412, %and3A_414 : vector<16xi32>
      %add3A_416 = arith.constant 112 : i32
      %add3A_417 = arith.addi %add3A_124, %add3A_416 : i32
      %swap3A_418 = arith.index_cast %add3A_417 : i32 to index
      %swap3A_419 = tpu.vector_load %arg9[%swap3A_418] {strides = array<i32>} : memref<14336xi32, #tpu.memory_space<vmem>>, vector<16xi32>,
      tpu.vector_store %arg9[%swap3A_418], %and3A_409 {strides = array<i32>} : memref<14336xi32, #tpu.memory_space<vmem>>, vector<16xi32>,
      %gather3A_420 = tpu.vector_load_idx %arg7[%and3A_409] : memref<50176xf32, #tpu.memory_space<vmem>>[vector<16xi32>], vector<16xf32>,
      %gather3A_421 = tpu.vector_load_idx %arg7[%and3A_415] : memref<50176xf32, #tpu.memory_space<vmem>>[vector<16xi32>], vector<16xf32>,
      %mul3A_422 = arith.mulf %get3A_1, %gather3A_420 : vector<16xf32>
      %mul3A_423 = arith.mulf %get3A_3, %gather3A_421 : vector<16xf32>
      %add3A_424 = arith.addf %mul3A_422, %mul3A_423 : vector<16xf32>
      %ge3A_425 = arith.constant 0.000000e+00 : f32
      %ge3A_426 = vector.broadcast %ge3A_425 : f32 to vector<16xf32>
      %ge3A_427 = arith.cmpf oge, %add3A_424, %ge3A_426 : vector<16xf32>
      %mul3A_428 = arith.constant 2.000000e-01 : f32
      %mul3A_429 = vector.broadcast %mul3A_428 : f32 to vector<16xf32>
      %mul3A_430 = arith.mulf %mul3A_429, %add3A_424 : vector<16xf32>
      %select_n3A_431 = arith.select %ge3A_427, %add3A_424, %mul3A_430 : vector<16xi1>, vector<16xf32>
      %neg3A_432 = arith.constant 0.000000e+00 : f32
      %neg3A_433 = vector.broadcast %neg3A_432 : f32 to vector<16xf32>
      %neg3A_434 = arith.subf %neg3A_433, %select_n3A_431 : vector<16xf32>
      %exp3A_435 = math.exp %neg3A_434 : vector<16xf32>
      %add3A_436 = arith.constant 112 : i32
      %add3A_437 = arith.addi %add3A_124, %add3A_436 : i32
      %swap3A_438 = arith.index_cast %add3A_437 : i32 to index
      %swap3A_439 = tpu.vector_load %arg10[%swap3A_438] {strides = array<i32>} : memref<14336xf32, #tpu.memory_space<vmem>>, vector<16xf32>,
      tpu.vector_store %arg10[%swap3A_438], %exp3A_435 {strides = array<i32>} : memref<14336xf32, #tpu.memory_space<vmem>>, vector<16xf32>,
      %mul3A_440 = arith.mulf %exp3A_435, %gather3A_421 : vector<16xf32>
      %add3A_441 = arith.constant 112 : i32
      %add3A_442 = arith.addi %add3A_124, %add3A_441 : i32
      %swap3A_443 = arith.index_cast %add3A_442 : i32 to index
      %swap3A_444 = tpu.vector_load %arg11[%swap3A_443] {strides = array<i32>} : memref<14336xf32, #tpu.memory_space<vmem>>, vector<16xf32>,
      tpu.vector_store %arg11[%swap3A_443], %mul3A_440 {strides = array<i32>} : memref<14336xf32, #tpu.memory_space<vmem>>, vector<16xf32>,
      %dma_start3A = tpu.memref_slice %arg10[%add3A_124] : memref<14336xf32, #tpu.memory_space<vmem>> -> memref<128xf32, #tpu.memory_space<vmem>>
      %dma_start3A_445 = tpu.memref_slice %arg9[%add3A_124] : memref<14336xi32, #tpu.memory_space<vmem>> -> memref<128xi32, #tpu.memory_space<vmem>>
      %dma_start3A_446 = arith.constant 0 : i32
      %dma_start3A_447 = tpu.memref_slice %arg14[%dma_start3A_446] : memref<50176xf32, #tpu.memory_space<vmem_shared>> -> memref<50176xf32, #tpu.memory_space<vmem_shared>>
      tpu.enqueue_indirect_dma source(%dma_start3A : memref<128xf32, #tpu.memory_space<vmem>>) target(%dma_start3A_447 : memref<50176xf32, #tpu.memory_space<vmem_shared>>) offsets(%dma_start3A_445 : memref<128xi32, #tpu.memory_space<vmem>>) semaphore(%arg16 : memref<!tpu.dma_semaphore, #tpu.memory_space<semaphore_mem>>) {add = true}
      %dma_start3A_448 = tpu.memref_slice %arg11[%add3A_124] : memref<14336xf32, #tpu.memory_space<vmem>> -> memref<128xf32, #tpu.memory_space<vmem>>
      %dma_start3A_449 = tpu.memref_slice %arg9[%add3A_124] : memref<14336xi32, #tpu.memory_space<vmem>> -> memref<128xi32, #tpu.memory_space<vmem>>
      %dma_start3A_450 = arith.constant 0 : i32
      %dma_start3A_451 = tpu.memref_slice %arg15[%dma_start3A_450] : memref<50176xf32, #tpu.memory_space<vmem_shared>> -> memref<50176xf32, #tpu.memory_space<vmem_shared>>
      tpu.enqueue_indirect_dma source(%dma_start3A_448 : memref<128xf32, #tpu.memory_space<vmem>>) target(%dma_start3A_451 : memref<50176xf32, #tpu.memory_space<vmem_shared>>) offsets(%dma_start3A_449 : memref<128xi32, #tpu.memory_space<vmem>>) semaphore(%arg16 : memref<!tpu.dma_semaphore, #tpu.memory_space<semaphore_mem>>) {add = true}
    }
    %scan3A_77 = arith.constant 40 : i32
    %dma_wait3A_78 = arith.constant 0 : i32
    %dma_wait3A_79 = tpu.memref_slice %arg10[%dma_wait3A_78] : memref<14336xf32, #tpu.memory_space<vmem>> -> memref<7168xf32, #tpu.memory_space<vmem>>
    %dma_wait3A_80 = arith.constant 0 : i32
    %dma_wait3A_81 = tpu.memref_slice %arg2[%dma_wait3A_80] : memref<50176xf32, #tpu.memory_space<hbm>> -> memref<7168xf32, #tpu.memory_space<hbm>>
    %dma_wait3A_82 = arith.constant 0 : i32
    %dma_wait3A_83 = tpu.memref_slice %arg10[%dma_wait3A_82] : memref<14336xf32, #tpu.memory_space<vmem>> -> memref<7168xf32, #tpu.memory_space<vmem>>
    %dma_wait3A_84 = arith.constant 0 : i32
    %dma_wait3A_85 = tpu.memref_slice %arg2[%dma_wait3A_84] : memref<50176xf32, #tpu.memory_space<hbm>> -> memref<7168xf32, #tpu.memory_space<hbm>>
    tpu.wait_dma2 semaphore(%arg16 : memref<!tpu.dma_semaphore, #tpu.memory_space<semaphore_mem>>) src(%dma_wait3A_85 : memref<7168xf32, #tpu.memory_space<hbm>>) dst(%dma_wait3A_83 : memref<7168xf32, #tpu.memory_space<vmem>>)
    %dma_wait3A_86 = arith.constant 0 : i32
    %dma_wait3A_87 = tpu.memref_slice %arg11[%dma_wait3A_86] : memref<14336xf32, #tpu.memory_space<vmem>> -> memref<7168xf32, #tpu.memory_space<vmem>>
    %dma_wait3A_88 = arith.constant 0 : i32
    %dma_wait3A_89 = tpu.memref_slice %arg2[%dma_wait3A_88] : memref<50176xf32, #tpu.memory_space<hbm>> -> memref<7168xf32, #tpu.memory_space<hbm>>
    %dma_wait3A_90 = arith.constant 0 : i32
    %dma_wait3A_91 = tpu.memref_slice %arg11[%dma_wait3A_90] : memref<14336xf32, #tpu.memory_space<vmem>> -> memref<7168xf32, #tpu.memory_space<vmem>>
    %dma_wait3A_92 = arith.constant 0 : i32
    %dma_wait3A_93 = tpu.memref_slice %arg2[%dma_wait3A_92] : memref<50176xf32, #tpu.memory_space<hbm>> -> memref<7168xf32, #tpu.memory_space<hbm>>
    tpu.wait_dma2 semaphore(%arg16 : memref<!tpu.dma_semaphore, #tpu.memory_space<semaphore_mem>>) src(%dma_wait3A_93 : memref<7168xf32, #tpu.memory_space<hbm>>) dst(%dma_wait3A_91 : memref<7168xf32, #tpu.memory_space<vmem>>)
    %dma_wait3A_94 = arith.constant 7168 : i32
    %dma_wait3A_95 = tpu.memref_slice %arg10[%dma_wait3A_94] : memref<14336xf32, #tpu.memory_space<vmem>> -> memref<5120xf32, #tpu.memory_space<vmem>>
    %dma_wait3A_96 = arith.constant 0 : i32
    %dma_wait3A_97 = tpu.memref_slice %arg2[%dma_wait3A_96] : memref<50176xf32, #tpu.memory_space<hbm>> -> memref<5120xf32, #tpu.memory_space<hbm>>
    %dma_wait3A_98 = arith.constant 7168 : i32
    %dma_wait3A_99 = tpu.memref_slice %arg10[%dma_wait3A_98] : memref<14336xf32, #tpu.memory_space<vmem>> -> memref<5120xf32, #tpu.memory_space<vmem>>
    %dma_wait3A_100 = arith.constant 0 : i32
    %dma_wait3A_101 = tpu.memref_slice %arg2[%dma_wait3A_100] : memref<50176xf32, #tpu.memory_space<hbm>> -> memref<5120xf32, #tpu.memory_space<hbm>>
    tpu.wait_dma2 semaphore(%arg16 : memref<!tpu.dma_semaphore, #tpu.memory_space<semaphore_mem>>) src(%dma_wait3A_101 : memref<5120xf32, #tpu.memory_space<hbm>>) dst(%dma_wait3A_99 : memref<5120xf32, #tpu.memory_space<vmem>>)
    %dma_wait3A_102 = arith.constant 7168 : i32
    %dma_wait3A_103 = tpu.memref_slice %arg11[%dma_wait3A_102] : memref<14336xf32, #tpu.memory_space<vmem>> -> memref<5120xf32, #tpu.memory_space<vmem>>
    %dma_wait3A_104 = arith.constant 0 : i32
    %dma_wait3A_105 = tpu.memref_slice %arg2[%dma_wait3A_104] : memref<50176xf32, #tpu.memory_space<hbm>> -> memref<5120xf32, #tpu.memory_space<hbm>>
    %dma_wait3A_106 = arith.constant 7168 : i32
    %dma_wait3A_107 = tpu.memref_slice %arg11[%dma_wait3A_106] : memref<14336xf32, #tpu.memory_space<vmem>> -> memref<5120xf32, #tpu.memory_space<vmem>>
    %dma_wait3A_108 = arith.constant 0 : i32
    %dma_wait3A_109 = tpu.memref_slice %arg2[%dma_wait3A_108] : memref<50176xf32, #tpu.memory_space<hbm>> -> memref<5120xf32, #tpu.memory_space<hbm>>
    tpu.wait_dma2 semaphore(%arg16 : memref<!tpu.dma_semaphore, #tpu.memory_space<semaphore_mem>>) src(%dma_wait3A_109 : memref<5120xf32, #tpu.memory_space<hbm>>) dst(%dma_wait3A_107 : memref<5120xf32, #tpu.memory_space<vmem>>)
    %barrier3A_110 = arith.constant 0 : index
    tpu.barrier barrier_id(%barrier3A_110)
    %mul3A_111 = arith.constant 50176 : i32
    %mul3A_112 = arith.muli %arg0, %mul3A_111 : i32
    %mul3A_113 = arith.constant 3136 : i32
    %mul3A_114 = arith.muli %arg1, %mul3A_113 : i32
    %add3A_115 = arith.addi %mul3A_112, %mul3A_114 : i32
    %mul3A_116 = arith.constant 3136 : i32
    %mul3A_117 = arith.muli %arg1, %mul3A_116 : i32
    "tpu.region"() ({
      %run_scoped3A = tpu.sem_alloc : memref<!tpu.dma_semaphore, #tpu.memory_space<semaphore_mem>>
      %dma_start3A = tpu.memref_slice %arg14[%mul3A_117] : memref<50176xf32, #tpu.memory_space<vmem_shared>> -> memref<3136xf32, #tpu.memory_space<vmem_shared>>
      %dma_start3A_120 = tpu.memref_slice %arg14[%mul3A_117] : memref<50176xf32, #tpu.memory_space<vmem_shared>> -> memref<3136xf32, #tpu.memory_space<vmem_shared>>
      tpu.enqueue_dma source(%dma_start3A_120 : memref<3136xf32, #tpu.memory_space<vmem_shared>>) target(%arg13 : memref<3136xf32, #tpu.memory_space<vmem>>) target_semaphore(%run_scoped3A : memref<!tpu.dma_semaphore, #tpu.memory_space<semaphore_mem>>)
      %dma_wait3A_121 = tpu.memref_slice %arg14[%mul3A_117] : memref<50176xf32, #tpu.memory_space<vmem_shared>> -> memref<3136xf32, #tpu.memory_space<vmem_shared>>
      %dma_wait3A_122 = tpu.memref_slice %arg14[%mul3A_117] : memref<50176xf32, #tpu.memory_space<vmem_shared>> -> memref<3136xf32, #tpu.memory_space<vmem_shared>>
      tpu.wait_dma2 semaphore(%run_scoped3A : memref<!tpu.dma_semaphore, #tpu.memory_space<semaphore_mem>>) src(%dma_wait3A_122 : memref<3136xf32, #tpu.memory_space<vmem_shared>>) dst(%arg13 : memref<3136xf32, #tpu.memory_space<vmem>>)
      tpu.yield
    }) : () -> ()
    "tpu.region"() ({
      %run_scoped3A = tpu.sem_alloc : memref<!tpu.dma_semaphore, #tpu.memory_space<semaphore_mem>>
      %dma_start3A = tpu.memref_slice %arg5[%add3A_115] : memref<100352xf32, #tpu.memory_space<hbm>> -> memref<3136xf32, #tpu.memory_space<hbm>>
      %dma_start3A_120 = tpu.memref_slice %arg5[%add3A_115] : memref<100352xf32, #tpu.memory_space<hbm>> -> memref<3136xf32, #tpu.memory_space<hbm>>
      tpu.enqueue_dma source(%arg13 : memref<3136xf32, #tpu.memory_space<vmem>>) target(%dma_start3A_120 : memref<3136xf32, #tpu.memory_space<hbm>>) target_semaphore(%run_scoped3A : memref<!tpu.dma_semaphore, #tpu.memory_space<semaphore_mem>>)
      %dma_wait3A_121 = tpu.memref_slice %arg5[%add3A_115] : memref<100352xf32, #tpu.memory_space<hbm>> -> memref<3136xf32, #tpu.memory_space<hbm>>
      %dma_wait3A_122 = tpu.memref_slice %arg5[%add3A_115] : memref<100352xf32, #tpu.memory_space<hbm>> -> memref<3136xf32, #tpu.memory_space<hbm>>
      tpu.wait_dma2 semaphore(%run_scoped3A : memref<!tpu.dma_semaphore, #tpu.memory_space<semaphore_mem>>) src(%arg13 : memref<3136xf32, #tpu.memory_space<vmem>>) dst(%dma_wait3A_122 : memref<3136xf32, #tpu.memory_space<hbm>>)
      tpu.yield
    }) : () -> ()
    %mul3A_118 = arith.constant 3136 : i32
    %mul3A_119 = arith.muli %arg1, %mul3A_118 : i32
    "tpu.region"() ({
      %run_scoped3A = tpu.sem_alloc : memref<!tpu.dma_semaphore, #tpu.memory_space<semaphore_mem>>
      %dma_start3A = tpu.memref_slice %arg15[%mul3A_119] : memref<50176xf32, #tpu.memory_space<vmem_shared>> -> memref<3136xf32, #tpu.memory_space<vmem_shared>>
      %dma_start3A_120 = tpu.memref_slice %arg15[%mul3A_119] : memref<50176xf32, #tpu.memory_space<vmem_shared>> -> memref<3136xf32, #tpu.memory_space<vmem_shared>>
      tpu.enqueue_dma source(%dma_start3A_120 : memref<3136xf32, #tpu.memory_space<vmem_shared>>) target(%arg13 : memref<3136xf32, #tpu.memory_space<vmem>>) target_semaphore(%run_scoped3A : memref<!tpu.dma_semaphore, #tpu.memory_space<semaphore_mem>>)
      %dma_wait3A_121 = tpu.memref_slice %arg15[%mul3A_119] : memref<50176xf32, #tpu.memory_space<vmem_shared>> -> memref<3136xf32, #tpu.memory_space<vmem_shared>>
      %dma_wait3A_122 = tpu.memref_slice %arg15[%mul3A_119] : memref<50176xf32, #tpu.memory_space<vmem_shared>> -> memref<3136xf32, #tpu.memory_space<vmem_shared>>
      tpu.wait_dma2 semaphore(%run_scoped3A : memref<!tpu.dma_semaphore, #tpu.memory_space<semaphore_mem>>) src(%dma_wait3A_122 : memref<3136xf32, #tpu.memory_space<vmem_shared>>) dst(%arg13 : memref<3136xf32, #tpu.memory_space<vmem>>)
      tpu.yield
    }) : () -> ()
    "tpu.region"() ({
      %run_scoped3A = tpu.sem_alloc : memref<!tpu.dma_semaphore, #tpu.memory_space<semaphore_mem>>
      %dma_start3A = tpu.memref_slice %arg6[%add3A_115] : memref<100352xf32, #tpu.memory_space<hbm>> -> memref<3136xf32, #tpu.memory_space<hbm>>
      %dma_start3A_120 = tpu.memref_slice %arg6[%add3A_115] : memref<100352xf32, #tpu.memory_space<hbm>> -> memref<3136xf32, #tpu.memory_space<hbm>>
      tpu.enqueue_dma source(%arg13 : memref<3136xf32, #tpu.memory_space<vmem>>) target(%dma_start3A_120 : memref<3136xf32, #tpu.memory_space<hbm>>) target_semaphore(%run_scoped3A : memref<!tpu.dma_semaphore, #tpu.memory_space<semaphore_mem>>)
      %dma_wait3A_121 = tpu.memref_slice %arg6[%add3A_115] : memref<100352xf32, #tpu.memory_space<hbm>> -> memref<3136xf32, #tpu.memory_space<hbm>>
      %dma_wait3A_122 = tpu.memref_slice %arg6[%add3A_115] : memref<100352xf32, #tpu.memory_space<hbm>> -> memref<3136xf32, #tpu.memory_space<hbm>>
      tpu.wait_dma2 semaphore(%run_scoped3A : memref<!tpu.dma_semaphore, #tpu.memory_space<semaphore_mem>>) src(%arg13 : memref<3136xf32, #tpu.memory_space<vmem>>) dst(%dma_wait3A_122 : memref<3136xf32, #tpu.memory_space<hbm>>)
      tpu.yield
    }) : () -> ()
    return
  }
}

module attributes {stable_mosaic.version = 14 : i64} {
  func.func @_tc_finish(%arg0: memref<2x392x128xf32, #tpu.memory_space<vmem>>, %arg1: memref<2x392x128xf32, #tpu.memory_space<vmem>>, %arg2: memref<1x64xf32, #tpu.memory_space<vmem>>, %arg3: memref<64x128xf32, #tpu.memory_space<vmem>>, %arg4: memref<1x128xf32, #tpu.memory_space<vmem>>, %arg5: memref<1x128xf32, #tpu.memory_space<vmem>>) attributes {dimension_semantics = [], scalar_prefetch = 0 : i64, scratch_operands = 0 : i64, tpu.core_type = #tpu.core_type<tc>} {
    %get3A = arith.constant 0 : index
    %get3A_0 = arith.constant 0 : index
    %get3A_1 = arith.constant 0 : index
    %get3A_2 = vector.load %arg0[%get3A, %get3A_0, %get3A_1] : memref<2x392x128xf32, #tpu.memory_space<vmem>>, vector<1x392x128xf32>
    %get3A_3 = vector.shape_cast %get3A_2 : vector<1x392x128xf32> to vector<392x128xf32>
    %get3A_4 = arith.constant 1 : index
    %get3A_5 = arith.constant 0 : index
    %get3A_6 = arith.constant 0 : index
    %get3A_7 = vector.load %arg0[%get3A_4, %get3A_5, %get3A_6] : memref<2x392x128xf32, #tpu.memory_space<vmem>>, vector<1x392x128xf32>
    %get3A_8 = vector.shape_cast %get3A_7 : vector<1x392x128xf32> to vector<392x128xf32>
    %add3A = arith.addf %get3A_3, %get3A_8 : vector<392x128xf32>
    %get3A_9 = arith.constant 0 : index
    %get3A_10 = arith.constant 0 : index
    %get3A_11 = arith.constant 0 : index
    %get3A_12 = vector.load %arg1[%get3A_9, %get3A_10, %get3A_11] : memref<2x392x128xf32, #tpu.memory_space<vmem>>, vector<1x392x128xf32>
    %get3A_13 = vector.shape_cast %get3A_12 : vector<1x392x128xf32> to vector<392x128xf32>
    %get3A_14 = arith.constant 1 : index
    %get3A_15 = arith.constant 0 : index
    %get3A_16 = arith.constant 0 : index
    %get3A_17 = vector.load %arg1[%get3A_14, %get3A_15, %get3A_16] : memref<2x392x128xf32, #tpu.memory_space<vmem>>, vector<1x392x128xf32>
    %get3A_18 = vector.shape_cast %get3A_17 : vector<1x392x128xf32> to vector<392x128xf32>
    %add3A_19 = arith.addf %get3A_13, %get3A_18 : vector<392x128xf32>
    %add3A_20 = arith.constant 1.000000e-16 : f32
    %add3A_21 = vector.broadcast %add3A_20 : f32 to vector<392x128xf32>
    %add3A_22 = arith.addf %add3A, %add3A_21 : vector<392x128xf32>
    %div3A = arith.divf %add3A_19, %add3A_22 : vector<392x128xf32>
    %iota3A = tpu.iota {dimensions = array<i32: 0>} : vector<392x128xi32>
    %mul3A = arith.constant 128 : i32
    %mul3A_23 = vector.broadcast %mul3A : i32 to vector<392x128xi32>
    %mul3A_24 = arith.muli %iota3A, %mul3A_23 : vector<392x128xi32>
    %iota3A_25 = tpu.iota {dimensions = array<i32: 1>} : vector<392x128xi32>
    %add3A_26 = arith.addi %mul3A_24, %iota3A_25 : vector<392x128xi32>
    %lt3A = arith.constant 50000 : i32
    %lt3A_27 = vector.broadcast %lt3A : i32 to vector<392x128xi32>
    %lt3A_28 = arith.cmpi slt, %add3A_26, %lt3A_27 : vector<392x128xi32>
    %neg3A = arith.constant 0.000000e+00 : f32
    %neg3A_29 = arith.constant 3.000000e+38 : f32
    %neg3A_30 = arith.subf %neg3A, %neg3A_29 : f32
    %broadcast_in_dim3A = vector.broadcast %neg3A_30 : f32 to vector<392x128xf32>
    %select_n3A = arith.select %lt3A_28, %div3A, %broadcast_in_dim3A : vector<392x128xi1>, vector<392x128xf32>
    %reduce_max3A = vector.shape_cast %select_n3A : vector<392x128xf32> to vector<1x392x128xf32>
    %reduce_max3A_31 = arith.constant dense<0xFF800000> : vector<1xf32>
    %reduce_max3A_32 = vector.multi_reduction <maximumf>, %reduce_max3A, %reduce_max3A_31 [1, 2] : vector<1x392x128xf32> to vector<1xf32>
    %reduce_max3A_33 = vector.shape_cast %reduce_max3A_32 : vector<1xf32> to vector<1x1x1xf32>
    %reduce_max3A_34 = vector.extract %reduce_max3A_33[0, 0, 0] : f32 from vector<1x1x1xf32>
    %jit3A = arith.constant 3.000000e+38 : f32
    %broadcast_in_dim3A_35 = vector.broadcast %jit3A : f32 to vector<392x128xf32>
    %select_n3A_36 = arith.select %lt3A_28, %div3A, %broadcast_in_dim3A_35 : vector<392x128xi1>, vector<392x128xf32>
    %reduce_min3A = vector.shape_cast %select_n3A_36 : vector<392x128xf32> to vector<1x392x128xf32>
    %reduce_min3A_37 = arith.constant dense<0x7F800000> : vector<1xf32>
    %reduce_min3A_38 = vector.multi_reduction <minimumf>, %reduce_min3A, %reduce_min3A_37 [1, 2] : vector<1x392x128xf32> to vector<1xf32>
    %reduce_min3A_39 = vector.shape_cast %reduce_min3A_38 : vector<1xf32> to vector<1x1x1xf32>
    %reduce_min3A_40 = vector.extract %reduce_min3A_39[0, 0, 0] : f32 from vector<1x1x1xf32>
    %get3A_41 = arith.constant 0 : index
    %get3A_42 = arith.constant 0 : index
    %get3A_43 = vector.load %arg2[%get3A_41, %get3A_42] : memref<1x64xf32, #tpu.memory_space<vmem>>, vector<1x64xf32>
    %ge3A = arith.constant 0.000000e+00 : f32
    %ge3A_44 = vector.broadcast %ge3A : f32 to vector<1x64xf32>
    %ge3A_45 = arith.cmpf oge, %get3A_43, %ge3A_44 : vector<1x64xf32>
    %broadcast_in_dim3A_46 = vector.broadcast %reduce_max3A_34 : f32 to vector<1x64xf32>
    %broadcast_in_dim3A_47 = vector.broadcast %reduce_min3A_40 : f32 to vector<1x64xf32>
    %select_n3A_48 = arith.select %ge3A_45, %broadcast_in_dim3A_46, %broadcast_in_dim3A_47 : vector<1x64xi1>, vector<1x64xf32>
    %mul3A_49 = arith.mulf %get3A_43, %select_n3A_48 : vector<1x64xf32>
    %get3A_50 = arith.constant 0 : index
    %get3A_51 = arith.constant 0 : index
    %get3A_52 = vector.load %arg3[%get3A_50, %get3A_51] : memref<64x128xf32, #tpu.memory_space<vmem>>, vector<64x128xf32>
    %dot_general3A = arith.constant dense<0.000000e+00> : vector<1x128xf32>
    %dot_general3A_53 = tpu.matmul %mul3A_49, %get3A_52, %dot_general3A {dimension_numbers = #tpu.dot_dimension_numbers<[1], [0], [0], [1], [0, 0, 1, 1], [], []>, transpose_lhs_hint = false} : vector<1x64xf32>, vector<64x128xf32>, vector<1x128xf32> -> vector<1x128xf32>
    %get3A_54 = arith.constant 0 : index
    %get3A_55 = arith.constant 0 : index
    %get3A_56 = vector.load %arg4[%get3A_54, %get3A_55] : memref<1x128xf32, #tpu.memory_space<vmem>>, vector<1x128xf32>
    %add3A_57 = arith.addf %dot_general3A_53, %get3A_56 : vector<1x128xf32>
    %swap3A = arith.constant 0 : index
    %swap3A_58 = arith.constant 0 : index
    %swap3A_59 = vector.load %arg5[%swap3A, %swap3A_58] : memref<1x128xf32, #tpu.memory_space<vmem>>, vector<1x128xf32>
    tpu.vector_store %arg5[%swap3A, %swap3A_58], %add3A_57 {strides = array<i32>} : memref<1x128xf32, #tpu.memory_space<vmem>>, vector<1x128xf32>,
    return
  }
}

</mosaic_0001>

<sc_bundles>
// kernel: kernel.4.cloned.1.call-start
scs
__scs_entry_jumppad:
0x0: {  	(pc) =	sbr.rel $0x88, $3  }
0x1: {  	(tag) =	ssettag $0x0;
	lr =	simm.s32 $0x1  }
0x2: {  	[smem:$0x3F9B] =	sst lr;
	_ =	strace $0xD0000000  }
0x3: {  	_ = 	snop  }
0x4: {  	_ = 	snop  }
0x5: {  	_ = 	snop  }
0x6: {  	_ = 	snop  }
0x7: {  	_ = 	snop  }
__scs_overlays_trampoline_lowered:
0x8: {  	[smem:$0x3FAA] =	sst s0  }
0x9: {  	[smem:$0x3FAB] =	sst s1  }
0xa: {  	[smem:$0x3FAC] =	sst s2  }
0xb: {  	[smem:$0x3FAD] =	sst s3  }
0xc: {  	[smem:$0x3FAE] =	sst s4  }
0xd: {  	[smem:$0x3FAF] =	sst s5  }
0xe: {  	[smem:$0x3FB0] =	sst s6  }
0xf: {  	[smem:$0x3FB1] =	sst s7  }
0x10: {  	[smem:$0x3FB2] =	sst s8  }
0x11: {  	[smem:$0x3FB3] =	sst s9;
	s0 =	simm.s32 @!p0 $0x0  }
0x12: {  	s1 =	sld [smem:$0x3F99];
	s0 =	simm.s32 @p0 $0x1  }
0x13: {  	[smem:$0x3FB4] =	sst s0;
	s0 =	simm.s32 @!p1 $0x0  }
0x14: {  	s2 =	sld [smem:$0x3F98];
	s0 =	simm.s32 @p1 $0x1  }
0x15: {  	[smem:$0x3FB5] =	sst s0;
	s0 =	simm.s32 @!p2 $0x0  }
0x16: {  	s3 =	sld [smem:$0x3FDB];
	s0 =	simm.s32 @p2 $0x1  }
0x17: {  	s4 =	simm.s32 $0x1BF5;
	[smem:$0x3FB7] =	sst s0  }
0x18: {  	s0 =	sld [smem:$0x3F9A];
	_ =	swait.ge [sflag:s4], $0x0  }
0x19: {  	s7 =	sld [smem:$0x3F9B]  }
0x1a: {  	s8 =	sadd.s32 $0xFFFFE003, lr  }
0x1b: {  	s9 =	sadd.s32 $0xFFFFFEF7, lr;
	s5 =	simm.s32 $0xFFFFFFFF;
	p2 =	slt.u32 s8, $0xFFFFF086  }
0x1c: {  	p1 =	slt.u32 s9, $0xF7A;
	s5 =	simm.s32 @!p2 $0x0  }
0x1d: {  	s5 =	simm.s32 @p1 $0x1;
	p0 =	seq.s32 s7, s2  }
0x1e: {  	s7 =	smul.u32 @!p0 $0xF7A, s2;
	p2 =	seq.s32 @!p0 s5, $0x0  }
0x1f: {  	s9 =	smul.u32 $0xF7A, s1;
	s8 =	simm.s32 @!p0 $0x1BF5;
	p2 =	por !p2, p0  }
0x20: {  	[sflag:s8] =	ssyncset.s32 @!p0 $0xFFFFF086;
	s6 =	sadd.s32 @!p0 s3, s7;
	s7 =	simm.s32 @!p0 $0x108  }
0x21: {  	s3 =	sadd.s32 s3, s9;
	s6 =	sadd.s32 @!p0 $0x88, s6;
	s7 =	simm.s32 @p2 $0x1082  }
0x22: {  	[simem:s7], [sflag:s8] =	dma.local @!p0 [hbm:s6], $0xF7A  }
0x23: {  	s9 =	sor.u32 $0xD0000000, s2;
	s6 =	simm.s32 $0x108;
	_ =	swait.ge @!p0 [sflag:s8], $0x0  }
0x24: {  	s3 =	sadd.s32 $0x88, s3;
	s6 =	simm.s32 @!p1 $0x1082;
	[sflag:s4] =	ssyncset.s32 $0xFFFFF086  }
0x25: {  	[simem:s6], [sflag:s4] =	dma.local [hbm:s3], $0xF7A  }
0x26: {  	[smem:$0x3F9B] =	sst s1;
	(tag) =	ssettag s2;
	_ =	strace s9  }
0x27: {  	s1 =	sld [smem:$0x3FAB]  }
0x28: {  	s2 =	sld [smem:$0x3FAC]  }
0x29: {  	s4 =	sld [smem:$0x3FAE]  }
0x2a: {  	p0 =	seq.s32 s5, $0x0;
	s5 =	sld [smem:$0x3FAF]  }
0x2b: {  	s6 =	sld [smem:$0x3FB0]  }
0x2c: {  	s7 =	sld [smem:$0x3FB1]  }
0x2d: {  	s3 =	simm.s32 $0x108;
	s8 =	sld [smem:$0x3FB2]  }
0x2e: {  	s3 =	simm.s32 @!p0 $0x1082;
	s9 =	sld [smem:$0x3FB3]  }
0x2f: {  	lr =	sadd.s32 s0, s3;
	s0 =	sld [smem:$0x3FAA]  }
0x30: {  	s3 =	sld [smem:$0x3FAD]  }
0x31: {  	[smem:$0x3FB6] =	sst s10  }
0x32: {  	s10 =	sld [smem:$0x3FB4];
	_ =	sdelay $0x3  }
0x33: {  	p0 =	seq.s32 s10, $0x1;
	s10 =	sld [smem:$0x3FB6];
	_ =	sdelay $0x3  }
0x34: {  	[smem:$0x3FB6] =	sst s10  }
0x35: {  	s10 =	sld [smem:$0x3FB5];
	_ =	sdelay $0x3  }
0x36: {  	p1 =	seq.s32 s10, $0x1;
	s10 =	sld [smem:$0x3FB6];
	_ =	sdelay $0x3  }
0x37: {  	[smem:$0x3FB6] =	sst s10  }
0x38: {  	s10 =	sld [smem:$0x3FB7]  }
0x39: {  	_ = 	snop;
	(pc) =	sbr.ind lr, $3  }
0x3a: {  	_ = 	snop  }
0x3b: {  	_ = 	snop  }
0x3c: {  	p2 =	seq.s32 s10, $0x1;
	s10 =	sld [smem:$0x3FB6]  }
0x3d: {  	_ =	shalt  }
0x3e: {  	_ =	shalt  }
0x3f: {  	_ =	shalt  }
0x40: {  	_ =	shalt  }
0x41: {  	_ =	shalt  }
0x42: {  	_ =	shalt  }
0x43: {  	_ =	shalt  }
0x44: {  	_ =	shalt  }
0x45: {  	_ =	shalt  }
0x46: {  	_ =	shalt  }
0x47: {  	_ =	shalt  }
0x48: {  	_ =	shalt  }
0x49: {  	_ =	shalt  }
0x4a: {  	_ =	shalt  }
0x4b: {  	_ =	shalt  }
0x4c: {  	_ =	shalt  }
0x4d: {  	_ =	shalt  }
0x4e: {  	_ =	shalt  }
0x4f: {  	_ =	shalt  }
0x50: {  	_ =	shalt  }
0x51: {  	_ =	shalt  }
0x52: {  	_ =	shalt  }
0x53: {  	_ =	shalt  }
0x54: {  	_ =	shalt  }
0x55: {  	_ =	shalt  }
0x56: {  	_ =	shalt  }
0x57: {  	_ =	shalt  }
0x58: {  	_ =	shalt  }
0x59: {  	_ =	shalt  }
0x5a: {  	_ =	shalt  }
0x5b: {  	_ =	shalt  }
0x5c: {  	_ =	shalt  }
0x5d: {  	_ =	shalt  }
0x5e: {  	_ =	shalt  }
0x5f: {  	_ =	shalt  }
0x60: {  	_ =	shalt  }
0x61: {  	_ =	shalt  }
0x62: {  	_ =	shalt  }
0x63: {  	_ =	shalt  }
0x64: {  	_ =	shalt  }
0x65: {  	_ =	shalt  }
0x66: {  	_ =	shalt  }
0x67: {  	_ =	shalt  }
0x68: {  	_ =	shalt  }
0x69: {  	_ =	shalt  }
0x6a: {  	_ =	shalt  }
0x6b: {  	_ =	shalt  }
0x6c: {  	_ =	shalt  }
0x6d: {  	_ =	shalt  }
0x6e: {  	_ =	shalt  }
0x6f: {  	_ =	shalt  }
0x70: {  	_ =	shalt  }
0x71: {  	_ =	shalt  }
0x72: {  	_ =	shalt  }
0x73: {  	_ =	shalt  }
0x74: {  	_ =	shalt  }
0x75: {  	_ =	shalt  }
0x76: {  	_ =	shalt  }
0x77: {  	_ =	shalt  }
0x78: {  	_ =	shalt  }
0x79: {  	_ =	shalt  }
0x7a: {  	_ =	shalt  }
0x7b: {  	_ =	shalt  }
0x7c: {  	_ =	shalt  }
0x7d: {  	_ =	shalt  }
0x7e: {  	_ =	shalt  }
0x7f: {  	_ =	shalt  }
0x80: {  	_ =	shalt  }
0x81: {  	_ =	shalt  }
0x82: {  	_ =	shalt  }
0x83: {  	_ =	shalt  }
0x84: {  	_ =	shalt  }
0x85: {  	_ =	shalt  }
0x86: {  	_ =	shalt  }
0x87: {  	_ =	shalt  }
.Lfunc_end0:
.L_simem_size_0:
called_computation_lowered:
.L_overlay_start_0:
0x88: {  	s2 =	sld [smem:$0x3FD9]  }
0x89: {  	s3 =	sld [smem:$0x3FFE];
	_ =	sdelay $0x1  }
0x8a: {  	s1 =	srdreg.scid  }
0x8b: {  	s0 =	sand.u32 $0x1, s1  }
0x8c: {  	s16 =	sshll.u32 s0, $0xA;
	s2 =	sadd.s32 s3, s2  }
0x8d: {  	s2 =	sadd.s32 s2, s16  }
0x8e: {  	[smem:$0x3FC2] =	sst s2  }
0x8f: {  	_ = 	snop  }
0x90: {  	(tm) =	ssettm $0x1  }
0x91: {  	s17 =	sld [smem:$0x3FFB];
	_ =	sdelay $0x3  }
0x92: {  	_ =	strace s17  }
0x93: {  	s2 =	sld [smem:$0x3FFC];
	_ =	sdelay $0x3  }
0x94: {  	_ =	strace s2  }
0x95: {  	s2 =	sld [smem:$0x3FFD];
	_ =	sdelay $0x3  }
0x96: {  	_ =	strace s2  }
0x97: {  	_ =	strace $0x8FFFFFFF  }
0x98: {  	s18 =	sld [smem:$0x3FDB];
	_ =	sdelay $0x1  }
0x99: {  	s19 =	simm.s32 $_scs_section_size  }
0x9a: {  	s4 =	simm.s32 $_size__tile_overlayer_lowered;
	s5 =	simm.s32 $_tile_overlayer_lowered  }
0x9b: {  	s22 =	simm.s32 $0x1BFF;
	s21 =	sshll.u32 s5, $0x1;
	s2 =	sadd.s32 s19, s18  }
0x9c: {  	s6 =	simm.s32 $0x0;
	s20 =	sshll.u32 s4, $0x1;
	s4 =	sadd.s32 s21, s2  }
0x9d: {  	[timem:s6], [sflag:s22] =	dma.local [hbm:s4], s20  }
0x9e: {  	_ =	swait.ge [sflag:s22], s20  }
0x9f: {  	s3 =	ssub.s32 $0x0, s20;
	[sflag:s22] =	ssyncset.done $0x0  }
0xa0: {  	[sflag:s22] =	ssyncadd.s32 s3;
	_ =	sdelay $0x1  }
0xa1: {  	s23 =	simm.s32 $0x1B8B  }
0xa2: {  	_ =	swait.ge [sflag:s23], $0x1  }
0xa3: {  	[sflag:s23] =	ssyncset.done $0x0  }
0xa4: {  	s25 =	simm.s32 $0x1B8E;
	s24 =	sld [smem:$0x3FFE];
	[sflag:s23] =	ssyncadd.s32 $0xFFFFFFFF  }
0xa5: {  	s26 =	simm.s32 $execute0_lowered;
	[smem:$0x3FD2] =	sst s25  }
0xa6: {  	s4 =	sshll.u32 s26, $0x1;
	_ =	strace $0x80000046;
	[dreg:$0x1] =	wrdreg $0xFFFFFFFF  }
0xa7: {  	s28 =	simm.s32 $_size_execute0_lowered;
	s2 =	sadd.s32 s2, s4;
	[dreg:$0x0] =	wrdreg $0x0  }
0xa8: {  	s4 =	sshll.u32 s28, $0x1;
	[dreg:$0x2] =	wrdreg s2  }
0xa9: {  	[dreg:$0x3] =	wrdreg s4  }
0xaa: {  	[dreg:$0x4] =	wrdreg $0xC0  }
0xab: {  	_ =	task [dreg:s6], $0x5FFFF  }
0xac: {  	[dreg:$0x1] =	wrdreg $0xFFFFFFFF  }
0xad: {  	[dreg:$0x0] =	wrdreg $0x60  }
0xae: {  	[dreg:$0x2] =	wrdreg s24  }
0xaf: {  	[dreg:$0x3] =	wrdreg $0x195000  }
0xb0: {  	[dreg:$0x4] =	wrdreg $0x1A1400  }
0xb1: {  	[dreg:$0x5] =	wrdreg $0x9  }
0xb2: {  	_ =	task.clear_ibuf [dreg:s6], $0x6FFFF;
	_ =	strace $0x90000046  }
0xb3: {  	s29 =	simm.s32 $0x9;
	_ =	strace $0x80000048  }
0xb4: {  	_ =	swait.ge [sflag:s29], $0x1  }
0xb5: {  	[sflag:s29] =	ssyncadd.s32 $0xFFFFFFFF  }
0xb6: {  	_ =	strace $0x90000048  }
0xb7: {  	_ =	sfence  }
0xb8: {  	s30 =	sld [smem:$0x0];
	_ =	sdelay $0x2  }
0xb9: {  	s31 =	sshll.u32 s1, $0xD;
	s1 =	sshrl.u32 s1, $0x2  }
0xba: {  	s3 =	sand.u32 $0x4000, s31;
	s1 =	sadd.s32 s1, s30  }
0xbb: {  	s0 =	sor.u32 s3, s0;
	s1 =	sshll.u32 s1, $0x11  }
0xbc: {  	s0 =	sor.u32 s1, s0  }
0xbd: {  	s0 =	sadd.s32 $0x8F2B, s0  }
0xbe: {  	[sflag:s0] =	ssyncadd.remote.s32 $0x1  }
0xbf: {  	_ =	sfence.sel $0xFFFF  }
0xc0: {  	[dreg:$0x0] =	wrdreg $0xFFFFFFFF;
	(pc) =	sbr.abs _section_cstart, $3  }
0xc1: {  	[dreg:$0x1] =	wrdreg $0xFFFFFFFF  }
0xc2: {  	_ =	task.clear_ibuf [dreg:s6], $0x2FFFF;
	_ =	strace $0x9FFFFFFF  }
0xc3: {  	(tm) =	ssettm $0x7FFFFFFF  }
tec
execute0_lowered:
.L_overlay_start_1:
0x0: {  	(tag) =	ssettag $0x1  }
0x1: {  	s9 =	rddreg [dreg:$0x0]  }
0x2: {  	s2 =	rddreg [dreg:$0x1];
	s1 =	srdreg.scid  }
0x3: {  	s0 =	stileid.u32;
	s3 =	rddreg [dreg:$0x2];
	s4 =	simm.s32 $0x0  }
0x4: {  	s16 =	simm.s32 $0x2;
	s17 =	simm.s32 $0x18800;
	s18 =	simm.s32 $0x18880  }
0x5: {  	s19 =	simm.s32 $0xC400;
	s20 =	simm.s32 $0x80;
	s21 =	simm.s32 $0x1  }
0x6: {  	s7 =	sand.u32 $0x1, s1;
	s8 =	smul.u32 $0xC40, s0;
	s1 =	rddreg [dreg:$0x3]  }
0x7: {  	s22 =	simm.s32 $0x0;
	[smem:$0x7FF] =	sst s4;
	s5 =	smul.u32 $0xC400, s7  }
0x8: {  	s6 =	sshll.u32 s7, $0x4;
	_ =	strace $0x80000047;
	s7 =	ssub.s32 $0x2, s7  }
0x9: {  	s11 =	sor.u32 s0, s6;
	s6 =	sadd.s32 $0x1A000, s9;
	s31 =	sshrl.u32 s7, $0x1  }
0xa: {  	s10 =	sadd.s32 s8, s5;
	s5 =	sadd.s32 $0x1A200, s9;
	s12 =	smul.u32 $0x6800, s11  }
0xb: {  	s11 =	smul.u32 $0xD00, s11;
	s15 =	ssub.s32 s7, s31;
	s7 =	sadd.s32 s8, s2  }
0xc: {  	s8 =	sadd.s32 s8, s3;
	s10 =	sshrl.u32 s10, $0x3;
	s12 =	sshrl.u32 s12, $0x3  }
0xd: {  	s15 =	smax.u32 s15, $0x1;
	s14 =	sadd.s32 s10, s9;
	s12 =	sadd.s32 s9, s12  }
0xe: {  	s9 =	sadd.s32 s9, s11;
	s13 =	sadd.s32 $0x1BC00, s14;
	s14 =	sadd.s32 $0x1EE00, s14  }
0xf: {  	v0 =	vimm.f32 $0.0e+00;
	s10 =	sadd.s32 $0x380, s12;
	s11 =	sadd.s32 $0x700, s12;
	s12 =	sadd.s32 $0xA80, s12  }
.LBB2_1:
0x10: {  	[tilespmem:s4], [sflag:$0x2] =	stream.linear.gather [hbm4b:s5+s4], $0xC400, $0x38;
	[tilespmem:$0x1AD80] =	vst v63  }
0x11: {  	_ =	swait.ge [sflag:s16], $0xC400  }
0x12: {  	[sflag:s16] =	ssyncset.done $0x0  }
0x13: {  	[sflag:s16] =	ssyncadd.s32 $0xFFFF3C00  }
0x14: {  	[tilespmem:s17], [sflag:$0x2] =	stream.linear.gather [hbm4b:s6+s4], $0x80, $0x38;
	[tilespmem:$0x1AD80] =	vst v63  }
0x15: {  	_ =	swait.ge [sflag:s16], $0x80  }
0x16: {  	[sflag:s16] =	ssyncset.done $0x0  }
0x17: {  	[sflag:s16] =	ssyncadd.s32 $0xFFFFFF80  }
0x18: {  	v1 =	vld [tilespmem:$0x18800]  }
0x19: {  	s23 =	simm.s32 $0x40;
	s24 =	simm.s32 $0x0;
	v2 =	vld [tilespmem:$0x18810]  }
.LBB2_2:
0x1a: {  	p0 =	sne.s32 s23, $0x30C0;
	[tilespmem:s24+$0x18880] =	vst v0;
	s24 =	smov.u32 s23;
	s23 =	sadd.s32 $0x40, s23  }
.Ltmp0:
0x1b: {  	(pc) =	sbr.rel @p0 .LBB2_2-.Ltmp0, $2  }
0x1c: {  	_ =	sdelay $0x2  }
0x1d: {  	s24 =	sshra.s32 s24, $0x2  }
0x1e: {  	[tilespmem:s24+$0x18880] =	vst v0  }
0x1f: {  	[spmem:s7] =	stream.linear.scatter [tilespmem:s18], [sflag:$0x2], $0xC40, $0x38;
	[tilespmem:$0x1AD80] =	vst v63  }
0x20: {  	_ =	swait.ge [sflag:s16], $0xC40  }
0x21: {  	[sflag:s16] =	ssyncset.done $0x0  }
0x22: {  	[sflag:s16] =	ssyncadd.s32 $0xFFFFF3C0  }
0x23: {  	[spmem:s8] =	stream.linear.scatter [tilespmem:s18], [sflag:$0x2], $0xC40, $0x38;
	[tilespmem:$0x1AD80] =	vst v63  }
0x24: {  	_ =	swait.ge [sflag:s16], $0xC40  }
0x25: {  	[sflag:s16] =	ssyncset.done $0x0  }
0x26: {  	[sflag:s16] =	ssyncadd.s32 $0xFFFFF3C0  }
0x27: {  	s23 =	simm.s32 $0x0;
	[bflag:$0x0] =	sbarrier.arrive $0xFFFF  }
0x28: {  	[tilespmem:s19], [sflag:$0x2] =	stream.linear.gather [hbm4b:s9+s23], $0x1C00, $0x38;
	[tilespmem:$0x1AD80] =	vst v63  }
0x29: {  	_ =	swait.ge [sflag:s16], $0x1C00  }
0x2a: {  	[sflag:s16] =	ssyncset.done $0x0  }
0x2b: {  	s23 =	simm.s32 $0x0;
	[sflag:s16] =	ssyncadd.s32 $0xFFFFE400  }
0x2c: {  	v3 =	vld [tilespmem:s23+$0xC400];
	_ =	sdelay $0x4  }
0x2d: {  	v4 =	vand.u32 $0xFFFF, v3  }
0x2e: {  	v3 =	vshrl.u32 v3, $0x10;
	_ =	sdelay $0x2  }
0x2f: {  	[tilespmem:s23+$0xE000] =	vst v4  }
0x30: {  	v4 =	vld.idx.msk [tilespmem:v4+s4+$0x0], $0xffff  }
0x31: {  	v3 =	vld.idx.msk [tilespmem:v3+s4+$0x0], $0xffff;
	_ =	sdelay $0x4  }
0x32: {  	v4 =	vmul.f32 v4, v1;
	v5 =	vmul.f32 v3, v2;
	_ =	sdelay $0x1  }
0x33: {  	v4 =	vadd.f32 v5, v4;
	_ =	sdelay $0x1  }
0x34: {  	v5 =	vmul.f32 $2.000000030e-01, v4  }
0x35: {  	vm0 =	vge.f32 v4, $0.0e+00  }
0x36: {  	v4 =	vsel vm0, v4, v5  }
0x37: {  	v4 =	vsub.f32 $0.0e+00, v4;
	_ =	sdelay $0x1  }
0x38: {  	v4 =	vmul.f32 $1.442695020e+00, v4;
	_ =	sdelay $0x1  }
0x39: {  	(erf) = vpow2.f32 v4;
	_ =	sdelay $0x2  }
0x3a: {  	v4 =	vld [tilespmem:s23+$0xC410];
	_ =	sdelay $0x4  }
0x3b: {  	v5 =	vand.u32 $0xFFFF, v4  }
0x3c: {  	v4 =	vshrl.u32 v4, $0x10;
	v6 =	vpop (erf)  }
0x3d: {  	[tilespmem:s23+$0xE010] =	vst v5;
	v3 =	vmul.f32 v6, v3  }
0x3e: {  	[tilespmem:s23+$0x11800] =	vst v6  }
0x3f: {  	[tilespmem:s23+$0x15000] =	vst v3  }
0x40: {  	v3 =	vld.idx.msk [tilespmem:v5+s4+$0x0], $0xffff  }
0x41: {  	v4 =	vld.idx.msk [tilespmem:v4+s4+$0x0], $0xffff;
	_ =	sdelay $0x4  }
0x42: {  	v3 =	vmul.f32 v3, v1;
	v5 =	vmul.f32 v4, v2;
	_ =	sdelay $0x1  }
0x43: {  	v3 =	vadd.f32 v5, v3;
	_ =	sdelay $0x1  }
0x44: {  	v5 =	vmul.f32 $2.000000030e-01, v3  }
0x45: {  	vm9 =	vge.f32 v3, $0.0e+00  }
0x46: {  	v3 =	vsel vm9, v3, v5  }
0x47: {  	v3 =	vsub.f32 $0.0e+00, v3;
	_ =	sdelay $0x1  }
0x48: {  	v3 =	vmul.f32 $1.442695020e+00, v3;
	_ =	sdelay $0x1  }
0x49: {  	(erf) = vpow2.f32 v3;
	_ =	sdelay $0x2  }
0x4a: {  	v3 =	vld [tilespmem:s23+$0xC420];
	_ =	sdelay $0x4  }
0x4b: {  	v5 =	vand.u32 $0xFFFF, v3  }
0x4c: {  	v3 =	vshrl.u32 v3, $0x10;
	v56 =	vpop (erf)  }
0x4d: {  	[tilespmem:s23+$0xE020] =	vst v5;
	v4 =	vmul.f32 v56, v4  }
0x4e: {  	[tilespmem:s23+$0x11810] =	vst v56  }
0x4f: {  	[tilespmem:s23+$0x15010] =	vst v4  }
0x50: {  	v4 =	vld.idx.msk [tilespmem:v5+s4+$0x0], $0xffff  }
0x51: {  	v3 =	vld.idx.msk [tilespmem:v3+s4+$0x0], $0xffff;
	_ =	sdelay $0x4  }
0x52: {  	v4 =	vmul.f32 v4, v1;
	v5 =	vmul.f32 v3, v2;
	_ =	sdelay $0x1  }
0x53: {  	v4 =	vadd.f32 v5, v4;
	_ =	sdelay $0x1  }
0x54: {  	v5 =	vmul.f32 $2.000000030e-01, v4  }
0x55: {  	vm10 =	vge.f32 v4, $0.0e+00  }
0x56: {  	v4 =	vsel vm10, v4, v5  }
0x57: {  	v4 =	vsub.f32 $0.0e+00, v4;
	_ =	sdelay $0x1  }
0x58: {  	v4 =	vmul.f32 $1.442695020e+00, v4;
	_ =	sdelay $0x1  }
0x59: {  	(erf) = vpow2.f32 v4;
	_ =	sdelay $0x2  }
0x5a: {  	v4 =	vld [tilespmem:s23+$0xC430];
	_ =	sdelay $0x4  }
0x5b: {  	v5 =	vand.u32 $0xFFFF, v4  }
0x5c: {  	v4 =	vshrl.u32 v4, $0x10;
	v57 =	vpop (erf)  }
0x5d: {  	[tilespmem:s23+$0xE030] =	vst v5;
	v3 =	vmul.f32 v57, v3  }
0x5e: {  	[tilespmem:s23+$0x11820] =	vst v57  }
0x5f: {  	[tilespmem:s23+$0x15020] =	vst v3  }
0x60: {  	v3 =	vld.idx.msk [tilespmem:v5+s4+$0x0], $0xffff  }
0x61: {  	v4 =	vld.idx.msk [tilespmem:v4+s4+$0x0], $0xffff;
	_ =	sdelay $0x4  }
0x62: {  	v3 =	vmul.f32 v3, v1;
	v5 =	vmul.f32 v4, v2;
	_ =	sdelay $0x1  }
0x63: {  	v3 =	vadd.f32 v5, v3;
	_ =	sdelay $0x1  }
0x64: {  	v5 =	vmul.f32 $2.000000030e-01, v3  }
0x65: {  	vm11 =	vge.f32 v3, $0.0e+00  }
0x66: {  	v3 =	vsel vm11, v3, v5  }
0x67: {  	v3 =	vsub.f32 $0.0e+00, v3;
	_ =	sdelay $0x1  }
0x68: {  	v3 =	vmul.f32 $1.442695020e+00, v3;
	_ =	sdelay $0x1  }
0x69: {  	(erf) = vpow2.f32 v3;
	_ =	sdelay $0x2  }
0x6a: {  	v3 =	vld [tilespmem:s23+$0xC440];
	_ =	sdelay $0x4  }
0x6b: {  	v5 =	vand.u32 $0xFFFF, v3  }
0x6c: {  	v3 =	vshrl.u32 v3, $0x10;
	v7 =	vpop (erf)  }
0x6d: {  	[tilespmem:s23+$0xE040] =	vst v5;
	v4 =	vmul.f32 v7, v4  }
0x6e: {  	[tilespmem:s23+$0x11830] =	vst v7  }
0x6f: {  	[tilespmem:s23+$0x15030] =	vst v4  }
0x70: {  	v4 =	vld.idx.msk [tilespmem:v5+s4+$0x0], $0xffff  }
0x71: {  	v3 =	vld.idx.msk [tilespmem:v3+s4+$0x0], $0xffff;
	_ =	sdelay $0x4  }
0x72: {  	v4 =	vmul.f32 v4, v1;
	v5 =	vmul.f32 v3, v2;
	_ =	sdelay $0x1  }
0x73: {  	v4 =	vadd.f32 v5, v4;
	_ =	sdelay $0x1  }
0x74: {  	v5 =	vmul.f32 $2.000000030e-01, v4  }
0x75: {  	vm12 =	vge.f32 v4, $0.0e+00  }
0x76: {  	v4 =	vsel vm12, v4, v5  }
0x77: {  	v4 =	vsub.f32 $0.0e+00, v4;
	_ =	sdelay $0x1  }
0x78: {  	v4 =	vmul.f32 $1.442695020e+00, v4;
	_ =	sdelay $0x1  }
0x79: {  	(erf) = vpow2.f32 v4;
	_ =	sdelay $0x2  }
0x7a: {  	v58 =	vld [tilespmem:s23+$0xC450];
	_ =	sdelay $0x4  }
0x7b: {  	v4 =	vand.u32 $0xFFFF, v58  }
0x7c: {  	v5 =	vshrl.u32 v58, $0x10;
	v59 =	vpop (erf)  }
0x7d: {  	[tilespmem:s23+$0xE050] =	vst v4;
	v3 =	vmul.f32 v59, v3  }
0x7e: {  	[tilespmem:s23+$0x11840] =	vst v59  }
0x7f: {  	[tilespmem:s23+$0x15040] =	vst v3  }
0x80: {  	v3 =	vld.idx.msk [tilespmem:v4+s4+$0x0], $0xffff  }
0x81: {  	v4 =	vld.idx.msk [tilespmem:v5+s4+$0x0], $0xffff;
	_ =	sdelay $0x4  }
0x82: {  	v3 =	vmul.f32 v3, v1;
	v5 =	vmul.f32 v4, v2;
	_ =	sdelay $0x1  }
0x83: {  	v3 =	vadd.f32 v5, v3;
	_ =	sdelay $0x1  }
0x84: {  	v5 =	vmul.f32 $2.000000030e-01, v3  }
0x85: {  	vm13 =	vge.f32 v3, $0.0e+00  }
0x86: {  	v3 =	vsel vm13, v3, v5  }
0x87: {  	v3 =	vsub.f32 $0.0e+00, v3;
	_ =	sdelay $0x1  }
0x88: {  	v3 =	vmul.f32 $1.442695020e+00, v3;
	_ =	sdelay $0x1  }
0x89: {  	(erf) = vpow2.f32 v3;
	_ =	sdelay $0x2  }
0x8a: {  	v60 =	vld [tilespmem:s23+$0xC460];
	_ =	sdelay $0x4  }
0x8b: {  	v3 =	vand.u32 $0xFFFF, v60  }
0x8c: {  	v5 =	vshrl.u32 v60, $0x10;
	v61 =	vpop (erf)  }
0x8d: {  	[tilespmem:s23+$0xE060] =	vst v3;
	v4 =	vmul.f32 v61, v4  }
0x8e: {  	[tilespmem:s23+$0x11850] =	vst v61  }
0x8f: {  	[tilespmem:s23+$0x15050] =	vst v4  }
0x90: {  	v3 =	vld.idx.msk [tilespmem:v3+s4+$0x0], $0xffff  }
0x91: {  	v4 =	vld.idx.msk [tilespmem:v5+s4+$0x0], $0xffff;
	_ =	sdelay $0x4  }
0x92: {  	v3 =	vmul.f32 v3, v1;
	v5 =	vmul.f32 v4, v2;
	_ =	sdelay $0x1  }
0x93: {  	v3 =	vadd.f32 v5, v3;
	_ =	sdelay $0x1  }
0x94: {  	v5 =	vmul.f32 $2.000000030e-01, v3  }
0x95: {  	vm14 =	vge.f32 v3, $0.0e+00  }
0x96: {  	v3 =	vsel vm14, v3, v5  }
0x97: {  	v3 =	vsub.f32 $0.0e+00, v3;
	_ =	sdelay $0x1  }
0x98: {  	v3 =	vmul.f32 $1.442695020e+00, v3;
	_ =	sdelay $0x1  }
0x99: {  	(erf) = vpow2.f32 v3;
	_ =	sdelay $0x2  }
0x9a: {  	v62 =	vld [tilespmem:s23+$0xC470];
	_ =	sdelay $0x4  }
0x9b: {  	v3 =	vand.u32 $0xFFFF, v62  }
0x9c: {  	v5 =	vshrl.u32 v62, $0x10;
	v63 =	vpop (erf)  }
0x9d: {  	[tilespmem:s23+$0xE070] =	vst v3;
	v4 =	vmul.f32 v63, v4  }
0x9e: {  	[tilespmem:s23+$0x11860] =	vst v63  }
0x9f: {  	[tilespmem:s23+$0x15060] =	vst v4  }
0xa0: {  	v4 =	vld.idx.msk [tilespmem:v3+s4+$0x0], $0xffff  }
0xa1: {  	v3 =	vld.idx.msk [tilespmem:v5+s4+$0x0], $0xffff;
	_ =	sdelay $0x4  }
0xa2: {  	v4 =	vmul.f32 v4, v1;
	v5 =	vmul.f32 v3, v2;
	_ =	sdelay $0x1  }
0xa3: {  	v4 =	vadd.f32 v5, v4;
	_ =	sdelay $0x1  }
0xa4: {  	v5 =	vmul.f32 $2.000000030e-01, v4  }
0xa5: {  	vm15 =	vge.f32 v4, $0.0e+00  }
0xa6: {  	v4 =	vsel vm15, v4, v5  }
0xa7: {  	v4 =	vsub.f32 $0.0e+00, v4;
	_ =	sdelay $0x1  }
0xa8: {  	v4 =	vmul.f32 $1.442695020e+00, v4;
	_ =	sdelay $0x1  }
0xa9: {  	(erf) = vpow2.f32 v4;
	_ =	sdelay $0x4  }
0xaa: {  	s24 =	simm.s32 $0x200  }
0xab: {  	s25 =	simm.s32 $0xE000;
	s28 =	simm.s32 $0x11800;
	s26 =	simm.s32 $0x15000  }
.LBB2_4:
0xac: {  	p0 =	sne.s32 s24, $0x6E00;
	s29 =	smov.u32 s24;
	s24 =	sadd.s32 $0x200, s24  }
0xad: {  	_ = 	snop  }
0xae: {  	v4 =	vpop (erf)  }
0xaf: {  	[tilespmem:s23+$0x11870] =	vst v4;
	v3 =	vmul.f32 v4, v3;
	_ =	sdelay $0x1  }
0xb0: {  	[tilespmem:s23+$0x15070] =	vst v3  }
0xb1: {  	[spmem:s2] =	stream.indirect.scatter.add.f32 [tilespmem:s28], [sflag:$0x1], $0x1, s25, s20, $0xb8;
	[tilespmem:$0x1AD80] =	vst v63  }
0xb2: {  	s23 =	sshra.s32 s29, $0x2  }
0xb3: {  	[spmem:s3] =	stream.indirect.scatter.add.f32 [tilespmem:s26], [sflag:$0x1], $0x1, s25, s20, $0xb8;
	[tilespmem:$0x1AD80] =	vst v63  }
0xb4: {  	v3 =	vld [tilespmem:s23+$0xC400];
	_ =	sdelay $0x4  }
0xb5: {  	v4 =	vand.u32 $0xFFFF, v3;
	v3 =	vshrl.u32 v3, $0x10;
	_ =	sdelay $0x3  }
0xb6: {  	[tilespmem:s23+$0xE000] =	vst v4  }
0xb7: {  	v4 =	vld.idx.msk [tilespmem:v4+s4+$0x0], $0xffff  }
0xb8: {  	v3 =	vld.idx.msk [tilespmem:v3+s4+$0x0], $0xffff;
	_ =	sdelay $0x4  }
0xb9: {  	v4 =	vmul.f32 v4, v1  }
0xba: {  	v5 =	vmul.f32 v3, v2;
	_ =	sdelay $0x1  }
0xbb: {  	v4 =	vadd.f32 v5, v4;
	_ =	sdelay $0x1  }
0xbc: {  	vm0 =	vge.f32 v4, $0.0e+00;
	v5 =	vmul.f32 $2.000000030e-01, v4;
	_ =	sdelay $0x1  }
0xbd: {  	v4 =	vsel vm0, v4, v5  }
0xbe: {  	v4 =	vsub.f32 $0.0e+00, v4;
	_ =	sdelay $0x1  }
0xbf: {  	v4 =	vmul.f32 $1.442695020e+00, v4;
	_ =	sdelay $0x1  }
0xc0: {  	(erf) = vpow2.f32 v4;
	_ =	sdelay $0x2  }
0xc1: {  	v4 =	vld [tilespmem:s23+$0xC410];
	_ =	sdelay $0x4  }
0xc2: {  	v5 =	vand.u32 $0xFFFF, v4;
	v4 =	vshrl.u32 v4, $0x10  }
0xc3: {  	v6 =	vpop (erf)  }
0xc4: {  	v3 =	vmul.f32 v6, v3;
	[tilespmem:s23+$0xE010] =	vst v5  }
0xc5: {  	[tilespmem:s23+$0x11800] =	vst v6  }
0xc6: {  	[tilespmem:s23+$0x15000] =	vst v3  }
0xc7: {  	v3 =	vld.idx.msk [tilespmem:v5+s4+$0x0], $0xffff  }
0xc8: {  	v4 =	vld.idx.msk [tilespmem:v4+s4+$0x0], $0xffff;
	_ =	sdelay $0x4  }
0xc9: {  	v3 =	vmul.f32 v3, v1  }
0xca: {  	v5 =	vmul.f32 v4, v2;
	_ =	sdelay $0x1  }
0xcb: {  	v3 =	vadd.f32 v5, v3;
	_ =	sdelay $0x1  }
0xcc: {  	vm0 =	vge.f32 v3, $0.0e+00;
	v5 =	vmul.f32 $2.000000030e-01, v3;
	_ =	sdelay $0x1  }
0xcd: {  	v3 =	vsel vm0, v3, v5  }
0xce: {  	v3 =	vsub.f32 $0.0e+00, v3;
	_ =	sdelay $0x1  }
0xcf: {  	v3 =	vmul.f32 $1.442695020e+00, v3;
	_ =	sdelay $0x1  }
0xd0: {  	(erf) = vpow2.f32 v3;
	_ =	sdelay $0x2  }
0xd1: {  	v3 =	vld [tilespmem:s23+$0xC420];
	_ =	sdelay $0x4  }
0xd2: {  	v5 =	vand.u32 $0xFFFF, v3;
	v3 =	vshrl.u32 v3, $0x10  }
0xd3: {  	v6 =	vpop (erf)  }
0xd4: {  	[tilespmem:s23+$0x11810] =	vst v6;
	v4 =	vmul.f32 v6, v4  }
0xd5: {  	[tilespmem:s23+$0xE020] =	vst v5  }
0xd6: {  	[tilespmem:s23+$0x15010] =	vst v4  }
0xd7: {  	v4 =	vld.idx.msk [tilespmem:v5+s4+$0x0], $0xffff  }
0xd8: {  	v3 =	vld.idx.msk [tilespmem:v3+s4+$0x0], $0xffff;
	_ =	sdelay $0x4  }
0xd9: {  	v4 =	vmul.f32 v4, v1  }
0xda: {  	v5 =	vmul.f32 v3, v2;
	_ =	sdelay $0x1  }
0xdb: {  	v4 =	vadd.f32 v5, v4;
	_ =	sdelay $0x1  }
0xdc: {  	vm0 =	vge.f32 v4, $0.0e+00;
	v5 =	vmul.f32 $2.000000030e-01, v4;
	_ =	sdelay $0x1  }
0xdd: {  	v4 =	vsel vm0, v4, v5  }
0xde: {  	v4 =	vsub.f32 $0.0e+00, v4;
	_ =	sdelay $0x1  }
0xdf: {  	v4 =	vmul.f32 $1.442695020e+00, v4;
	_ =	sdelay $0x1  }
0xe0: {  	(erf) = vpow2.f32 v4;
	_ =	sdelay $0x2  }
0xe1: {  	v4 =	vld [tilespmem:s23+$0xC430];
	_ =	sdelay $0x4  }
0xe2: {  	v5 =	vand.u32 $0xFFFF, v4;
	v4 =	vshrl.u32 v4, $0x10  }
0xe3: {  	v6 =	vpop (erf)  }
0xe4: {  	[tilespmem:s23+$0x11820] =	vst v6;
	v3 =	vmul.f32 v6, v3  }
0xe5: {  	[tilespmem:s23+$0xE030] =	vst v5  }
0xe6: {  	[tilespmem:s23+$0x15020] =	vst v3  }
0xe7: {  	v3 =	vld.idx.msk [tilespmem:v5+s4+$0x0], $0xffff  }
0xe8: {  	v4 =	vld.idx.msk [tilespmem:v4+s4+$0x0], $0xffff;
	_ =	sdelay $0x4  }
0xe9: {  	v3 =	vmul.f32 v3, v1  }
0xea: {  	v5 =	vmul.f32 v4, v2;
	_ =	sdelay $0x1  }
0xeb: {  	v3 =	vadd.f32 v5, v3;
	_ =	sdelay $0x1  }
0xec: {  	vm0 =	vge.f32 v3, $0.0e+00;
	v5 =	vmul.f32 $2.000000030e-01, v3;
	_ =	sdelay $0x1  }
0xed: {  	v3 =	vsel vm0, v3, v5  }
0xee: {  	v3 =	vsub.f32 $0.0e+00, v3;
	_ =	sdelay $0x1  }
0xef: {  	v3 =	vmul.f32 $1.442695020e+00, v3;
	_ =	sdelay $0x1  }
0xf0: {  	(erf) = vpow2.f32 v3;
	_ =	sdelay $0x2  }
0xf1: {  	v3 =	vld [tilespmem:s23+$0xC440];
	_ =	sdelay $0x4  }
0xf2: {  	v5 =	vand.u32 $0xFFFF, v3;
	v3 =	vshrl.u32 v3, $0x10  }
0xf3: {  	v6 =	vld [tilespmem:s23+$0xC450];
	v7 =	vpop (erf)  }
0xf4: {  	[tilespmem:s23+$0x11830] =	vst v7;
	v4 =	vmul.f32 v7, v4  }
0xf5: {  	[tilespmem:s23+$0xE040] =	vst v5  }
0xf6: {  	[tilespmem:s23+$0x15030] =	vst v4  }
0xf7: {  	v4 =	vld.idx.msk [tilespmem:v5+s4+$0x0], $0xffff  }
0xf8: {  	v3 =	vld.idx.msk [tilespmem:v3+s4+$0x0], $0xffff;
	v5 =	vand.u32 $0xFFFF, v6  }
0xf9: {  	[tilespmem:s23+$0xE050] =	vst v5;
	_ =	sdelay $0x3  }
0xfa: {  	v4 =	vmul.f32 v4, v1  }
0xfb: {  	v7 =	vmul.f32 v3, v2;
	_ =	sdelay $0x1  }
0xfc: {  	v4 =	vadd.f32 v7, v4;
	_ =	sdelay $0x1  }
0xfd: {  	vm0 =	vge.f32 v4, $0.0e+00;
	v7 =	vmul.f32 $2.000000030e-01, v4;
	_ =	sdelay $0x1  }
0xfe: {  	v4 =	vsel vm0, v4, v7  }
0xff: {  	v4 =	vsub.f32 $0.0e+00, v4;
	_ =	sdelay $0x1  }
0x100: {  	v4 =	vmul.f32 $1.442695020e+00, v4;
	_ =	sdelay $0x1  }
0x101: {  	(erf) = vpow2.f32 v4;
	_ =	sdelay $0x7  }
0x102: {  	v4 =	vshrl.u32 v6, $0x10  }
0x103: {  	v6 =	vld [tilespmem:s23+$0xC460];
	v7 =	vpop (erf)  }
0x104: {  	[tilespmem:s23+$0x11840] =	vst v7;
	v3 =	vmul.f32 v7, v3;
	_ =	sdelay $0x1  }
0x105: {  	[tilespmem:s23+$0x15040] =	vst v3  }
0x106: {  	v3 =	vld.idx.msk [tilespmem:v5+s4+$0x0], $0xffff  }
0x107: {  	v4 =	vld.idx.msk [tilespmem:v4+s4+$0x0], $0xffff;
	v5 =	vand.u32 $0xFFFF, v6  }
0x108: {  	[tilespmem:s23+$0xE060] =	vst v5;
	_ =	sdelay $0x3  }
0x109: {  	v3 =	vmul.f32 v3, v1  }
0x10a: {  	v7 =	vmul.f32 v4, v2;
	_ =	sdelay $0x1  }
0x10b: {  	v3 =	vadd.f32 v7, v3;
	_ =	sdelay $0x1  }
0x10c: {  	vm0 =	vge.f32 v3, $0.0e+00;
	v7 =	vmul.f32 $2.000000030e-01, v3;
	_ =	sdelay $0x1  }
0x10d: {  	v3 =	vsel vm0, v3, v7  }
0x10e: {  	v3 =	vsub.f32 $0.0e+00, v3;
	_ =	sdelay $0x1  }
0x10f: {  	v3 =	vmul.f32 $1.442695020e+00, v3;
	_ =	sdelay $0x1  }
0x110: {  	(erf) = vpow2.f32 v3;
	_ =	sdelay $0x7  }
0x111: {  	v3 =	vshrl.u32 v6, $0x10  }
0x112: {  	v6 =	vld [tilespmem:s23+$0xC470];
	v7 =	vpop (erf)  }
0x113: {  	[tilespmem:s23+$0x11850] =	vst v7;
	v4 =	vmul.f32 v7, v4;
	_ =	sdelay $0x1  }
0x114: {  	[tilespmem:s23+$0x15050] =	vst v4  }
0x115: {  	v4 =	vld.idx.msk [tilespmem:v5+s4+$0x0], $0xffff  }
0x116: {  	v3 =	vld.idx.msk [tilespmem:v3+s4+$0x0], $0xffff;
	v5 =	vand.u32 $0xFFFF, v6  }
0x117: {  	[tilespmem:s23+$0xE070] =	vst v5;
	_ =	sdelay $0x3  }
0x118: {  	v4 =	vmul.f32 v4, v1  }
0x119: {  	v7 =	vmul.f32 v3, v2;
	_ =	sdelay $0x1  }
0x11a: {  	v4 =	vadd.f32 v7, v4;
	_ =	sdelay $0x1  }
0x11b: {  	vm0 =	vge.f32 v4, $0.0e+00;
	v7 =	vmul.f32 $2.000000030e-01, v4;
	_ =	sdelay $0x1  }
0x11c: {  	v4 =	vsel vm0, v4, v7  }
0x11d: {  	v4 =	vsub.f32 $0.0e+00, v4;
	_ =	sdelay $0x1  }
0x11e: {  	v4 =	vmul.f32 $1.442695020e+00, v4;
	_ =	sdelay $0x1  }
0x11f: {  	(erf) = vpow2.f32 v4;
	_ =	sdelay $0x7  }
0x120: {  	v4 =	vshrl.u32 v6, $0x10  }
0x121: {  	v6 =	vpop (erf)  }
0x122: {  	[tilespmem:s23+$0x11860] =	vst v6;
	v3 =	vmul.f32 v6, v3;
	_ =	sdelay $0x1  }
0x123: {  	[tilespmem:s23+$0x15060] =	vst v3  }
0x124: {  	v5 =	vld.idx.msk [tilespmem:v5+s4+$0x0], $0xffff  }
0x125: {  	v3 =	vld.idx.msk [tilespmem:v4+s4+$0x0], $0xffff;
	_ =	sdelay $0x4  }
0x126: {  	v4 =	vmul.f32 v5, v1  }
0x127: {  	v5 =	vmul.f32 v3, v2;
	_ =	sdelay $0x1  }
0x128: {  	v4 =	vadd.f32 v5, v4;
	_ =	sdelay $0x1  }
0x129: {  	vm0 =	vge.f32 v4, $0.0e+00;
	v5 =	vmul.f32 $2.000000030e-01, v4;
	_ =	sdelay $0x1  }
0x12a: {  	v4 =	vsel vm0, v4, v5  }
0x12b: {  	v4 =	vsub.f32 $0.0e+00, v4;
	_ =	sdelay $0x1  }
0x12c: {  	v4 =	vmul.f32 $1.442695020e+00, v4;
	_ =	sdelay $0x1  }
0x12d: {  	(erf) = vpow2.f32 v4;
	_ =	sdelay $0x1  }
.Ltmp1:
0x12e: {  	(pc) =	sbr.rel @p0 .LBB2_4-.Ltmp1, $3  }
0x12f: {  	_ = 	snop  }
0x130: {  	s28 =	sadd.s32 $0x11800, s23;
	s25 =	sadd.s32 $0xE000, s23;
	_ =	sdelay $0x1  }
0x131: {  	s26 =	sadd.s32 $0x15000, s23  }
0x132: {  	_ =	sdelay $0x1  }
0x133: {  	v4 =	vpop (erf)  }
0x134: {  	v3 =	vmul.f32 v4, v3  }
0x135: {  	[tilespmem:s23+$0x11870] =	vst v4  }
0x136: {  	[tilespmem:s23+$0x15070] =	vst v3  }
0x137: {  	[spmem:s2] =	stream.indirect.scatter.add.f32 [tilespmem:s28], [sflag:$0x1], $0x1, s25, s20, $0xb8;
	[tilespmem:$0x1AD80] =	vst v63  }
0x138: {  	_ = 	snop  }
0x139: {  	[spmem:s3] =	stream.indirect.scatter.add.f32 [tilespmem:s26], [sflag:$0x1], $0x1, s25, s20, $0xb8;
	[tilespmem:$0x1AD80] =	vst v63  }
0x13a: {  	s31 =	simm.s32 $0x0  }
0x13b: {  	[tilespmem:s19], [sflag:$0x2] =	stream.linear.gather [hbm4b:s10+s31], $0x1C00, $0x38;
	[tilespmem:$0x1AD80] =	vst v63  }
0x13c: {  	_ =	swait.ge [sflag:s16], $0x1C00  }
0x13d: {  	[sflag:s16] =	ssyncset.done $0x0  }
0x13e: {  	s23 =	simm.s32 $0x0;
	[sflag:s16] =	ssyncadd.s32 $0xFFFFE400  }
0x13f: {  	v3 =	vld [tilespmem:s23+$0xC400];
	_ =	sdelay $0x4  }
0x140: {  	v4 =	vand.u32 $0xFFFF, v3  }
0x141: {  	v3 =	vshrl.u32 v3, $0x10;
	_ =	sdelay $0x2  }
0x142: {  	[tilespmem:s23+$0xFC00] =	vst v4  }
0x143: {  	v4 =	vld.idx.msk [tilespmem:v4+s4+$0x0], $0xffff  }
0x144: {  	v3 =	vld.idx.msk [tilespmem:v3+s4+$0x0], $0xffff;
	_ =	sdelay $0x4  }
0x145: {  	v4 =	vmul.f32 v4, v1;
	v5 =	vmul.f32 v3, v2;
	_ =	sdelay $0x1  }
0x146: {  	v4 =	vadd.f32 v5, v4;
	_ =	sdelay $0x1  }
0x147: {  	v5 =	vmul.f32 $2.000000030e-01, v4  }
0x148: {  	vm0 =	vge.f32 v4, $0.0e+00  }
0x149: {  	v4 =	vsel vm0, v4, v5  }
0x14a: {  	v4 =	vsub.f32 $0.0e+00, v4;
	_ =	sdelay $0x1  }
0x14b: {  	v4 =	vmul.f32 $1.442695020e+00, v4;
	_ =	sdelay $0x1  }
0x14c: {  	(erf) = vpow2.f32 v4;
	_ =	sdelay $0x2  }
0x14d: {  	v4 =	vld [tilespmem:s23+$0xC410];
	_ =	sdelay $0x4  }
0x14e: {  	v5 =	vand.u32 $0xFFFF, v4  }
0x14f: {  	v4 =	vshrl.u32 v4, $0x10;
	v6 =	vpop (erf)  }
0x150: {  	[tilespmem:s23+$0xFC10] =	vst v5;
	v3 =	vmul.f32 v6, v3  }
0x151: {  	[tilespmem:s23+$0x13400] =	vst v6  }
0x152: {  	[tilespmem:s23+$0x16C00] =	vst v3  }
0x153: {  	v3 =	vld.idx.msk [tilespmem:v5+s4+$0x0], $0xffff  }
0x154: {  	v4 =	vld.idx.msk [tilespmem:v4+s4+$0x0], $0xffff;
	_ =	sdelay $0x4  }
0x155: {  	v3 =	vmul.f32 v3, v1;
	v5 =	vmul.f32 v4, v2;
	_ =	sdelay $0x1  }
0x156: {  	v3 =	vadd.f32 v5, v3;
	_ =	sdelay $0x1  }
0x157: {  	v5 =	vmul.f32 $2.000000030e-01, v3  }
0x158: {  	vm9 =	vge.f32 v3, $0.0e+00  }
0x159: {  	v3 =	vsel vm9, v3, v5  }
0x15a: {  	v3 =	vsub.f32 $0.0e+00, v3;
	_ =	sdelay $0x1  }
0x15b: {  	v3 =	vmul.f32 $1.442695020e+00, v3;
	_ =	sdelay $0x1  }
0x15c: {  	(erf) = vpow2.f32 v3;
	_ =	sdelay $0x2  }
0x15d: {  	v3 =	vld [tilespmem:s23+$0xC420];
	_ =	sdelay $0x4  }
0x15e: {  	v5 =	vand.u32 $0xFFFF, v3  }
0x15f: {  	v3 =	vshrl.u32 v3, $0x10;
	v56 =	vpop (erf)  }
0x160: {  	[tilespmem:s23+$0xFC20] =	vst v5;
	v4 =	vmul.f32 v56, v4  }
0x161: {  	[tilespmem:s23+$0x13410] =	vst v56  }
0x162: {  	[tilespmem:s23+$0x16C10] =	vst v4  }
0x163: {  	v4 =	vld.idx.msk [tilespmem:v5+s4+$0x0], $0xffff  }
0x164: {  	v3 =	vld.idx.msk [tilespmem:v3+s4+$0x0], $0xffff;
	_ =	sdelay $0x4  }
0x165: {  	v4 =	vmul.f32 v4, v1;
	v5 =	vmul.f32 v3, v2;
	_ =	sdelay $0x1  }
0x166: {  	v4 =	vadd.f32 v5, v4;
	_ =	sdelay $0x1  }
0x167: {  	v5 =	vmul.f32 $2.000000030e-01, v4  }
0x168: {  	vm10 =	vge.f32 v4, $0.0e+00  }
0x169: {  	v4 =	vsel vm10, v4, v5  }
0x16a: {  	v4 =	vsub.f32 $0.0e+00, v4;
	_ =	sdelay $0x1  }
0x16b: {  	v4 =	vmul.f32 $1.442695020e+00, v4;
	_ =	sdelay $0x1  }
0x16c: {  	(erf) = vpow2.f32 v4;
	_ =	sdelay $0x2  }
0x16d: {  	v4 =	vld [tilespmem:s23+$0xC430];
	_ =	sdelay $0x4  }
0x16e: {  	v5 =	vand.u32 $0xFFFF, v4  }
0x16f: {  	v4 =	vshrl.u32 v4, $0x10;
	v57 =	vpop (erf)  }
0x170: {  	[tilespmem:s23+$0xFC30] =	vst v5;
	v3 =	vmul.f32 v57, v3  }
0x171: {  	[tilespmem:s23+$0x13420] =	vst v57  }
0x172: {  	[tilespmem:s23+$0x16C20] =	vst v3  }
0x173: {  	v3 =	vld.idx.msk [tilespmem:v5+s4+$0x0], $0xffff  }
0x174: {  	v4 =	vld.idx.msk [tilespmem:v4+s4+$0x0], $0xffff;
	_ =	sdelay $0x4  }
0x175: {  	v3 =	vmul.f32 v3, v1;
	v5 =	vmul.f32 v4, v2;
	_ =	sdelay $0x1  }
0x176: {  	v3 =	vadd.f32 v5, v3;
	_ =	sdelay $0x1  }
0x177: {  	v5 =	vmul.f32 $2.000000030e-01, v3  }
0x178: {  	vm11 =	vge.f32 v3, $0.0e+00  }
0x179: {  	v3 =	vsel vm11, v3, v5  }
0x17a: {  	v3 =	vsub.f32 $0.0e+00, v3;
	_ =	sdelay $0x1  }
0x17b: {  	v3 =	vmul.f32 $1.442695020e+00, v3;
	_ =	sdelay $0x1  }
0x17c: {  	(erf) = vpow2.f32 v3;
	_ =	sdelay $0x2  }
0x17d: {  	v3 =	vld [tilespmem:s23+$0xC440];
	_ =	sdelay $0x4  }
0x17e: {  	v5 =	vand.u32 $0xFFFF, v3  }
0x17f: {  	v3 =	vshrl.u32 v3, $0x10;
	v7 =	vpop (erf)  }
0x180: {  	[tilespmem:s23+$0xFC40] =	vst v5;
	v4 =	vmul.f32 v7, v4  }
0x181: {  	[tilespmem:s23+$0x13430] =	vst v7  }
0x182: {  	[tilespmem:s23+$0x16C30] =	vst v4  }
0x183: {  	v4 =	vld.idx.msk [tilespmem:v5+s4+$0x0], $0xffff  }
0x184: {  	v3 =	vld.idx.msk [tilespmem:v3+s4+$0x0], $0xffff;
	_ =	sdelay $0x4  }
0x185: {  	v4 =	vmul.f32 v4, v1;
	v5 =	vmul.f32 v3, v2;
	_ =	sdelay $0x1  }
0x186: {  	v4 =	vadd.f32 v5, v4;
	_ =	sdelay $0x1  }
0x187: {  	v5 =	vmul.f32 $2.000000030e-01, v4  }
0x188: {  	vm12 =	vge.f32 v4, $0.0e+00  }
0x189: {  	v4 =	vsel vm12, v4, v5  }
0x18a: {  	v4 =	vsub.f32 $0.0e+00, v4;
	_ =	sdelay $0x1  }
0x18b: {  	v4 =	vmul.f32 $1.442695020e+00, v4;
	_ =	sdelay $0x1  }
0x18c: {  	(erf) = vpow2.f32 v4;
	_ =	sdelay $0x2  }
0x18d: {  	v58 =	vld [tilespmem:s23+$0xC450];
	_ =	sdelay $0x4  }
0x18e: {  	v4 =	vand.u32 $0xFFFF, v58  }
0x18f: {  	v5 =	vshrl.u32 v58, $0x10;
	v59 =	vpop (erf)  }
0x190: {  	[tilespmem:s23+$0xFC50] =	vst v4;
	v3 =	vmul.f32 v59, v3  }
0x191: {  	[tilespmem:s23+$0x13440] =	vst v59  }
0x192: {  	[tilespmem:s23+$0x16C40] =	vst v3  }
0x193: {  	v3 =	vld.idx.msk [tilespmem:v4+s4+$0x0], $0xffff  }
0x194: {  	v4 =	vld.idx.msk [tilespmem:v5+s4+$0x0], $0xffff;
	_ =	sdelay $0x4  }
0x195: {  	v3 =	vmul.f32 v3, v1;
	v5 =	vmul.f32 v4, v2;
	_ =	sdelay $0x1  }
0x196: {  	v3 =	vadd.f32 v5, v3;
	_ =	sdelay $0x1  }
0x197: {  	v5 =	vmul.f32 $2.000000030e-01, v3  }
0x198: {  	vm13 =	vge.f32 v3, $0.0e+00  }
0x199: {  	v3 =	vsel vm13, v3, v5  }
0x19a: {  	v3 =	vsub.f32 $0.0e+00, v3;
	_ =	sdelay $0x1  }
0x19b: {  	v3 =	vmul.f32 $1.442695020e+00, v3;
	_ =	sdelay $0x1  }
0x19c: {  	(erf) = vpow2.f32 v3;
	_ =	sdelay $0x2  }
0x19d: {  	v60 =	vld [tilespmem:s23+$0xC460];
	_ =	sdelay $0x4  }
0x19e: {  	v3 =	vand.u32 $0xFFFF, v60  }
0x19f: {  	v5 =	vshrl.u32 v60, $0x10;
	v61 =	vpop (erf)  }
0x1a0: {  	[tilespmem:s23+$0xFC60] =	vst v3;
	v4 =	vmul.f32 v61, v4  }
0x1a1: {  	[tilespmem:s23+$0x13450] =	vst v61  }
0x1a2: {  	[tilespmem:s23+$0x16C50] =	vst v4  }
0x1a3: {  	v3 =	vld.idx.msk [tilespmem:v3+s4+$0x0], $0xffff  }
0x1a4: {  	v4 =	vld.idx.msk [tilespmem:v5+s4+$0x0], $0xffff;
	_ =	sdelay $0x4  }
0x1a5: {  	v3 =	vmul.f32 v3, v1;
	v5 =	vmul.f32 v4, v2;
	_ =	sdelay $0x1  }
0x1a6: {  	v3 =	vadd.f32 v5, v3;
	_ =	sdelay $0x1  }
0x1a7: {  	v5 =	vmul.f32 $2.000000030e-01, v3  }
0x1a8: {  	vm14 =	vge.f32 v3, $0.0e+00  }
0x1a9: {  	v3 =	vsel vm14, v3, v5  }
0x1aa: {  	v3 =	vsub.f32 $0.0e+00, v3;
	_ =	sdelay $0x1  }
0x1ab: {  	v3 =	vmul.f32 $1.442695020e+00, v3;
	_ =	sdelay $0x1  }
0x1ac: {  	(erf) = vpow2.f32 v3;
	_ =	sdelay $0x2  }
0x1ad: {  	v62 =	vld [tilespmem:s23+$0xC470];
	_ =	sdelay $0x4  }
0x1ae: {  	v3 =	vand.u32 $0xFFFF, v62  }
0x1af: {  	v5 =	vshrl.u32 v62, $0x10;
	v63 =	vpop (erf)  }
0x1b0: {  	[tilespmem:s23+$0xFC70] =	vst v3;
	v4 =	vmul.f32 v63, v4  }
0x1b1: {  	[tilespmem:s23+$0x13460] =	vst v63  }
0x1b2: {  	[tilespmem:s23+$0x16C60] =	vst v4  }
0x1b3: {  	v4 =	vld.idx.msk [tilespmem:v3+s4+$0x0], $0xffff  }
0x1b4: {  	v3 =	vld.idx.msk [tilespmem:v5+s4+$0x0], $0xffff;
	_ =	sdelay $0x4  }
0x1b5: {  	v4 =	vmul.f32 v4, v1;
	v5 =	vmul.f32 v3, v2;
	_ =	sdelay $0x1  }
0x1b6: {  	v4 =	vadd.f32 v5, v4;
	_ =	sdelay $0x1  }
0x1b7: {  	v5 =	vmul.f32 $2.000000030e-01, v4  }
0x1b8: {  	vm15 =	vge.f32 v4, $0.0e+00  }
0x1b9: {  	v4 =	vsel vm15, v4, v5  }
0x1ba: {  	v4 =	vsub.f32 $0.0e+00, v4;
	_ =	sdelay $0x1  }
0x1bb: {  	v4 =	vmul.f32 $1.442695020e+00, v4;
	_ =	sdelay $0x1  }
0x1bc: {  	(erf) = vpow2.f32 v4;
	_ =	sdelay $0x4  }
0x1bd: {  	s24 =	simm.s32 $0x200  }
0x1be: {  	s28 =	simm.s32 $0x13400;
	s25 =	simm.s32 $0xFC00;
	s26 =	simm.s32 $0x16C00  }
.LBB2_6:
0x1bf: {  	p0 =	sne.s32 s24, $0x6E00;
	s29 =	smov.u32 s24;
	s24 =	sadd.s32 $0x200, s24  }
0x1c0: {  	_ = 	snop  }
0x1c1: {  	v4 =	vpop (erf)  }
0x1c2: {  	[tilespmem:s23+$0x13470] =	vst v4;
	v3 =	vmul.f32 v4, v3;
	_ =	sdelay $0x1  }
0x1c3: {  	[tilespmem:s23+$0x16C70] =	vst v3  }
0x1c4: {  	[spmem:s2] =	stream.indirect.scatter.add.f32 [tilespmem:s28], [sflag:$0x1], $0x1, s25, s20, $0xb8;
	[tilespmem:$0x1AD80] =	vst v63  }
0x1c5: {  	s23 =	sshra.s32 s29, $0x2  }
0x1c6: {  	[spmem:s3] =	stream.indirect.scatter.add.f32 [tilespmem:s26], [sflag:$0x1], $0x1, s25, s20, $0xb8;
	[tilespmem:$0x1AD80] =	vst v63  }
0x1c7: {  	v3 =	vld [tilespmem:s23+$0xC400];
	_ =	sdelay $0x4  }
0x1c8: {  	v4 =	vand.u32 $0xFFFF, v3;
	v3 =	vshrl.u32 v3, $0x10;
	_ =	sdelay $0x3  }
0x1c9: {  	[tilespmem:s23+$0xFC00] =	vst v4  }
0x1ca: {  	v4 =	vld.idx.msk [tilespmem:v4+s4+$0x0], $0xffff  }
0x1cb: {  	v3 =	vld.idx.msk [tilespmem:v3+s4+$0x0], $0xffff;
	_ =	sdelay $0x4  }
0x1cc: {  	v4 =	vmul.f32 v4, v1  }
0x1cd: {  	v5 =	vmul.f32 v3, v2;
	_ =	sdelay $0x1  }
0x1ce: {  	v4 =	vadd.f32 v5, v4;
	_ =	sdelay $0x1  }
0x1cf: {  	vm0 =	vge.f32 v4, $0.0e+00;
	v5 =	vmul.f32 $2.000000030e-01, v4;
	_ =	sdelay $0x1  }
0x1d0: {  	v4 =	vsel vm0, v4, v5  }
0x1d1: {  	v4 =	vsub.f32 $0.0e+00, v4;
	_ =	sdelay $0x1  }
0x1d2: {  	v4 =	vmul.f32 $1.442695020e+00, v4;
	_ =	sdelay $0x1  }
0x1d3: {  	(erf) = vpow2.f32 v4;
	_ =	sdelay $0x2  }
0x1d4: {  	v4 =	vld [tilespmem:s23+$0xC410];
	_ =	sdelay $0x4  }
0x1d5: {  	v5 =	vand.u32 $0xFFFF, v4;
	v4 =	vshrl.u32 v4, $0x10  }
0x1d6: {  	v6 =	vpop (erf)  }
0x1d7: {  	v3 =	vmul.f32 v6, v3;
	[tilespmem:s23+$0xFC10] =	vst v5  }
0x1d8: {  	[tilespmem:s23+$0x13400] =	vst v6  }
0x1d9: {  	[tilespmem:s23+$0x16C00] =	vst v3  }
0x1da: {  	v3 =	vld.idx.msk [tilespmem:v5+s4+$0x0], $0xffff  }
0x1db: {  	v4 =	vld.idx.msk [tilespmem:v4+s4+$0x0], $0xffff;
	_ =	sdelay $0x4  }
0x1dc: {  	v3 =	vmul.f32 v3, v1  }
0x1dd: {  	v5 =	vmul.f32 v4, v2;
	_ =	sdelay $0x1  }
0x1de: {  	v3 =	vadd.f32 v5, v3;
	_ =	sdelay $0x1  }
0x1df: {  	vm0 =	vge.f32 v3, $0.0e+00;
	v5 =	vmul.f32 $2.000000030e-01, v3;
	_ =	sdelay $0x1  }
0x1e0: {  	v3 =	vsel vm0, v3, v5  }
0x1e1: {  	v3 =	vsub.f32 $0.0e+00, v3;
	_ =	sdelay $0x1  }
0x1e2: {  	v3 =	vmul.f32 $1.442695020e+00, v3;
	_ =	sdelay $0x1  }
0x1e3: {  	(erf) = vpow2.f32 v3;
	_ =	sdelay $0x2  }
0x1e4: {  	v3 =	vld [tilespmem:s23+$0xC420];
	_ =	sdelay $0x4  }
0x1e5: {  	v5 =	vand.u32 $0xFFFF, v3;
	v3 =	vshrl.u32 v3, $0x10  }
0x1e6: {  	v6 =	vpop (erf)  }
0x1e7: {  	[tilespmem:s23+$0x13410] =	vst v6;
	v4 =	vmul.f32 v6, v4  }
0x1e8: {  	[tilespmem:s23+$0xFC20] =	vst v5  }
0x1e9: {  	[tilespmem:s23+$0x16C10] =	vst v4  }
0x1ea: {  	v4 =	vld.idx.msk [tilespmem:v5+s4+$0x0], $0xffff  }
0x1eb: {  	v3 =	vld.idx.msk [tilespmem:v3+s4+$0x0], $0xffff;
	_ =	sdelay $0x4  }
0x1ec: {  	v4 =	vmul.f32 v4, v1  }
0x1ed: {  	v5 =	vmul.f32 v3, v2;
	_ =	sdelay $0x1  }
0x1ee: {  	v4 =	vadd.f32 v5, v4;
	_ =	sdelay $0x1  }
0x1ef: {  	vm0 =	vge.f32 v4, $0.0e+00;
	v5 =	vmul.f32 $2.000000030e-01, v4;
	_ =	sdelay $0x1  }
0x1f0: {  	v4 =	vsel vm0, v4, v5  }
0x1f1: {  	v4 =	vsub.f32 $0.0e+00, v4;
	_ =	sdelay $0x1  }
0x1f2: {  	v4 =	vmul.f32 $1.442695020e+00, v4;
	_ =	sdelay $0x1  }
0x1f3: {  	(erf) = vpow2.f32 v4;
	_ =	sdelay $0x2  }
0x1f4: {  	v4 =	vld [tilespmem:s23+$0xC430];
	_ =	sdelay $0x4  }
0x1f5: {  	v5 =	vand.u32 $0xFFFF, v4;
	v4 =	vshrl.u32 v4, $0x10  }
0x1f6: {  	v6 =	vpop (erf)  }
0x1f7: {  	[tilespmem:s23+$0x13420] =	vst v6;
	v3 =	vmul.f32 v6, v3  }
0x1f8: {  	[tilespmem:s23+$0xFC30] =	vst v5  }
0x1f9: {  	[tilespmem:s23+$0x16C20] =	vst v3  }
0x1fa: {  	v3 =	vld.idx.msk [tilespmem:v5+s4+$0x0], $0xffff  }
0x1fb: {  	v4 =	vld.idx.msk [tilespmem:v4+s4+$0x0], $0xffff;
	_ =	sdelay $0x4  }
0x1fc: {  	v3 =	vmul.f32 v3, v1  }
0x1fd: {  	v5 =	vmul.f32 v4, v2;
	_ =	sdelay $0x1  }
0x1fe: {  	v3 =	vadd.f32 v5, v3;
	_ =	sdelay $0x1  }
0x1ff: {  	vm0 =	vge.f32 v3, $0.0e+00;
	v5 =	vmul.f32 $2.000000030e-01, v3;
	_ =	sdelay $0x1  }
0x200: {  	v3 =	vsel vm0, v3, v5  }
0x201: {  	v3 =	vsub.f32 $0.0e+00, v3;
	_ =	sdelay $0x1  }
0x202: {  	v3 =	vmul.f32 $1.442695020e+00, v3;
	_ =	sdelay $0x1  }
0x203: {  	(erf) = vpow2.f32 v3;
	_ =	sdelay $0x2  }
0x204: {  	v3 =	vld [tilespmem:s23+$0xC440];
	_ =	sdelay $0x4  }
0x205: {  	v5 =	vand.u32 $0xFFFF, v3;
	v3 =	vshrl.u32 v3, $0x10  }
0x206: {  	v6 =	vld [tilespmem:s23+$0xC450];
	v7 =	vpop (erf)  }
0x207: {  	[tilespmem:s23+$0x13430] =	vst v7;
	v4 =	vmul.f32 v7, v4  }
0x208: {  	[tilespmem:s23+$0xFC40] =	vst v5  }
0x209: {  	[tilespmem:s23+$0x16C30] =	vst v4  }
0x20a: {  	v4 =	vld.idx.msk [tilespmem:v5+s4+$0x0], $0xffff  }
0x20b: {  	v3 =	vld.idx.msk [tilespmem:v3+s4+$0x0], $0xffff;
	v5 =	vand.u32 $0xFFFF, v6  }
0x20c: {  	[tilespmem:s23+$0xFC50] =	vst v5;
	_ =	sdelay $0x3  }
0x20d: {  	v4 =	vmul.f32 v4, v1  }
0x20e: {  	v7 =	vmul.f32 v3, v2;
	_ =	sdelay $0x1  }
0x20f: {  	v4 =	vadd.f32 v7, v4;
	_ =	sdelay $0x1  }
0x210: {  	vm0 =	vge.f32 v4, $0.0e+00;
	v7 =	vmul.f32 $2.000000030e-01, v4;
	_ =	sdelay $0x1  }
0x211: {  	v4 =	vsel vm0, v4, v7  }
0x212: {  	v4 =	vsub.f32 $0.0e+00, v4;
	_ =	sdelay $0x1  }
0x213: {  	v4 =	vmul.f32 $1.442695020e+00, v4;
	_ =	sdelay $0x1  }
0x214: {  	(erf) = vpow2.f32 v4;
	_ =	sdelay $0x7  }
0x215: {  	v4 =	vshrl.u32 v6, $0x10  }
0x216: {  	v6 =	vld [tilespmem:s23+$0xC460];
	v7 =	vpop (erf)  }
0x217: {  	[tilespmem:s23+$0x13440] =	vst v7;
	v3 =	vmul.f32 v7, v3;
	_ =	sdelay $0x1  }
0x218: {  	[tilespmem:s23+$0x16C40] =	vst v3  }
0x219: {  	v3 =	vld.idx.msk [tilespmem:v5+s4+$0x0], $0xffff  }
0x21a: {  	v4 =	vld.idx.msk [tilespmem:v4+s4+$0x0], $0xffff;
	v5 =	vand.u32 $0xFFFF, v6  }
0x21b: {  	[tilespmem:s23+$0xFC60] =	vst v5;
	_ =	sdelay $0x3  }
0x21c: {  	v3 =	vmul.f32 v3, v1  }
0x21d: {  	v7 =	vmul.f32 v4, v2;
	_ =	sdelay $0x1  }
0x21e: {  	v3 =	vadd.f32 v7, v3;
	_ =	sdelay $0x1  }
0x21f: {  	vm0 =	vge.f32 v3, $0.0e+00;
	v7 =	vmul.f32 $2.000000030e-01, v3;
	_ =	sdelay $0x1  }
0x220: {  	v3 =	vsel vm0, v3, v7  }
0x221: {  	v3 =	vsub.f32 $0.0e+00, v3;
	_ =	sdelay $0x1  }
0x222: {  	v3 =	vmul.f32 $1.442695020e+00, v3;
	_ =	sdelay $0x1  }
0x223: {  	(erf) = vpow2.f32 v3;
	_ =	sdelay $0x7  }
0x224: {  	v3 =	vshrl.u32 v6, $0x10  }
0x225: {  	v6 =	vld [tilespmem:s23+$0xC470];
	v7 =	vpop (erf)  }
0x226: {  	[tilespmem:s23+$0x13450] =	vst v7;
	v4 =	vmul.f32 v7, v4;
	_ =	sdelay $0x1  }
0x227: {  	[tilespmem:s23+$0x16C50] =	vst v4  }
0x228: {  	v4 =	vld.idx.msk [tilespmem:v5+s4+$0x0], $0xffff  }
0x229: {  	v3 =	vld.idx.msk [tilespmem:v3+s4+$0x0], $0xffff;
	v5 =	vand.u32 $0xFFFF, v6  }
0x22a: {  	[tilespmem:s23+$0xFC70] =	vst v5;
	_ =	sdelay $0x3  }
0x22b: {  	v4 =	vmul.f32 v4, v1  }
0x22c: {  	v7 =	vmul.f32 v3, v2;
	_ =	sdelay $0x1  }
0x22d: {  	v4 =	vadd.f32 v7, v4;
	_ =	sdelay $0x1  }
0x22e: {  	vm0 =	vge.f32 v4, $0.0e+00;
	v7 =	vmul.f32 $2.000000030e-01, v4;
	_ =	sdelay $0x1  }
0x22f: {  	v4 =	vsel vm0, v4, v7  }
0x230: {  	v4 =	vsub.f32 $0.0e+00, v4;
	_ =	sdelay $0x1  }
0x231: {  	v4 =	vmul.f32 $1.442695020e+00, v4;
	_ =	sdelay $0x1  }
0x232: {  	(erf) = vpow2.f32 v4;
	_ =	sdelay $0x7  }
0x233: {  	v4 =	vshrl.u32 v6, $0x10  }
0x234: {  	v6 =	vpop (erf)  }
0x235: {  	[tilespmem:s23+$0x13460] =	vst v6;
	v3 =	vmul.f32 v6, v3;
	_ =	sdelay $0x1  }
0x236: {  	[tilespmem:s23+$0x16C60] =	vst v3  }
0x237: {  	v5 =	vld.idx.msk [tilespmem:v5+s4+$0x0], $0xffff  }
0x238: {  	v3 =	vld.idx.msk [tilespmem:v4+s4+$0x0], $0xffff;
	_ =	sdelay $0x4  }
0x239: {  	v4 =	vmul.f32 v5, v1  }
0x23a: {  	v5 =	vmul.f32 v3, v2;
	_ =	sdelay $0x1  }
0x23b: {  	v4 =	vadd.f32 v5, v4;
	_ =	sdelay $0x1  }
0x23c: {  	vm0 =	vge.f32 v4, $0.0e+00;
	v5 =	vmul.f32 $2.000000030e-01, v4;
	_ =	sdelay $0x1  }
0x23d: {  	v4 =	vsel vm0, v4, v5  }
0x23e: {  	v4 =	vsub.f32 $0.0e+00, v4;
	_ =	sdelay $0x1  }
0x23f: {  	v4 =	vmul.f32 $1.442695020e+00, v4;
	_ =	sdelay $0x1  }
0x240: {  	(erf) = vpow2.f32 v4;
	_ =	sdelay $0x1  }
.Ltmp2:
0x241: {  	(pc) =	sbr.rel @p0 .LBB2_6-.Ltmp2, $3  }
0x242: {  	_ = 	snop  }
0x243: {  	s28 =	sadd.s32 $0x13400, s23;
	s25 =	sadd.s32 $0xFC00, s23;
	_ =	sdelay $0x1  }
0x244: {  	s26 =	sadd.s32 $0x16C00, s23  }
0x245: {  	_ =	sdelay $0x1  }
0x246: {  	v4 =	vpop (erf)  }
0x247: {  	v3 =	vmul.f32 v4, v3  }
0x248: {  	[tilespmem:s23+$0x13470] =	vst v4  }
0x249: {  	[tilespmem:s23+$0x16C70] =	vst v3  }
0x24a: {  	[spmem:s2] =	stream.indirect.scatter.add.f32 [tilespmem:s28], [sflag:$0x1], $0x1, s25, s20, $0xb8;
	[tilespmem:$0x1AD80] =	vst v63  }
0x24b: {  	_ = 	snop  }
0x24c: {  	[spmem:s3] =	stream.indirect.scatter.add.f32 [tilespmem:s26], [sflag:$0x1], $0x1, s25, s20, $0xb8;
	[tilespmem:$0x1AD80] =	vst v63  }
0x24d: {  	_ =	swait.ge [sflag:s21], $0x1C00  }
0x24e: {  	[sflag:s21] =	ssyncset.done $0x0  }
0x24f: {  	[sflag:s21] =	ssyncadd.s32 $0xFFFFE400  }
0x250: {  	_ =	swait.ge [sflag:s21], $0x1C00  }
0x251: {  	[sflag:s21] =	ssyncset.done $0x0  }
0x252: {  	s31 =	simm.s32 $0x0;
	[sflag:s21] =	ssyncadd.s32 $0xFFFFE400  }
0x253: {  	[tilespmem:s19], [sflag:$0x2] =	stream.linear.gather [hbm4b:s11+s31], $0x1C00, $0x38;
	[tilespmem:$0x1AD80] =	vst v63  }
0x254: {  	_ =	swait.ge [sflag:s16], $0x1C00  }
0x255: {  	[sflag:s16] =	ssyncset.done $0x0  }
0x256: {  	s23 =	simm.s32 $0x0;
	[sflag:s16] =	ssyncadd.s32 $0xFFFFE400  }
0x257: {  	v3 =	vld [tilespmem:s23+$0xC400];
	_ =	sdelay $0x4  }
0x258: {  	v4 =	vand.u32 $0xFFFF, v3  }
0x259: {  	v3 =	vshrl.u32 v3, $0x10;
	_ =	sdelay $0x2  }
0x25a: {  	[tilespmem:s23+$0xE000] =	vst v4  }
0x25b: {  	v4 =	vld.idx.msk [tilespmem:v4+s4+$0x0], $0xffff  }
0x25c: {  	v3 =	vld.idx.msk [tilespmem:v3+s4+$0x0], $0xffff;
	_ =	sdelay $0x4  }
0x25d: {  	v4 =	vmul.f32 v4, v1;
	v5 =	vmul.f32 v3, v2;
	_ =	sdelay $0x1  }
0x25e: {  	v4 =	vadd.f32 v5, v4;
	_ =	sdelay $0x1  }
0x25f: {  	v5 =	vmul.f32 $2.000000030e-01, v4  }
0x260: {  	vm0 =	vge.f32 v4, $0.0e+00  }
0x261: {  	v4 =	vsel vm0, v4, v5  }
0x262: {  	v4 =	vsub.f32 $0.0e+00, v4;
	_ =	sdelay $0x1  }
0x263: {  	v4 =	vmul.f32 $1.442695020e+00, v4;
	_ =	sdelay $0x1  }
0x264: {  	(erf) = vpow2.f32 v4;
	_ =	sdelay $0x2  }
0x265: {  	v4 =	vld [tilespmem:s23+$0xC410];
	_ =	sdelay $0x4  }
0x266: {  	v5 =	vand.u32 $0xFFFF, v4  }
0x267: {  	v4 =	vshrl.u32 v4, $0x10;
	v6 =	vpop (erf)  }
0x268: {  	[tilespmem:s23+$0xE010] =	vst v5;
	v3 =	vmul.f32 v6, v3  }
0x269: {  	[tilespmem:s23+$0x11800] =	vst v6  }
0x26a: {  	[tilespmem:s23+$0x15000] =	vst v3  }
0x26b: {  	v3 =	vld.idx.msk [tilespmem:v5+s4+$0x0], $0xffff  }
0x26c: {  	v4 =	vld.idx.msk [tilespmem:v4+s4+$0x0], $0xffff;
	_ =	sdelay $0x4  }
0x26d: {  	v3 =	vmul.f32 v3, v1;
	v5 =	vmul.f32 v4, v2;
	_ =	sdelay $0x1  }
0x26e: {  	v3 =	vadd.f32 v5, v3;
	_ =	sdelay $0x1  }
0x26f: {  	v5 =	vmul.f32 $2.000000030e-01, v3  }
0x270: {  	vm9 =	vge.f32 v3, $0.0e+00  }
0x271: {  	v3 =	vsel vm9, v3, v5  }
0x272: {  	v3 =	vsub.f32 $0.0e+00, v3;
	_ =	sdelay $0x1  }
0x273: {  	v3 =	vmul.f32 $1.442695020e+00, v3;
	_ =	sdelay $0x1  }
0x274: {  	(erf) = vpow2.f32 v3;
	_ =	sdelay $0x2  }
0x275: {  	v3 =	vld [tilespmem:s23+$0xC420];
	_ =	sdelay $0x4  }
0x276: {  	v5 =	vand.u32 $0xFFFF, v3  }
0x277: {  	v3 =	vshrl.u32 v3, $0x10;
	v56 =	vpop (erf)  }
0x278: {  	[tilespmem:s23+$0xE020] =	vst v5;
	v4 =	vmul.f32 v56, v4  }
0x279: {  	[tilespmem:s23+$0x11810] =	vst v56  }
0x27a: {  	[tilespmem:s23+$0x15010] =	vst v4  }
0x27b: {  	v4 =	vld.idx.msk [tilespmem:v5+s4+$0x0], $0xffff  }
0x27c: {  	v3 =	vld.idx.msk [tilespmem:v3+s4+$0x0], $0xffff;
	_ =	sdelay $0x4  }
0x27d: {  	v4 =	vmul.f32 v4, v1;
	v5 =	vmul.f32 v3, v2;
	_ =	sdelay $0x1  }
0x27e: {  	v4 =	vadd.f32 v5, v4;
	_ =	sdelay $0x1  }
0x27f: {  	v5 =	vmul.f32 $2.000000030e-01, v4  }
0x280: {  	vm10 =	vge.f32 v4, $0.0e+00  }
0x281: {  	v4 =	vsel vm10, v4, v5  }
0x282: {  	v4 =	vsub.f32 $0.0e+00, v4;
	_ =	sdelay $0x1  }
0x283: {  	v4 =	vmul.f32 $1.442695020e+00, v4;
	_ =	sdelay $0x1  }
0x284: {  	(erf) = vpow2.f32 v4;
	_ =	sdelay $0x2  }
0x285: {  	v4 =	vld [tilespmem:s23+$0xC430];
	_ =	sdelay $0x4  }
0x286: {  	v5 =	vand.u32 $0xFFFF, v4  }
0x287: {  	v4 =	vshrl.u32 v4, $0x10;
	v57 =	vpop (erf)  }
0x288: {  	[tilespmem:s23+$0xE030] =	vst v5;
	v3 =	vmul.f32 v57, v3  }
0x289: {  	[tilespmem:s23+$0x11820] =	vst v57  }
0x28a: {  	[tilespmem:s23+$0x15020] =	vst v3  }
0x28b: {  	v3 =	vld.idx.msk [tilespmem:v5+s4+$0x0], $0xffff  }
0x28c: {  	v4 =	vld.idx.msk [tilespmem:v4+s4+$0x0], $0xffff;
	_ =	sdelay $0x4  }
0x28d: {  	v3 =	vmul.f32 v3, v1;
	v5 =	vmul.f32 v4, v2;
	_ =	sdelay $0x1  }
0x28e: {  	v3 =	vadd.f32 v5, v3;
	_ =	sdelay $0x1  }
0x28f: {  	v5 =	vmul.f32 $2.000000030e-01, v3  }
0x290: {  	vm11 =	vge.f32 v3, $0.0e+00  }
0x291: {  	v3 =	vsel vm11, v3, v5  }
0x292: {  	v3 =	vsub.f32 $0.0e+00, v3;
	_ =	sdelay $0x1  }
0x293: {  	v3 =	vmul.f32 $1.442695020e+00, v3;
	_ =	sdelay $0x1  }
0x294: {  	(erf) = vpow2.f32 v3;
	_ =	sdelay $0x2  }
0x295: {  	v3 =	vld [tilespmem:s23+$0xC440];
	_ =	sdelay $0x4  }
0x296: {  	v5 =	vand.u32 $0xFFFF, v3  }
0x297: {  	v3 =	vshrl.u32 v3, $0x10;
	v7 =	vpop (erf)  }
0x298: {  	[tilespmem:s23+$0xE040] =	vst v5;
	v4 =	vmul.f32 v7, v4  }
0x299: {  	[tilespmem:s23+$0x11830] =	vst v7  }
0x29a: {  	[tilespmem:s23+$0x15030] =	vst v4  }
0x29b: {  	v4 =	vld.idx.msk [tilespmem:v5+s4+$0x0], $0xffff  }
0x29c: {  	v3 =	vld.idx.msk [tilespmem:v3+s4+$0x0], $0xffff;
	_ =	sdelay $0x4  }
0x29d: {  	v4 =	vmul.f32 v4, v1;
	v5 =	vmul.f32 v3, v2;
	_ =	sdelay $0x1  }
0x29e: {  	v4 =	vadd.f32 v5, v4;
	_ =	sdelay $0x1  }
0x29f: {  	v5 =	vmul.f32 $2.000000030e-01, v4  }
0x2a0: {  	vm12 =	vge.f32 v4, $0.0e+00  }
0x2a1: {  	v4 =	vsel vm12, v4, v5  }
0x2a2: {  	v4 =	vsub.f32 $0.0e+00, v4;
	_ =	sdelay $0x1  }
0x2a3: {  	v4 =	vmul.f32 $1.442695020e+00, v4;
	_ =	sdelay $0x1  }
0x2a4: {  	(erf) = vpow2.f32 v4;
	_ =	sdelay $0x2  }
0x2a5: {  	v58 =	vld [tilespmem:s23+$0xC450];
	_ =	sdelay $0x4  }
0x2a6: {  	v4 =	vand.u32 $0xFFFF, v58  }
0x2a7: {  	v5 =	vshrl.u32 v58, $0x10;
	v59 =	vpop (erf)  }
0x2a8: {  	[tilespmem:s23+$0xE050] =	vst v4;
	v3 =	vmul.f32 v59, v3  }
0x2a9: {  	[tilespmem:s23+$0x11840] =	vst v59  }
0x2aa: {  	[tilespmem:s23+$0x15040] =	vst v3  }
0x2ab: {  	v3 =	vld.idx.msk [tilespmem:v4+s4+$0x0], $0xffff  }
0x2ac: {  	v4 =	vld.idx.msk [tilespmem:v5+s4+$0x0], $0xffff;
	_ =	sdelay $0x4  }
0x2ad: {  	v3 =	vmul.f32 v3, v1;
	v5 =	vmul.f32 v4, v2;
	_ =	sdelay $0x1  }
0x2ae: {  	v3 =	vadd.f32 v5, v3;
	_ =	sdelay $0x1  }
0x2af: {  	v5 =	vmul.f32 $2.000000030e-01, v3  }
0x2b0: {  	vm13 =	vge.f32 v3, $0.0e+00  }
0x2b1: {  	v3 =	vsel vm13, v3, v5  }
0x2b2: {  	v3 =	vsub.f32 $0.0e+00, v3;
	_ =	sdelay $0x1  }
0x2b3: {  	v3 =	vmul.f32 $1.442695020e+00, v3;
	_ =	sdelay $0x1  }
0x2b4: {  	(erf) = vpow2.f32 v3;
	_ =	sdelay $0x2  }
0x2b5: {  	v60 =	vld [tilespmem:s23+$0xC460];
	_ =	sdelay $0x4  }
0x2b6: {  	v3 =	vand.u32 $0xFFFF, v60  }
0x2b7: {  	v5 =	vshrl.u32 v60, $0x10;
	v61 =	vpop (erf)  }
0x2b8: {  	[tilespmem:s23+$0xE060] =	vst v3;
	v4 =	vmul.f32 v61, v4  }
0x2b9: {  	[tilespmem:s23+$0x11850] =	vst v61  }
0x2ba: {  	[tilespmem:s23+$0x15050] =	vst v4  }
0x2bb: {  	v3 =	vld.idx.msk [tilespmem:v3+s4+$0x0], $0xffff  }
0x2bc: {  	v4 =	vld.idx.msk [tilespmem:v5+s4+$0x0], $0xffff;
	_ =	sdelay $0x4  }
0x2bd: {  	v3 =	vmul.f32 v3, v1;
	v5 =	vmul.f32 v4, v2;
	_ =	sdelay $0x1  }
0x2be: {  	v3 =	vadd.f32 v5, v3;
	_ =	sdelay $0x1  }
0x2bf: {  	v5 =	vmul.f32 $2.000000030e-01, v3  }
0x2c0: {  	vm14 =	vge.f32 v3, $0.0e+00  }
0x2c1: {  	v3 =	vsel vm14, v3, v5  }
0x2c2: {  	v3 =	vsub.f32 $0.0e+00, v3;
	_ =	sdelay $0x1  }
0x2c3: {  	v3 =	vmul.f32 $1.442695020e+00, v3;
	_ =	sdelay $0x1  }
0x2c4: {  	(erf) = vpow2.f32 v3;
	_ =	sdelay $0x2  }
0x2c5: {  	v62 =	vld [tilespmem:s23+$0xC470];
	_ =	sdelay $0x4  }
0x2c6: {  	v3 =	vand.u32 $0xFFFF, v62  }
0x2c7: {  	v5 =	vshrl.u32 v62, $0x10;
	v63 =	vpop (erf)  }
0x2c8: {  	[tilespmem:s23+$0xE070] =	vst v3;
	v4 =	vmul.f32 v63, v4  }
0x2c9: {  	[tilespmem:s23+$0x11860] =	vst v63  }
0x2ca: {  	[tilespmem:s23+$0x15060] =	vst v4  }
0x2cb: {  	v4 =	vld.idx.msk [tilespmem:v3+s4+$0x0], $0xffff  }
0x2cc: {  	v3 =	vld.idx.msk [tilespmem:v5+s4+$0x0], $0xffff;
	_ =	sdelay $0x4  }
0x2cd: {  	v4 =	vmul.f32 v4, v1;
	v5 =	vmul.f32 v3, v2;
	_ =	sdelay $0x1  }
0x2ce: {  	v4 =	vadd.f32 v5, v4;
	_ =	sdelay $0x1  }
0x2cf: {  	v5 =	vmul.f32 $2.000000030e-01, v4  }
0x2d0: {  	vm15 =	vge.f32 v4, $0.0e+00  }
0x2d1: {  	v4 =	vsel vm15, v4, v5  }
0x2d2: {  	v4 =	vsub.f32 $0.0e+00, v4;
	_ =	sdelay $0x1  }
0x2d3: {  	v4 =	vmul.f32 $1.442695020e+00, v4;
	_ =	sdelay $0x1  }
0x2d4: {  	(erf) = vpow2.f32 v4;
	_ =	sdelay $0x4  }
0x2d5: {  	s24 =	simm.s32 $0x200  }
0x2d6: {  	s28 =	simm.s32 $0x11800;
	s25 =	simm.s32 $0xE000;
	s26 =	simm.s32 $0x15000  }
.LBB2_8:
0x2d7: {  	p0 =	sne.s32 s24, $0x6E00;
	s29 =	smov.u32 s24;
	s24 =	sadd.s32 $0x200, s24  }
0x2d8: {  	_ = 	snop  }
0x2d9: {  	v4 =	vpop (erf)  }
0x2da: {  	[tilespmem:s23+$0x11870] =	vst v4;
	v3 =	vmul.f32 v4, v3;
	_ =	sdelay $0x1  }
0x2db: {  	[tilespmem:s23+$0x15070] =	vst v3  }
0x2dc: {  	[spmem:s2] =	stream.indirect.scatter.add.f32 [tilespmem:s28], [sflag:$0x1], $0x1, s25, s20, $0xb8;
	[tilespmem:$0x1AD80] =	vst v63  }
0x2dd: {  	s23 =	sshra.s32 s29, $0x2  }
0x2de: {  	[spmem:s3] =	stream.indirect.scatter.add.f32 [tilespmem:s26], [sflag:$0x1], $0x1, s25, s20, $0xb8;
	[tilespmem:$0x1AD80] =	vst v63  }
0x2df: {  	v3 =	vld [tilespmem:s23+$0xC400];
	_ =	sdelay $0x4  }
0x2e0: {  	v4 =	vand.u32 $0xFFFF, v3;
	v3 =	vshrl.u32 v3, $0x10;
	_ =	sdelay $0x3  }
0x2e1: {  	[tilespmem:s23+$0xE000] =	vst v4  }
0x2e2: {  	v4 =	vld.idx.msk [tilespmem:v4+s4+$0x0], $0xffff  }
0x2e3: {  	v3 =	vld.idx.msk [tilespmem:v3+s4+$0x0], $0xffff;
	_ =	sdelay $0x4  }
0x2e4: {  	v4 =	vmul.f32 v4, v1  }
0x2e5: {  	v5 =	vmul.f32 v3, v2;
	_ =	sdelay $0x1  }
0x2e6: {  	v4 =	vadd.f32 v5, v4;
	_ =	sdelay $0x1  }
0x2e7: {  	vm0 =	vge.f32 v4, $0.0e+00;
	v5 =	vmul.f32 $2.000000030e-01, v4;
	_ =	sdelay $0x1  }
0x2e8: {  	v4 =	vsel vm0, v4, v5  }
0x2e9: {  	v4 =	vsub.f32 $0.0e+00, v4;
	_ =	sdelay $0x1  }
0x2ea: {  	v4 =	vmul.f32 $1.442695020e+00, v4;
	_ =	sdelay $0x1  }
0x2eb: {  	(erf) = vpow2.f32 v4;
	_ =	sdelay $0x2  }
0x2ec: {  	v4 =	vld [tilespmem:s23+$0xC410];
	_ =	sdelay $0x4  }
0x2ed: {  	v5 =	vand.u32 $0xFFFF, v4;
	v4 =	vshrl.u32 v4, $0x10  }
0x2ee: {  	v6 =	vpop (erf)  }
0x2ef: {  	v3 =	vmul.f32 v6, v3;
	[tilespmem:s23+$0xE010] =	vst v5  }
0x2f0: {  	[tilespmem:s23+$0x11800] =	vst v6  }
0x2f1: {  	[tilespmem:s23+$0x15000] =	vst v3  }
0x2f2: {  	v3 =	vld.idx.msk [tilespmem:v5+s4+$0x0], $0xffff  }
0x2f3: {  	v4 =	vld.idx.msk [tilespmem:v4+s4+$0x0], $0xffff;
	_ =	sdelay $0x4  }
0x2f4: {  	v3 =	vmul.f32 v3, v1  }
0x2f5: {  	v5 =	vmul.f32 v4, v2;
	_ =	sdelay $0x1  }
0x2f6: {  	v3 =	vadd.f32 v5, v3;
	_ =	sdelay $0x1  }
0x2f7: {  	vm0 =	vge.f32 v3, $0.0e+00;
	v5 =	vmul.f32 $2.000000030e-01, v3;
	_ =	sdelay $0x1  }
0x2f8: {  	v3 =	vsel vm0, v3, v5  }
0x2f9: {  	v3 =	vsub.f32 $0.0e+00, v3;
	_ =	sdelay $0x1  }
0x2fa: {  	v3 =	vmul.f32 $1.442695020e+00, v3;
	_ =	sdelay $0x1  }
0x2fb: {  	(erf) = vpow2.f32 v3;
	_ =	sdelay $0x2  }
0x2fc: {  	v3 =	vld [tilespmem:s23+$0xC420];
	_ =	sdelay $0x4  }
0x2fd: {  	v5 =	vand.u32 $0xFFFF, v3;
	v3 =	vshrl.u32 v3, $0x10  }
0x2fe: {  	v6 =	vpop (erf)  }
0x2ff: {  	[tilespmem:s23+$0x11810] =	vst v6;
	v4 =	vmul.f32 v6, v4  }
0x300: {  	[tilespmem:s23+$0xE020] =	vst v5  }
0x301: {  	[tilespmem:s23+$0x15010] =	vst v4  }
0x302: {  	v4 =	vld.idx.msk [tilespmem:v5+s4+$0x0], $0xffff  }
0x303: {  	v3 =	vld.idx.msk [tilespmem:v3+s4+$0x0], $0xffff;
	_ =	sdelay $0x4  }
0x304: {  	v4 =	vmul.f32 v4, v1  }
0x305: {  	v5 =	vmul.f32 v3, v2;
	_ =	sdelay $0x1  }
0x306: {  	v4 =	vadd.f32 v5, v4;
	_ =	sdelay $0x1  }
0x307: {  	vm0 =	vge.f32 v4, $0.0e+00;
	v5 =	vmul.f32 $2.000000030e-01, v4;
	_ =	sdelay $0x1  }
0x308: {  	v4 =	vsel vm0, v4, v5  }
0x309: {  	v4 =	vsub.f32 $0.0e+00, v4;
	_ =	sdelay $0x1  }
0x30a: {  	v4 =	vmul.f32 $1.442695020e+00, v4;
	_ =	sdelay $0x1  }
0x30b: {  	(erf) = vpow2.f32 v4;
	_ =	sdelay $0x2  }
0x30c: {  	v4 =	vld [tilespmem:s23+$0xC430];
	_ =	sdelay $0x4  }
0x30d: {  	v5 =	vand.u32 $0xFFFF, v4;
	v4 =	vshrl.u32 v4, $0x10  }
0x30e: {  	v6 =	vpop (erf)  }
0x30f: {  	[tilespmem:s23+$0x11820] =	vst v6;
	v3 =	vmul.f32 v6, v3  }
0x310: {  	[tilespmem:s23+$0xE030] =	vst v5  }
0x311: {  	[tilespmem:s23+$0x15020] =	vst v3  }
0x312: {  	v3 =	vld.idx.msk [tilespmem:v5+s4+$0x0], $0xffff  }
0x313: {  	v4 =	vld.idx.msk [tilespmem:v4+s4+$0x0], $0xffff;
	_ =	sdelay $0x4  }
0x314: {  	v3 =	vmul.f32 v3, v1  }
0x315: {  	v5 =	vmul.f32 v4, v2;
	_ =	sdelay $0x1  }
0x316: {  	v3 =	vadd.f32 v5, v3;
	_ =	sdelay $0x1  }
0x317: {  	vm0 =	vge.f32 v3, $0.0e+00;
	v5 =	vmul.f32 $2.000000030e-01, v3;
	_ =	sdelay $0x1  }
0x318: {  	v3 =	vsel vm0, v3, v5  }
0x319: {  	v3 =	vsub.f32 $0.0e+00, v3;
	_ =	sdelay $0x1  }
0x31a: {  	v3 =	vmul.f32 $1.442695020e+00, v3;
	_ =	sdelay $0x1  }
0x31b: {  	(erf) = vpow2.f32 v3;
	_ =	sdelay $0x2  }
0x31c: {  	v3 =	vld [tilespmem:s23+$0xC440];
	_ =	sdelay $0x4  }
0x31d: {  	v5 =	vand.u32 $0xFFFF, v3;
	v3 =	vshrl.u32 v3, $0x10  }
0x31e: {  	v6 =	vld [tilespmem:s23+$0xC450];
	v7 =	vpop (erf)  }
0x31f: {  	[tilespmem:s23+$0x11830] =	vst v7;
	v4 =	vmul.f32 v7, v4  }
0x320: {  	[tilespmem:s23+$0xE040] =	vst v5  }
0x321: {  	[tilespmem:s23+$0x15030] =	vst v4  }
0x322: {  	v4 =	vld.idx.msk [tilespmem:v5+s4+$0x0], $0xffff  }
0x323: {  	v3 =	vld.idx.msk [tilespmem:v3+s4+$0x0], $0xffff;
	v5 =	vand.u32 $0xFFFF, v6  }
0x324: {  	[tilespmem:s23+$0xE050] =	vst v5;
	_ =	sdelay $0x3  }
0x325: {  	v4 =	vmul.f32 v4, v1  }
0x326: {  	v7 =	vmul.f32 v3, v2;
	_ =	sdelay $0x1  }
0x327: {  	v4 =	vadd.f32 v7, v4;
	_ =	sdelay $0x1  }
0x328: {  	vm0 =	vge.f32 v4, $0.0e+00;
	v7 =	vmul.f32 $2.000000030e-01, v4;
	_ =	sdelay $0x1  }
0x329: {  	v4 =	vsel vm0, v4, v7  }
0x32a: {  	v4 =	vsub.f32 $0.0e+00, v4;
	_ =	sdelay $0x1  }
0x32b: {  	v4 =	vmul.f32 $1.442695020e+00, v4;
	_ =	sdelay $0x1  }
0x32c: {  	(erf) = vpow2.f32 v4;
	_ =	sdelay $0x7  }
0x32d: {  	v4 =	vshrl.u32 v6, $0x10  }
0x32e: {  	v6 =	vld [tilespmem:s23+$0xC460];
	v7 =	vpop (erf)  }
0x32f: {  	[tilespmem:s23+$0x11840] =	vst v7;
	v3 =	vmul.f32 v7, v3;
	_ =	sdelay $0x1  }
0x330: {  	[tilespmem:s23+$0x15040] =	vst v3  }
0x331: {  	v3 =	vld.idx.msk [tilespmem:v5+s4+$0x0], $0xffff  }
0x332: {  	v4 =	vld.idx.msk [tilespmem:v4+s4+$0x0], $0xffff;
	v5 =	vand.u32 $0xFFFF, v6  }
0x333: {  	[tilespmem:s23+$0xE060] =	vst v5;
	_ =	sdelay $0x3  }
0x334: {  	v3 =	vmul.f32 v3, v1  }
0x335: {  	v7 =	vmul.f32 v4, v2;
	_ =	sdelay $0x1  }
0x336: {  	v3 =	vadd.f32 v7, v3;
	_ =	sdelay $0x1  }
0x337: {  	vm0 =	vge.f32 v3, $0.0e+00;
	v7 =	vmul.f32 $2.000000030e-01, v3;
	_ =	sdelay $0x1  }
0x338: {  	v3 =	vsel vm0, v3, v7  }
0x339: {  	v3 =	vsub.f32 $0.0e+00, v3;
	_ =	sdelay $0x1  }
0x33a: {  	v3 =	vmul.f32 $1.442695020e+00, v3;
	_ =	sdelay $0x1  }
0x33b: {  	(erf) = vpow2.f32 v3;
	_ =	sdelay $0x7  }
0x33c: {  	v3 =	vshrl.u32 v6, $0x10  }
0x33d: {  	v6 =	vld [tilespmem:s23+$0xC470];
	v7 =	vpop (erf)  }
0x33e: {  	[tilespmem:s23+$0x11850] =	vst v7;
	v4 =	vmul.f32 v7, v4;
	_ =	sdelay $0x1  }
0x33f: {  	[tilespmem:s23+$0x15050] =	vst v4  }
0x340: {  	v4 =	vld.idx.msk [tilespmem:v5+s4+$0x0], $0xffff  }
0x341: {  	v3 =	vld.idx.msk [tilespmem:v3+s4+$0x0], $0xffff;
	v5 =	vand.u32 $0xFFFF, v6  }
0x342: {  	[tilespmem:s23+$0xE070] =	vst v5;
	_ =	sdelay $0x3  }
0x343: {  	v4 =	vmul.f32 v4, v1  }
0x344: {  	v7 =	vmul.f32 v3, v2;
	_ =	sdelay $0x1  }
0x345: {  	v4 =	vadd.f32 v7, v4;
	_ =	sdelay $0x1  }
0x346: {  	vm0 =	vge.f32 v4, $0.0e+00;
	v7 =	vmul.f32 $2.000000030e-01, v4;
	_ =	sdelay $0x1  }
0x347: {  	v4 =	vsel vm0, v4, v7  }
0x348: {  	v4 =	vsub.f32 $0.0e+00, v4;
	_ =	sdelay $0x1  }
0x349: {  	v4 =	vmul.f32 $1.442695020e+00, v4;
	_ =	sdelay $0x1  }
0x34a: {  	(erf) = vpow2.f32 v4;
	_ =	sdelay $0x7  }
0x34b: {  	v4 =	vshrl.u32 v6, $0x10  }
0x34c: {  	v6 =	vpop (erf)  }
0x34d: {  	[tilespmem:s23+$0x11860] =	vst v6;
	v3 =	vmul.f32 v6, v3;
	_ =	sdelay $0x1  }
0x34e: {  	[tilespmem:s23+$0x15060] =	vst v3  }
0x34f: {  	v5 =	vld.idx.msk [tilespmem:v5+s4+$0x0], $0xffff  }
0x350: {  	v3 =	vld.idx.msk [tilespmem:v4+s4+$0x0], $0xffff;
	_ =	sdelay $0x4  }
0x351: {  	v4 =	vmul.f32 v5, v1  }
0x352: {  	v5 =	vmul.f32 v3, v2;
	_ =	sdelay $0x1  }
0x353: {  	v4 =	vadd.f32 v5, v4;
	_ =	sdelay $0x1  }
0x354: {  	vm0 =	vge.f32 v4, $0.0e+00;
	v5 =	vmul.f32 $2.000000030e-01, v4;
	_ =	sdelay $0x1  }
0x355: {  	v4 =	vsel vm0, v4, v5  }
0x356: {  	v4 =	vsub.f32 $0.0e+00, v4;
	_ =	sdelay $0x1  }
0x357: {  	v4 =	vmul.f32 $1.442695020e+00, v4;
	_ =	sdelay $0x1  }
0x358: {  	(erf) = vpow2.f32 v4;
	_ =	sdelay $0x1  }
.Ltmp3:
0x359: {  	(pc) =	sbr.rel @p0 .LBB2_8-.Ltmp3, $3  }
0x35a: {  	_ = 	snop  }
0x35b: {  	s28 =	sadd.s32 $0x11800, s23;
	s25 =	sadd.s32 $0xE000, s23;
	_ =	sdelay $0x1  }
0x35c: {  	s26 =	sadd.s32 $0x15000, s23  }
0x35d: {  	_ =	sdelay $0x1  }
0x35e: {  	v4 =	vpop (erf)  }
0x35f: {  	v3 =	vmul.f32 v4, v3  }
0x360: {  	[tilespmem:s23+$0x11870] =	vst v4  }
0x361: {  	[tilespmem:s23+$0x15070] =	vst v3  }
0x362: {  	[spmem:s2] =	stream.indirect.scatter.add.f32 [tilespmem:s28], [sflag:$0x1], $0x1, s25, s20, $0xb8;
	[tilespmem:$0x1AD80] =	vst v63  }
0x363: {  	_ = 	snop  }
0x364: {  	[spmem:s3] =	stream.indirect.scatter.add.f32 [tilespmem:s26], [sflag:$0x1], $0x1, s25, s20, $0xb8;
	[tilespmem:$0x1AD80] =	vst v63  }
0x365: {  	_ =	swait.ge [sflag:s21], $0x1C00  }
0x366: {  	[sflag:s21] =	ssyncset.done $0x0  }
0x367: {  	[sflag:s21] =	ssyncadd.s32 $0xFFFFE400  }
0x368: {  	_ =	swait.ge [sflag:s21], $0x1C00  }
0x369: {  	[sflag:s21] =	ssyncset.done $0x0  }
0x36a: {  	s31 =	simm.s32 $0x0;
	[sflag:s21] =	ssyncadd.s32 $0xFFFFE400  }
0x36b: {  	[tilespmem:s19], [sflag:$0x2] =	stream.linear.gather [hbm4b:s12+s31], $0x1400, $0x38;
	[tilespmem:$0x1AD80] =	vst v63  }
0x36c: {  	_ =	swait.ge [sflag:s16], $0x1400  }
0x36d: {  	[sflag:s16] =	ssyncset.done $0x0  }
0x36e: {  	s23 =	simm.s32 $0x0;
	[sflag:s16] =	ssyncadd.s32 $0xFFFFEC00  }
0x36f: {  	v3 =	vld [tilespmem:s23+$0xC400];
	_ =	sdelay $0x4  }
0x370: {  	v4 =	vand.u32 $0xFFFF, v3  }
0x371: {  	v3 =	vshrl.u32 v3, $0x10;
	_ =	sdelay $0x2  }
0x372: {  	[tilespmem:s23+$0xFC00] =	vst v4  }
0x373: {  	v4 =	vld.idx.msk [tilespmem:v4+s4+$0x0], $0xffff  }
0x374: {  	v3 =	vld.idx.msk [tilespmem:v3+s4+$0x0], $0xffff;
	_ =	sdelay $0x4  }
0x375: {  	v4 =	vmul.f32 v4, v1;
	v5 =	vmul.f32 v3, v2;
	_ =	sdelay $0x1  }
0x376: {  	v4 =	vadd.f32 v5, v4;
	_ =	sdelay $0x1  }
0x377: {  	v5 =	vmul.f32 $2.000000030e-01, v4  }
0x378: {  	vm0 =	vge.f32 v4, $0.0e+00  }
0x379: {  	v4 =	vsel vm0, v4, v5  }
0x37a: {  	v4 =	vsub.f32 $0.0e+00, v4;
	_ =	sdelay $0x1  }
0x37b: {  	v4 =	vmul.f32 $1.442695020e+00, v4;
	_ =	sdelay $0x1  }
0x37c: {  	(erf) = vpow2.f32 v4;
	_ =	sdelay $0x2  }
0x37d: {  	v4 =	vld [tilespmem:s23+$0xC410];
	_ =	sdelay $0x4  }
0x37e: {  	v5 =	vand.u32 $0xFFFF, v4  }
0x37f: {  	v4 =	vshrl.u32 v4, $0x10;
	v6 =	vpop (erf)  }
0x380: {  	[tilespmem:s23+$0xFC10] =	vst v5;
	v3 =	vmul.f32 v6, v3  }
0x381: {  	[tilespmem:s23+$0x13400] =	vst v6  }
0x382: {  	[tilespmem:s23+$0x16C00] =	vst v3  }
0x383: {  	v3 =	vld.idx.msk [tilespmem:v5+s4+$0x0], $0xffff  }
0x384: {  	v4 =	vld.idx.msk [tilespmem:v4+s4+$0x0], $0xffff;
	_ =	sdelay $0x4  }
0x385: {  	v3 =	vmul.f32 v3, v1;
	v5 =	vmul.f32 v4, v2;
	_ =	sdelay $0x1  }
0x386: {  	v3 =	vadd.f32 v5, v3;
	_ =	sdelay $0x1  }
0x387: {  	v5 =	vmul.f32 $2.000000030e-01, v3  }
0x388: {  	vm9 =	vge.f32 v3, $0.0e+00  }
0x389: {  	v3 =	vsel vm9, v3, v5  }
0x38a: {  	v3 =	vsub.f32 $0.0e+00, v3;
	_ =	sdelay $0x1  }
0x38b: {  	v3 =	vmul.f32 $1.442695020e+00, v3;
	_ =	sdelay $0x1  }
0x38c: {  	(erf) = vpow2.f32 v3;
	_ =	sdelay $0x2  }
0x38d: {  	v3 =	vld [tilespmem:s23+$0xC420];
	_ =	sdelay $0x4  }
0x38e: {  	v5 =	vand.u32 $0xFFFF, v3  }
0x38f: {  	v3 =	vshrl.u32 v3, $0x10;
	v56 =	vpop (erf)  }
0x390: {  	[tilespmem:s23+$0xFC20] =	vst v5;
	v4 =	vmul.f32 v56, v4  }
0x391: {  	[tilespmem:s23+$0x13410] =	vst v56  }
0x392: {  	[tilespmem:s23+$0x16C10] =	vst v4  }
0x393: {  	v4 =	vld.idx.msk [tilespmem:v5+s4+$0x0], $0xffff  }
0x394: {  	v3 =	vld.idx.msk [tilespmem:v3+s4+$0x0], $0xffff;
	_ =	sdelay $0x4  }
0x395: {  	v4 =	vmul.f32 v4, v1;
	v5 =	vmul.f32 v3, v2;
	_ =	sdelay $0x1  }
0x396: {  	v4 =	vadd.f32 v5, v4;
	_ =	sdelay $0x1  }
0x397: {  	v5 =	vmul.f32 $2.000000030e-01, v4  }
0x398: {  	vm10 =	vge.f32 v4, $0.0e+00  }
0x399: {  	v4 =	vsel vm10, v4, v5  }
0x39a: {  	v4 =	vsub.f32 $0.0e+00, v4;
	_ =	sdelay $0x1  }
0x39b: {  	v4 =	vmul.f32 $1.442695020e+00, v4;
	_ =	sdelay $0x1  }
0x39c: {  	(erf) = vpow2.f32 v4;
	_ =	sdelay $0x2  }
0x39d: {  	v4 =	vld [tilespmem:s23+$0xC430];
	_ =	sdelay $0x4  }
0x39e: {  	v5 =	vand.u32 $0xFFFF, v4  }
0x39f: {  	v4 =	vshrl.u32 v4, $0x10;
	v57 =	vpop (erf)  }
0x3a0: {  	[tilespmem:s23+$0xFC30] =	vst v5;
	v3 =	vmul.f32 v57, v3  }
0x3a1: {  	[tilespmem:s23+$0x13420] =	vst v57  }
0x3a2: {  	[tilespmem:s23+$0x16C20] =	vst v3  }
0x3a3: {  	v3 =	vld.idx.msk [tilespmem:v5+s4+$0x0], $0xffff  }
0x3a4: {  	v4 =	vld.idx.msk [tilespmem:v4+s4+$0x0], $0xffff;
	_ =	sdelay $0x4  }
0x3a5: {  	v3 =	vmul.f32 v3, v1;
	v5 =	vmul.f32 v4, v2;
	_ =	sdelay $0x1  }
0x3a6: {  	v3 =	vadd.f32 v5, v3;
	_ =	sdelay $0x1  }
0x3a7: {  	v5 =	vmul.f32 $2.000000030e-01, v3  }
0x3a8: {  	vm11 =	vge.f32 v3, $0.0e+00  }
0x3a9: {  	v3 =	vsel vm11, v3, v5  }
0x3aa: {  	v3 =	vsub.f32 $0.0e+00, v3;
	_ =	sdelay $0x1  }
0x3ab: {  	v3 =	vmul.f32 $1.442695020e+00, v3;
	_ =	sdelay $0x1  }
0x3ac: {  	(erf) = vpow2.f32 v3;
	_ =	sdelay $0x2  }
0x3ad: {  	v3 =	vld [tilespmem:s23+$0xC440];
	_ =	sdelay $0x4  }
0x3ae: {  	v5 =	vand.u32 $0xFFFF, v3  }
0x3af: {  	v3 =	vshrl.u32 v3, $0x10;
	v7 =	vpop (erf)  }
0x3b0: {  	[tilespmem:s23+$0xFC40] =	vst v5;
	v4 =	vmul.f32 v7, v4  }
0x3b1: {  	[tilespmem:s23+$0x13430] =	vst v7  }
0x3b2: {  	[tilespmem:s23+$0x16C30] =	vst v4  }
0x3b3: {  	v4 =	vld.idx.msk [tilespmem:v5+s4+$0x0], $0xffff  }
0x3b4: {  	v3 =	vld.idx.msk [tilespmem:v3+s4+$0x0], $0xffff;
	_ =	sdelay $0x4  }
0x3b5: {  	v4 =	vmul.f32 v4, v1;
	v5 =	vmul.f32 v3, v2;
	_ =	sdelay $0x1  }
0x3b6: {  	v4 =	vadd.f32 v5, v4;
	_ =	sdelay $0x1  }
0x3b7: {  	v5 =	vmul.f32 $2.000000030e-01, v4  }
0x3b8: {  	vm12 =	vge.f32 v4, $0.0e+00  }
0x3b9: {  	v4 =	vsel vm12, v4, v5  }
0x3ba: {  	v4 =	vsub.f32 $0.0e+00, v4;
	_ =	sdelay $0x1  }
0x3bb: {  	v4 =	vmul.f32 $1.442695020e+00, v4;
	_ =	sdelay $0x1  }
0x3bc: {  	(erf) = vpow2.f32 v4;
	_ =	sdelay $0x2  }
0x3bd: {  	v58 =	vld [tilespmem:s23+$0xC450];
	_ =	sdelay $0x4  }
0x3be: {  	v4 =	vand.u32 $0xFFFF, v58  }
0x3bf: {  	v5 =	vshrl.u32 v58, $0x10;
	v59 =	vpop (erf)  }
0x3c0: {  	[tilespmem:s23+$0xFC50] =	vst v4;
	v3 =	vmul.f32 v59, v3  }
0x3c1: {  	[tilespmem:s23+$0x13440] =	vst v59  }
0x3c2: {  	[tilespmem:s23+$0x16C40] =	vst v3  }
0x3c3: {  	v3 =	vld.idx.msk [tilespmem:v4+s4+$0x0], $0xffff  }
0x3c4: {  	v4 =	vld.idx.msk [tilespmem:v5+s4+$0x0], $0xffff;
	_ =	sdelay $0x4  }
0x3c5: {  	v3 =	vmul.f32 v3, v1;
	v5 =	vmul.f32 v4, v2;
	_ =	sdelay $0x1  }
0x3c6: {  	v3 =	vadd.f32 v5, v3;
	_ =	sdelay $0x1  }
0x3c7: {  	v5 =	vmul.f32 $2.000000030e-01, v3  }
0x3c8: {  	vm13 =	vge.f32 v3, $0.0e+00  }
0x3c9: {  	v3 =	vsel vm13, v3, v5  }
0x3ca: {  	v3 =	vsub.f32 $0.0e+00, v3;
	_ =	sdelay $0x1  }
0x3cb: {  	v3 =	vmul.f32 $1.442695020e+00, v3;
	_ =	sdelay $0x1  }
0x3cc: {  	(erf) = vpow2.f32 v3;
	_ =	sdelay $0x2  }
0x3cd: {  	v60 =	vld [tilespmem:s23+$0xC460];
	_ =	sdelay $0x4  }
0x3ce: {  	v3 =	vand.u32 $0xFFFF, v60  }
0x3cf: {  	v5 =	vshrl.u32 v60, $0x10;
	v61 =	vpop (erf)  }
0x3d0: {  	[tilespmem:s23+$0xFC60] =	vst v3;
	v4 =	vmul.f32 v61, v4  }
0x3d1: {  	[tilespmem:s23+$0x13450] =	vst v61  }
0x3d2: {  	[tilespmem:s23+$0x16C50] =	vst v4  }
0x3d3: {  	v3 =	vld.idx.msk [tilespmem:v3+s4+$0x0], $0xffff  }
0x3d4: {  	v4 =	vld.idx.msk [tilespmem:v5+s4+$0x0], $0xffff;
	_ =	sdelay $0x4  }
0x3d5: {  	v3 =	vmul.f32 v3, v1;
	v5 =	vmul.f32 v4, v2;
	_ =	sdelay $0x1  }
0x3d6: {  	v3 =	vadd.f32 v5, v3;
	_ =	sdelay $0x1  }
0x3d7: {  	v5 =	vmul.f32 $2.000000030e-01, v3  }
0x3d8: {  	vm14 =	vge.f32 v3, $0.0e+00  }
0x3d9: {  	v3 =	vsel vm14, v3, v5  }
0x3da: {  	v3 =	vsub.f32 $0.0e+00, v3;
	_ =	sdelay $0x1  }
0x3db: {  	v3 =	vmul.f32 $1.442695020e+00, v3;
	_ =	sdelay $0x1  }
0x3dc: {  	(erf) = vpow2.f32 v3;
	_ =	sdelay $0x2  }
0x3dd: {  	v62 =	vld [tilespmem:s23+$0xC470];
	_ =	sdelay $0x4  }
0x3de: {  	v3 =	vand.u32 $0xFFFF, v62  }
0x3df: {  	v5 =	vshrl.u32 v62, $0x10;
	v63 =	vpop (erf)  }
0x3e0: {  	[tilespmem:s23+$0xFC70] =	vst v3;
	v4 =	vmul.f32 v63, v4  }
0x3e1: {  	[tilespmem:s23+$0x13460] =	vst v63  }
0x3e2: {  	[tilespmem:s23+$0x16C60] =	vst v4  }
0x3e3: {  	v4 =	vld.idx.msk [tilespmem:v3+s4+$0x0], $0xffff  }
0x3e4: {  	v3 =	vld.idx.msk [tilespmem:v5+s4+$0x0], $0xffff;
	_ =	sdelay $0x4  }
0x3e5: {  	v4 =	vmul.f32 v4, v1;
	v5 =	vmul.f32 v3, v2;
	_ =	sdelay $0x1  }
0x3e6: {  	v4 =	vadd.f32 v5, v4;
	_ =	sdelay $0x1  }
0x3e7: {  	v5 =	vmul.f32 $2.000000030e-01, v4  }
0x3e8: {  	vm15 =	vge.f32 v4, $0.0e+00  }
0x3e9: {  	v4 =	vsel vm15, v4, v5  }
0x3ea: {  	v4 =	vsub.f32 $0.0e+00, v4;
	_ =	sdelay $0x1  }
0x3eb: {  	v4 =	vmul.f32 $1.442695020e+00, v4;
	_ =	sdelay $0x1  }
0x3ec: {  	(erf) = vpow2.f32 v4;
	_ =	sdelay $0x4  }
0x3ed: {  	s24 =	simm.s32 $0x200  }
0x3ee: {  	s28 =	simm.s32 $0x13400;
	s25 =	simm.s32 $0xFC00;
	s26 =	simm.s32 $0x16C00  }
.LBB2_10:
0x3ef: {  	p0 =	sne.s32 s24, $0x4E00;
	s29 =	smov.u32 s24;
	s24 =	sadd.s32 $0x200, s24  }
0x3f0: {  	_ = 	snop  }
0x3f1: {  	v4 =	vpop (erf)  }
0x3f2: {  	[tilespmem:s23+$0x13470] =	vst v4;
	v3 =	vmul.f32 v4, v3;
	_ =	sdelay $0x1  }
0x3f3: {  	[tilespmem:s23+$0x16C70] =	vst v3  }
0x3f4: {  	[spmem:s2] =	stream.indirect.scatter.add.f32 [tilespmem:s28], [sflag:$0x1], $0x1, s25, s20, $0xb8;
	[tilespmem:$0x1AD80] =	vst v63  }
0x3f5: {  	s23 =	sshra.s32 s29, $0x2  }
0x3f6: {  	[spmem:s3] =	stream.indirect.scatter.add.f32 [tilespmem:s26], [sflag:$0x1], $0x1, s25, s20, $0xb8;
	[tilespmem:$0x1AD80] =	vst v63  }
0x3f7: {  	v3 =	vld [tilespmem:s23+$0xC400];
	_ =	sdelay $0x4  }
0x3f8: {  	v4 =	vand.u32 $0xFFFF, v3;
	v3 =	vshrl.u32 v3, $0x10;
	_ =	sdelay $0x3  }
0x3f9: {  	[tilespmem:s23+$0xFC00] =	vst v4  }
0x3fa: {  	v4 =	vld.idx.msk [tilespmem:v4+s4+$0x0], $0xffff  }
0x3fb: {  	v3 =	vld.idx.msk [tilespmem:v3+s4+$0x0], $0xffff;
	_ =	sdelay $0x4  }
0x3fc: {  	v4 =	vmul.f32 v4, v1  }
0x3fd: {  	v5 =	vmul.f32 v3, v2;
	_ =	sdelay $0x1  }
0x3fe: {  	v4 =	vadd.f32 v5, v4;
	_ =	sdelay $0x1  }
0x3ff: {  	vm0 =	vge.f32 v4, $0.0e+00;
	v5 =	vmul.f32 $2.000000030e-01, v4;
	_ =	sdelay $0x1  }
0x400: {  	v4 =	vsel vm0, v4, v5  }
0x401: {  	v4 =	vsub.f32 $0.0e+00, v4;
	_ =	sdelay $0x1  }
0x402: {  	v4 =	vmul.f32 $1.442695020e+00, v4;
	_ =	sdelay $0x1  }
0x403: {  	(erf) = vpow2.f32 v4;
	_ =	sdelay $0x2  }
0x404: {  	v4 =	vld [tilespmem:s23+$0xC410];
	_ =	sdelay $0x4  }
0x405: {  	v5 =	vand.u32 $0xFFFF, v4;
	v4 =	vshrl.u32 v4, $0x10  }
0x406: {  	v6 =	vpop (erf)  }
0x407: {  	v3 =	vmul.f32 v6, v3;
	[tilespmem:s23+$0xFC10] =	vst v5  }
0x408: {  	[tilespmem:s23+$0x13400] =	vst v6  }
0x409: {  	[tilespmem:s23+$0x16C00] =	vst v3  }
0x40a: {  	v3 =	vld.idx.msk [tilespmem:v5+s4+$0x0], $0xffff  }
0x40b: {  	v4 =	vld.idx.msk [tilespmem:v4+s4+$0x0], $0xffff;
	_ =	sdelay $0x4  }
0x40c: {  	v3 =	vmul.f32 v3, v1  }
0x40d: {  	v5 =	vmul.f32 v4, v2;
	_ =	sdelay $0x1  }
0x40e: {  	v3 =	vadd.f32 v5, v3;
	_ =	sdelay $0x1  }
0x40f: {  	vm0 =	vge.f32 v3, $0.0e+00;
	v5 =	vmul.f32 $2.000000030e-01, v3;
	_ =	sdelay $0x1  }
0x410: {  	v3 =	vsel vm0, v3, v5  }
0x411: {  	v3 =	vsub.f32 $0.0e+00, v3;
	_ =	sdelay $0x1  }
0x412: {  	v3 =	vmul.f32 $1.442695020e+00, v3;
	_ =	sdelay $0x1  }
0x413: {  	(erf) = vpow2.f32 v3;
	_ =	sdelay $0x2  }
0x414: {  	v3 =	vld [tilespmem:s23+$0xC420];
	_ =	sdelay $0x4  }
0x415: {  	v5 =	vand.u32 $0xFFFF, v3;
	v3 =	vshrl.u32 v3, $0x10  }
0x416: {  	v6 =	vpop (erf)  }
0x417: {  	[tilespmem:s23+$0x13410] =	vst v6;
	v4 =	vmul.f32 v6, v4  }
0x418: {  	[tilespmem:s23+$0xFC20] =	vst v5  }
0x419: {  	[tilespmem:s23+$0x16C10] =	vst v4  }
0x41a: {  	v4 =	vld.idx.msk [tilespmem:v5+s4+$0x0], $0xffff  }
0x41b: {  	v3 =	vld.idx.msk [tilespmem:v3+s4+$0x0], $0xffff;
	_ =	sdelay $0x4  }
0x41c: {  	v4 =	vmul.f32 v4, v1  }
0x41d: {  	v5 =	vmul.f32 v3, v2;
	_ =	sdelay $0x1  }
0x41e: {  	v4 =	vadd.f32 v5, v4;
	_ =	sdelay $0x1  }
0x41f: {  	vm0 =	vge.f32 v4, $0.0e+00;
	v5 =	vmul.f32 $2.000000030e-01, v4;
	_ =	sdelay $0x1  }
0x420: {  	v4 =	vsel vm0, v4, v5  }
0x421: {  	v4 =	vsub.f32 $0.0e+00, v4;
	_ =	sdelay $0x1  }
0x422: {  	v4 =	vmul.f32 $1.442695020e+00, v4;
	_ =	sdelay $0x1  }
0x423: {  	(erf) = vpow2.f32 v4;
	_ =	sdelay $0x2  }
0x424: {  	v4 =	vld [tilespmem:s23+$0xC430];
	_ =	sdelay $0x4  }
0x425: {  	v5 =	vand.u32 $0xFFFF, v4;
	v4 =	vshrl.u32 v4, $0x10  }
0x426: {  	v6 =	vpop (erf)  }
0x427: {  	[tilespmem:s23+$0x13420] =	vst v6;
	v3 =	vmul.f32 v6, v3  }
0x428: {  	[tilespmem:s23+$0xFC30] =	vst v5  }
0x429: {  	[tilespmem:s23+$0x16C20] =	vst v3  }
0x42a: {  	v3 =	vld.idx.msk [tilespmem:v5+s4+$0x0], $0xffff  }
0x42b: {  	v4 =	vld.idx.msk [tilespmem:v4+s4+$0x0], $0xffff;
	_ =	sdelay $0x4  }
0x42c: {  	v3 =	vmul.f32 v3, v1  }
0x42d: {  	v5 =	vmul.f32 v4, v2;
	_ =	sdelay $0x1  }
0x42e: {  	v3 =	vadd.f32 v5, v3;
	_ =	sdelay $0x1  }
0x42f: {  	vm0 =	vge.f32 v3, $0.0e+00;
	v5 =	vmul.f32 $2.000000030e-01, v3;
	_ =	sdelay $0x1  }
0x430: {  	v3 =	vsel vm0, v3, v5  }
0x431: {  	v3 =	vsub.f32 $0.0e+00, v3;
	_ =	sdelay $0x1  }
0x432: {  	v3 =	vmul.f32 $1.442695020e+00, v3;
	_ =	sdelay $0x1  }
0x433: {  	(erf) = vpow2.f32 v3;
	_ =	sdelay $0x2  }
0x434: {  	v3 =	vld [tilespmem:s23+$0xC440];
	_ =	sdelay $0x4  }
0x435: {  	v5 =	vand.u32 $0xFFFF, v3;
	v3 =	vshrl.u32 v3, $0x10  }
0x436: {  	v6 =	vld [tilespmem:s23+$0xC450];
	v7 =	vpop (erf)  }
0x437: {  	[tilespmem:s23+$0x13430] =	vst v7;
	v4 =	vmul.f32 v7, v4  }
0x438: {  	[tilespmem:s23+$0xFC40] =	vst v5  }
0x439: {  	[tilespmem:s23+$0x16C30] =	vst v4  }
0x43a: {  	v4 =	vld.idx.msk [tilespmem:v5+s4+$0x0], $0xffff  }
0x43b: {  	v3 =	vld.idx.msk [tilespmem:v3+s4+$0x0], $0xffff;
	v5 =	vand.u32 $0xFFFF, v6  }
0x43c: {  	[tilespmem:s23+$0xFC50] =	vst v5;
	_ =	sdelay $0x3  }
0x43d: {  	v4 =	vmul.f32 v4, v1  }
0x43e: {  	v7 =	vmul.f32 v3, v2;
	_ =	sdelay $0x1  }
0x43f: {  	v4 =	vadd.f32 v7, v4;
	_ =	sdelay $0x1  }
0x440: {  	vm0 =	vge.f32 v4, $0.0e+00;
	v7 =	vmul.f32 $2.000000030e-01, v4;
	_ =	sdelay $0x1  }
0x441: {  	v4 =	vsel vm0, v4, v7  }
0x442: {  	v4 =	vsub.f32 $0.0e+00, v4;
	_ =	sdelay $0x1  }
0x443: {  	v4 =	vmul.f32 $1.442695020e+00, v4;
	_ =	sdelay $0x1  }
0x444: {  	(erf) = vpow2.f32 v4;
	_ =	sdelay $0x7  }
0x445: {  	v4 =	vshrl.u32 v6, $0x10  }
0x446: {  	v6 =	vld [tilespmem:s23+$0xC460];
	v7 =	vpop (erf)  }
0x447: {  	[tilespmem:s23+$0x13440] =	vst v7;
	v3 =	vmul.f32 v7, v3;
	_ =	sdelay $0x1  }
0x448: {  	[tilespmem:s23+$0x16C40] =	vst v3  }
0x449: {  	v3 =	vld.idx.msk [tilespmem:v5+s4+$0x0], $0xffff  }
0x44a: {  	v4 =	vld.idx.msk [tilespmem:v4+s4+$0x0], $0xffff;
	v5 =	vand.u32 $0xFFFF, v6  }
0x44b: {  	[tilespmem:s23+$0xFC60] =	vst v5;
	_ =	sdelay $0x3  }
0x44c: {  	v3 =	vmul.f32 v3, v1  }
0x44d: {  	v7 =	vmul.f32 v4, v2;
	_ =	sdelay $0x1  }
0x44e: {  	v3 =	vadd.f32 v7, v3;
	_ =	sdelay $0x1  }
0x44f: {  	vm0 =	vge.f32 v3, $0.0e+00;
	v7 =	vmul.f32 $2.000000030e-01, v3;
	_ =	sdelay $0x1  }
0x450: {  	v3 =	vsel vm0, v3, v7  }
0x451: {  	v3 =	vsub.f32 $0.0e+00, v3;
	_ =	sdelay $0x1  }
0x452: {  	v3 =	vmul.f32 $1.442695020e+00, v3;
	_ =	sdelay $0x1  }
0x453: {  	(erf) = vpow2.f32 v3;
	_ =	sdelay $0x7  }
0x454: {  	v3 =	vshrl.u32 v6, $0x10  }
0x455: {  	v6 =	vld [tilespmem:s23+$0xC470];
	v7 =	vpop (erf)  }
0x456: {  	[tilespmem:s23+$0x13450] =	vst v7;
	v4 =	vmul.f32 v7, v4;
	_ =	sdelay $0x1  }
0x457: {  	[tilespmem:s23+$0x16C50] =	vst v4  }
0x458: {  	v4 =	vld.idx.msk [tilespmem:v5+s4+$0x0], $0xffff  }
0x459: {  	v3 =	vld.idx.msk [tilespmem:v3+s4+$0x0], $0xffff;
	v5 =	vand.u32 $0xFFFF, v6  }
0x45a: {  	[tilespmem:s23+$0xFC70] =	vst v5;
	_ =	sdelay $0x3  }
0x45b: {  	v4 =	vmul.f32 v4, v1  }
0x45c: {  	v7 =	vmul.f32 v3, v2;
	_ =	sdelay $0x1  }
0x45d: {  	v4 =	vadd.f32 v7, v4;
	_ =	sdelay $0x1  }
0x45e: {  	vm0 =	vge.f32 v4, $0.0e+00;
	v7 =	vmul.f32 $2.000000030e-01, v4;
	_ =	sdelay $0x1  }
0x45f: {  	v4 =	vsel vm0, v4, v7  }
0x460: {  	v4 =	vsub.f32 $0.0e+00, v4;
	_ =	sdelay $0x1  }
0x461: {  	v4 =	vmul.f32 $1.442695020e+00, v4;
	_ =	sdelay $0x1  }
0x462: {  	(erf) = vpow2.f32 v4;
	_ =	sdelay $0x7  }
0x463: {  	v4 =	vshrl.u32 v6, $0x10  }
0x464: {  	v6 =	vpop (erf)  }
0x465: {  	[tilespmem:s23+$0x13460] =	vst v6;
	v3 =	vmul.f32 v6, v3;
	_ =	sdelay $0x1  }
0x466: {  	[tilespmem:s23+$0x16C60] =	vst v3  }
0x467: {  	v5 =	vld.idx.msk [tilespmem:v5+s4+$0x0], $0xffff  }
0x468: {  	v3 =	vld.idx.msk [tilespmem:v4+s4+$0x0], $0xffff;
	_ =	sdelay $0x4  }
0x469: {  	v4 =	vmul.f32 v5, v1  }
0x46a: {  	v5 =	vmul.f32 v3, v2;
	_ =	sdelay $0x1  }
0x46b: {  	v4 =	vadd.f32 v5, v4;
	_ =	sdelay $0x1  }
0x46c: {  	vm0 =	vge.f32 v4, $0.0e+00;
	v5 =	vmul.f32 $2.000000030e-01, v4;
	_ =	sdelay $0x1  }
0x46d: {  	v4 =	vsel vm0, v4, v5  }
0x46e: {  	v4 =	vsub.f32 $0.0e+00, v4;
	_ =	sdelay $0x1  }
0x46f: {  	v4 =	vmul.f32 $1.442695020e+00, v4;
	_ =	sdelay $0x1  }
0x470: {  	(erf) = vpow2.f32 v4;
	_ =	sdelay $0x1  }
.Ltmp4:
0x471: {  	(pc) =	sbr.rel @p0 .LBB2_10-.Ltmp4, $3  }
0x472: {  	_ = 	snop  }
0x473: {  	s28 =	sadd.s32 $0x13400, s23;
	s25 =	sadd.s32 $0xFC00, s23;
	_ =	sdelay $0x1  }
0x474: {  	s26 =	sadd.s32 $0x16C00, s23  }
0x475: {  	_ =	sdelay $0x1  }
0x476: {  	v1 =	vpop (erf)  }
0x477: {  	v2 =	vmul.f32 v1, v3  }
0x478: {  	[tilespmem:s23+$0x13470] =	vst v1  }
0x479: {  	[tilespmem:s23+$0x16C70] =	vst v2  }
0x47a: {  	[spmem:s2] =	stream.indirect.scatter.add.f32 [tilespmem:s28], [sflag:$0x1], $0x1, s25, s20, $0xb8;
	[tilespmem:$0x1AD80] =	vst v63  }
0x47b: {  	_ = 	snop  }
0x47c: {  	[spmem:s3] =	stream.indirect.scatter.add.f32 [tilespmem:s26], [sflag:$0x1], $0x1, s25, s20, $0xb8;
	[tilespmem:$0x1AD80] =	vst v63  }
0x47d: {  	_ =	swait.ge [sflag:s21], $0x1C00  }
0x47e: {  	[sflag:s21] =	ssyncset.done $0x0  }
0x47f: {  	[sflag:s21] =	ssyncadd.s32 $0xFFFFE400  }
0x480: {  	_ =	swait.ge [sflag:s21], $0x1C00  }
0x481: {  	[sflag:s21] =	ssyncset.done $0x0  }
0x482: {  	[sflag:s21] =	ssyncadd.s32 $0xFFFFE400  }
0x483: {  	_ =	swait.ge [sflag:s21], $0x1400  }
0x484: {  	[sflag:s21] =	ssyncset.done $0x0  }
0x485: {  	[sflag:s21] =	ssyncadd.s32 $0xFFFFEC00  }
0x486: {  	_ =	swait.ge [sflag:s21], $0x1400  }
0x487: {  	[sflag:s21] =	ssyncset.done $0x0  }
0x488: {  	[sflag:s21] =	ssyncadd.s32 $0xFFFFEC00  }
0x489: {  	[bflag:$0x0] =	sbarrier.arrive $0xFFFF  }
0x48a: {  	[tilespmem:s18], [sflag:$0x2] =	stream.linear.gather [spmem:s7], $0xC40, $0x38;
	[tilespmem:$0x1AD80] =	vst v63  }
0x48b: {  	_ =	swait.ge [sflag:s16], $0xC40  }
0x48c: {  	[sflag:s16] =	ssyncset.done $0x0  }
0x48d: {  	[sflag:s16] =	ssyncadd.s32 $0xFFFFF3C0  }
0x48e: {  	[hbm4b:s13+s4] =	stream.linear.scatter [tilespmem:s18], [sflag:$0x2], $0xC40, $0x38;
	[tilespmem:$0x1AD80] =	vst v63  }
0x48f: {  	_ =	swait.ge [sflag:s16], $0xC40  }
0x490: {  	[sflag:s16] =	ssyncset.done $0x0  }
0x491: {  	[sflag:s16] =	ssyncadd.s32 $0xFFFFF3C0  }
0x492: {  	[tilespmem:s18], [sflag:$0x2] =	stream.linear.gather [spmem:s8], $0xC40, $0x38;
	[tilespmem:$0x1AD80] =	vst v63  }
0x493: {  	s22 =	sadd.s32 $0x1, s22;
	_ =	swait.ge [sflag:s16], $0xC40  }
0x494: {  	p0 =	sne.s32 s22, s15;
	[sflag:s16] =	ssyncset.done $0x0  }
.Ltmp5:
0x495: {  	[sflag:s16] =	ssyncadd.s32 $0xFFFFF3C0;
	(pc) =	sbr.rel @p0 .LBB2_1-.Ltmp5, $4  }
0x496: {  	[hbm4b:s14+s4] =	stream.linear.scatter [tilespmem:s18], [sflag:$0x2], $0xC40, $0x38;
	[tilespmem:$0x1AD80] =	vst v63  }
0x497: {  	_ =	swait.ge [sflag:s16], $0xC40  }
0x498: {  	[sflag:s16] =	ssyncset.done $0x0  }
0x499: {  	[sflag:s16] =	ssyncadd.s32 $0xFFFFF3C0  }
0x49a: {  	_ =	sfence.sel $0x180000  }
0x49b: {  	[bflag:$0x0] =	sbarrier.arrive $0xFFFF  }
0x49c: {  	p0 =	sne.s32 s0, $0x0;
	_ =	strace $0x90000047  }
0x49d: {  	s0 =	sadd.s32 @!p0 $0x100000, s1;
	[bflag:$0x2] =	sbarrier.arrive $0xFFFF  }
0x49e: {  	[sflag:s0] =	ssyncadd.tile.s32 @!p0 $0x1;
	_ =	shalt  }
.Lfunc_end2:
_tile_overlayer_lowered:
.L_overlay_start_2:
0x49f: {  	(tag) =	ssettag $0x2  }
0x4a0: {  	s0 =	rddreg [dreg:$0x0];
	s2 =	stileid.u32  }
0x4a1: {  	s1 =	rddreg [dreg:$0x1];
	p0 =	sne.s32 s2, $0x0  }
0x4a2: {  	s3 =	rddreg [dreg:$0x2];
	[bflag:$0x3] =	sbarrier.arrive $0xFFFF;
	s2 =	simm.s32 @!p0 $0x1C02  }
0x4a3: {  	[timem:s3], [sflag:s2] =	dma.local @!p0 [hbm:s0], s1  }
0x4a4: {  	s0 =	simm.s32 @!p0 $0x2  }
0x4a5: {  	_ =	swait.ge @!p0 [sflag:s0], s1  }
0x4a6: {  	s1 =	ssub.s32 @!p0 $0x0, s1;
	[sflag:s0] =	ssyncset.done @!p0 $0x0  }
0x4a7: {  	[sflag:s0] =	ssyncadd.s32 @!p0 s1  }
0x4a8: {  	[bflag:$0x3] =	sbarrier.arrive $0xFFFF  }
0x4a9: {  	_ =	shalt  }

</sc_bundles>
